<compile_context>
chip_gen: v7x
topology: tpu7x:2x2x1
jax: 0.10.2.dev20260603
libtpu: 0.0.44.dev20260713+nightly
codegen_flags: <defaults>
</compile_context>

<pallas_src>
import functools

import jax
import jax.numpy as jnp
from jax import lax
from jax.experimental import pallas as pl
from jax.experimental.pallas import tpu as pltpu
from jax.experimental.pallas import tpu_sc as plsc

N = 10000
NP = 10240
E = 320000
CHUNK = 128
K_AGG = 160
K_DEG = 80
EPAD = 16 * K_AGG * CHUNK
TILE_ROWS = NP // 16
R = 1024
GRID = NP // R

_mesh = plsc.VectorSubcoreMesh(core_axis_name="c", subcore_axis_name="s")


@functools.partial(
    pl.kernel,
    out_type=jax.ShapeDtypeStruct((2, NP, 8), jnp.float32),
    mesh=_mesh,
    scratch_types=[
        pltpu.VMEM((K_DEG, CHUNK), jnp.int32),
        pltpu.VMEM((CHUNK, 8), jnp.float32),
        pltpu.VMEM_SHARED((NP, 8), jnp.float32),
        pltpu.SemaphoreType.DMA,
    ],
)
def _sc_deg(dst_hbm, ones_hbm, zeros_hbm, out_hbm, dbuf, ones_v, acc, sem):
    c = lax.axis_index("c")
    s = lax.axis_index("s")
    w = c * 16 + s
    pltpu.sync_copy(dst_hbm.at[w], dbuf)
    pltpu.sync_copy(ones_hbm, ones_v)
    r0 = s * TILE_ROWS
    pltpu.sync_copy(zeros_hbm.at[pl.ds(r0, TILE_ROWS)], acc.at[pl.ds(r0, TILE_ROWS)])
    plsc.subcore_barrier()

    def body(j, carry):
        pltpu.async_copy(ones_v, acc.at[dbuf.at[j]], sem, add=True).wait()
        return carry

    lax.fori_loop(0, K_DEG, body, 0)
    plsc.subcore_barrier()
    pltpu.sync_copy(acc.at[pl.ds(r0, TILE_ROWS)], out_hbm.at[c, pl.ds(r0, TILE_ROWS)])


GROUP = 40


def _start(src, dst, sem):
    pltpu.async_copy(src, dst, sem)


def _mk_agg(K, two_plane):
    nslices = 16 if two_plane else 32
    npairs = GROUP // 2

    @functools.partial(
        pl.kernel,
        out_type=jax.ShapeDtypeStruct((2, NP, 128), jnp.float32),
        mesh=_mesh,
        scratch_types=[
            pltpu.VMEM((GROUP, CHUNK), jnp.int32),
            pltpu.VMEM((GROUP, CHUNK), jnp.int32),
            pltpu.VMEM((CHUNK, 128), jnp.float32),
            pltpu.VMEM((CHUNK, 128), jnp.float32),
            pltpu.VMEM_SHARED((NP, 128), jnp.float32),
            pltpu.SemaphoreType.DMA,
            pltpu.SemaphoreType.DMA,
            pltpu.SemaphoreType.DMA,
            pltpu.SemaphoreType.DMA,
        ],
    )
    def _agg(tab_hbm, src_hbm, dst_hbm, zeros_hbm, out_hbm,
             sidx, didx, rb0, rb1, acc, sg0, sg1, ss0, ss1):
        c = lax.axis_index("c")
        s = lax.axis_index("s")
        w = s if two_plane else c * 16 + s
        r0 = s * TILE_ROWS
        pltpu.sync_copy(zeros_hbm.at[pl.ds(r0, TILE_ROWS)],
                        acc.at[pl.ds(r0, TILE_ROWS)])
        plsc.subcore_barrier()

        def run(tab):
            def outer(o, carry):
                pltpu.sync_copy(src_hbm.at[w, pl.ds(o * GROUP, GROUP)], sidx)
                pltpu.sync_copy(dst_hbm.at[w, pl.ds(o * GROUP, GROUP)], didx)
                _start(tab.at[sidx.at[0]], rb0, sg0)

                def pair(t, carry2):
                    j = 2 * t
                    pltpu.make_async_copy(tab.at[sidx.at[j]], rb0, sg0).wait()
                    h_s0 = pltpu.async_copy(rb0, acc.at[didx.at[j]], ss0, add=True)
                    h_g1 = pltpu.async_copy(tab.at[sidx.at[j + 1]], rb1, sg1)
                    h_g1.wait()
                    h_s1 = pltpu.async_copy(rb1, acc.at[didx.at[j + 1]], ss1, add=True)
                    h_s0.wait()
                    pl.when(t < npairs - 1)(
                        lambda: _start(tab.at[sidx.at[j + 2]], rb0, sg0))
                    h_s1.wait()
                    return carry2

                lax.fori_loop(0, npairs, pair, 0)
                return carry

            lax.fori_loop(0, K // GROUP, outer, 0)

        if two_plane:
            pl.when(c == 0)(lambda: run(tab_hbm.at[0]))
            pl.when(c == 1)(lambda: run(tab_hbm.at[1]))
        else:
            run(tab_hbm)
        plsc.subcore_barrier()
        pltpu.sync_copy(acc.at[pl.ds(r0, TILE_ROWS)],
                        out_hbm.at[c, pl.ds(r0, TILE_ROWS)])

    return _agg


_sc_agg128 = _mk_agg(K_AGG, True)
_sc_agg_split = _mk_agg(K_DEG, False)


def _dinv(degp_ref):
    return lax.rsqrt(degp_ref[0, :, 0:1] + degp_ref[1, :, 0:1] + 1.0)


def _tc0_body(degp, xp, sc0):
    dv = _dinv(degp)
    sc0[...] = xp[...] * dv


def _tc1_body(degp, agg0, sc0, W0, b0, W1, h1, sc1):
    dv = _dinv(degp)
    t = (agg0[0] + agg0[1] + sc0[...]) * dv
    h = jnp.maximum(
        jnp.dot(t, W0[...], preferred_element_type=jnp.float32) + b0[...], 0.0)
    h1[...] = h
    s = jnp.dot(h, W1[...], preferred_element_type=jnp.float32) * dv
    sc1[0] = s[:, :128]
    sc1[1] = s[:, 128:]


def _tc_mid_body(degp, agg, sc, b_prev, W_next, m_prev, m_out, sc_next):
    dv = _dinv(degp)
    t = jnp.concatenate([agg[0] + sc[0], agg[1] + sc[1]], axis=1) * dv
    h = jnp.maximum(t + b_prev[...], 0.0)
    m = jnp.maximum(m_prev[...], h)
    m_out[...] = m
    s = jnp.dot(h, W_next[...], preferred_element_type=jnp.float32) * dv
    sc_next[0] = s[:, :128]
    sc_next[1] = s[:, 128:]


def _tc_last_body(degp, agg, sc, b3, m_prev, Wl, bl, out):
    dv = _dinv(degp)
    t = jnp.concatenate([agg[0] + sc[0], agg[1] + sc[1]], axis=1) * dv
    h = jnp.maximum(t + b3[...], 0.0)
    m = jnp.maximum(m_prev[...], h)
    out[...] = jnp.dot(m, Wl[...], preferred_element_type=jnp.float32) + bl[...]


def _rows3(width):
    return pl.BlockSpec((2, R, width), lambda i: (0, i, 0))


def _rows2(width):
    return pl.BlockSpec((R, width), lambda i: (i, 0))


def _full(shape):
    nd = len(shape)
    return pl.BlockSpec(shape, lambda i, _nd=nd: (0,) * _nd)


def _f32(shape):
    return jax.ShapeDtypeStruct(shape, jnp.float32)


_tc0 = pl.pallas_call(
    _tc0_body, grid=(GRID,),
    in_specs=[_rows3(8), _rows2(128)],
    out_specs=_rows2(128),
    out_shape=_f32((NP, 128)),
)

_tc1 = pl.pallas_call(
    _tc1_body, grid=(GRID,),
    in_specs=[_rows3(8), _rows3(128), _rows2(128),
              _full((128, 256)), _full((1, 256)), _full((256, 256))],
    out_specs=[_rows2(256), _rows3(128)],
    out_shape=[_f32((NP, 256)), _f32((2, NP, 128))],
)

_tc_mid = pl.pallas_call(
    _tc_mid_body, grid=(GRID,),
    in_specs=[_rows3(8), _rows3(128), _rows3(128),
              _full((1, 256)), _full((256, 256)), _rows2(256)],
    out_specs=[_rows2(256), _rows3(128)],
    out_shape=[_f32((NP, 256)), _f32((2, NP, 128))],
)

_tc_last = pl.pallas_call(
    _tc_last_body, grid=(GRID,),
    in_specs=[_rows3(8), _rows3(128), _rows3(128),
              _full((1, 256)), _rows2(256), _full((256, 40)), _full((1, 40))],
    out_specs=_rows2(40),
    out_shape=_f32((NP, 40)),
)


def kernel(x, edge_index, W0, b0, W1, b1, W2, b2, W3, b3, W_last, b_last):
    src = edge_index[0]
    dst = edge_index[1]
    pad = EPAD - E
    src_p = jnp.concatenate([src, jnp.zeros((pad,), jnp.int32)])
    dst_p = jnp.concatenate([dst, jnp.full((pad,), N, jnp.int32)])
    src_r = src_p.reshape(16, K_AGG, CHUNK)
    dst_r = dst_p.reshape(16, K_AGG, CHUNK)
    src_32 = src_p.reshape(32, K_DEG, CHUNK)
    dst_32 = dst_p.reshape(32, K_DEG, CHUNK)
    xp = jnp.pad(x, ((0, NP - N), (0, 0)))
    ones8 = jnp.ones((CHUNK, 8), jnp.float32)
    z8 = jnp.zeros((NP, 8), jnp.float32)
    z128 = jnp.zeros((NP, 128), jnp.float32)
    b0r = b0.reshape(1, 256)
    b1r = b1.reshape(1, 256)
    b2r = b2.reshape(1, 256)
    b3r = b3.reshape(1, 256)
    blr = b_last.reshape(1, 40)

    degp = _sc_deg(dst_32, ones8, z8)
    sc0 = _tc0(degp, xp)
    agg0 = _sc_agg_split(sc0, src_32, dst_32, z128)
    h1, sc1 = _tc1(degp, agg0, sc0, W0, b0r, W1)
    agg1 = _sc_agg128(sc1, src_r, dst_r, z128)
    m2, sc2 = _tc_mid(degp, agg1, sc1, b1r, W2, h1)
    agg2 = _sc_agg128(sc2, src_r, dst_r, z128)
    m3, sc3 = _tc_mid(degp, agg2, sc2, b2r, W3, m2)
    agg3 = _sc_agg128(sc3, src_r, dst_r, z128)
    out = _tc_last(degp, agg3, sc3, b3r, m3, W_last, blr)
    return out[:N]

# --- scband reference (transcript-rebuilt; emitter-appended) ---
"""Pipeline reference for scband-jknet-maxpool-53403623358851 (READ-ONLY COPY).

The authoritative reference and input builder live on the scoring server;
editing this copy changes nothing except your own understanding.
"""

import jax, jax.numpy as jnp
import numpy as np

N = 10000
E = 320000
F_IN = 128
H = 256
C = 40
L = 4


def setup_inputs(seed: int = 0) -> dict:
    key = jax.random.key(seed)
    ks = jax.random.split(key, 16)
    x = jax.random.normal(ks[0], (N, F_IN), dtype=jnp.float32)
    edge_index = jax.random.randint(ks[1], (2, E), 0, N, dtype=jnp.int32)
    # GCN layer params: layer 0 maps F_IN->H, layers 1..3 map H->H
    W0 = jax.random.normal(ks[2], (F_IN, H), dtype=jnp.float32) * 0.05
    b0 = jnp.zeros((H,), dtype=jnp.float32)
    W1 = jax.random.normal(ks[3], (H, H), dtype=jnp.float32) * 0.05
    b1 = jnp.zeros((H,), dtype=jnp.float32)
    W2 = jax.random.normal(ks[4], (H, H), dtype=jnp.float32) * 0.05
    b2 = jnp.zeros((H,), dtype=jnp.float32)
    W3 = jax.random.normal(ks[5], (H, H), dtype=jnp.float32) * 0.05
    b3 = jnp.zeros((H,), dtype=jnp.float32)
    W_last = jax.random.normal(ks[6], (H, C), dtype=jnp.float32) * 0.05
    b_last = jnp.zeros((C,), dtype=jnp.float32)
    return {"x": x, "edge_index": edge_index, "W0": W0, "b0": b0, "W1": W1,
            "b1": b1, "W2": W2, "b2": b2, "W3": W3, "b3": b3,
            "W_last": W_last, "b_last": b_last}


def _gcn_norm(edge_index, n):
    # GCNConv normalization with self-loops (fill value 1):
    # deg[v] = sum of edge weights into v (incl. self loop), norm = d^-1/2[src]*d^-1/2[dst]
    src, dst = edge_index[0], edge_index[1]
    loops = jnp.arange(n, dtype=src.dtype)
    src2 = jnp.concatenate([src, loops])
    dst2 = jnp.concatenate([dst, loops])
    w = jnp.ones(src2.shape[0], dtype=jnp.float32)
    deg = jax.ops.segment_sum(w, dst2, num_segments=n)
    dinv = jnp.where(deg > 0, deg ** -0.5, 0.0)
    norm = dinv[src2] * dinv[dst2]
    return src2, dst2, norm


def _gcn_conv(h, W, b, src2, dst2, norm, n):
    hW = h @ W
    msg = hW[src2] * norm[:, None]
    out = jax.ops.segment_sum(msg, dst2, num_segments=n)
    return out + b


def reference(x, edge_index, W0, b0, W1, b1, W2, b2, W3, b3, W_last, b_last):
    n = x.shape[0]
    src2, dst2, norm = _gcn_norm(edge_index, n)
    layer_outputs = []
    h = x
    for (W, b) in ((W0, b0), (W1, b1), (W2, b2), (W3, b3)):
        h = _gcn_conv(h, W, b, src2, dst2, norm, n)
        h = jax.nn.relu(h)
        # dropout p=0.6 is identity in eval mode
        layer_outputs.append(h)
    hs = jnp.stack(layer_outputs, axis=0)
    hmax = jnp.max(hs, axis=0)
    return hmax @ W_last + b_last

if __name__ == "__main__":
    import jax
    _d = setup_inputs()
    print(jax.jit(kernel)(*tuple(_d.values())))

</pallas_src>

<mosaic_0001>
#map = affine_map<(d0, d1) -> (0, 0)>
#map1 = affine_map<(d0, d1) -> (0, 0, 0)>
module attributes {stable_mosaic.version = 14 : i64} {
  func.func @_agg(%arg0: i32, %arg1: i32, %arg2: memref<10240x128xf32, #tpu.memory_space<hbm>>, %arg3: memref<32x80x128xi32, #tpu.memory_space<hbm>>, %arg4: memref<32x80x128xi32, #tpu.memory_space<hbm>>, %arg5: memref<10240x128xf32, #tpu.memory_space<hbm>>, %arg6: memref<2x10240x128xf32, #tpu.memory_space<hbm>>, %arg7: memref<40x128xi32, #tpu.memory_space<vmem>>, %arg8: memref<40x128xi32, #tpu.memory_space<vmem>>, %arg9: memref<128x128xf32, #tpu.memory_space<vmem>>, %arg10: memref<128x128xf32, #tpu.memory_space<vmem>>, %arg11: memref<10240x128xf32, #tpu.memory_space<vmem_shared>>, %arg12: memref<!tpu.dma_semaphore, #tpu.memory_space<semaphore_mem>>, %arg13: memref<!tpu.dma_semaphore, #tpu.memory_space<semaphore_mem>>, %arg14: memref<!tpu.dma_semaphore, #tpu.memory_space<semaphore_mem>>, %arg15: memref<!tpu.dma_semaphore, #tpu.memory_space<semaphore_mem>>) attributes {dimension_semantics = [#tpu.dimension_semantics<core_parallel>, #tpu.dimension_semantics<subcore_parallel>], iteration_bounds = array<i64: 2, 16>, scalar_prefetch = 0 : i64, scratch_operands = 9 : i64, tpu.core_type = #tpu.core_type<sc_vector_subcore>, window_params = [{transform_indices = #map}, {transform_indices = #map1}, {transform_indices = #map1}, {transform_indices = #map}, {transform_indices = #map1}]} {
    %mul3A = arith.constant 16 : i32
    %mul3A_0 = arith.muli %arg0, %mul3A : i32
    %add3A = arith.addi %mul3A_0, %arg1 : i32
    %mul3A_1 = arith.constant 640 : i32
    %mul3A_2 = arith.muli %arg1, %mul3A_1 : i32
    "tpu.region"() ({
      %run_scoped3A = tpu.sem_alloc : memref<!tpu.dma_semaphore, #tpu.memory_space<semaphore_mem>>
      %dma_start3A = arith.constant 0 : i32
      %dma_start3A_9 = tpu.memref_slice %arg11[%mul3A_2, %dma_start3A] : memref<10240x128xf32, #tpu.memory_space<vmem_shared>> -> memref<640x128xf32, #tpu.memory_space<vmem_shared>>
      %dma_start3A_10 = arith.constant 0 : i32
      %dma_start3A_11 = tpu.memref_slice %arg5[%mul3A_2, %dma_start3A_10] : memref<10240x128xf32, #tpu.memory_space<hbm>> -> memref<640x128xf32, #tpu.memory_space<hbm>>
      tpu.enqueue_dma source(%dma_start3A_11 : memref<640x128xf32, #tpu.memory_space<hbm>>) target(%dma_start3A_9 : memref<640x128xf32, #tpu.memory_space<vmem_shared>>) target_semaphore(%run_scoped3A : memref<!tpu.dma_semaphore, #tpu.memory_space<semaphore_mem>>)
      %dma_wait3A = arith.constant 0 : i32
      %dma_wait3A_12 = tpu.memref_slice %arg11[%mul3A_2, %dma_wait3A] : memref<10240x128xf32, #tpu.memory_space<vmem_shared>> -> memref<640x128xf32, #tpu.memory_space<vmem_shared>>
      %dma_wait3A_13 = arith.constant 0 : i32
      %dma_wait3A_14 = tpu.memref_slice %arg5[%mul3A_2, %dma_wait3A_13] : memref<10240x128xf32, #tpu.memory_space<hbm>> -> memref<640x128xf32, #tpu.memory_space<hbm>>
      tpu.wait_dma2 semaphore(%run_scoped3A : memref<!tpu.dma_semaphore, #tpu.memory_space<semaphore_mem>>) src(%dma_wait3A_14 : memref<640x128xf32, #tpu.memory_space<hbm>>) dst(%dma_wait3A_12 : memref<640x128xf32, #tpu.memory_space<vmem_shared>>)
      tpu.yield
    }) : () -> ()
    %barrier3A = arith.constant 0 : index
    tpu.barrier barrier_id(%barrier3A)
    %scan3A = arith.constant 0 : i32
    %scan3A_3 = arith.constant 0 : i32
    %scan3A_4 = arith.constant 2 : i32
    %scan3A_5 = arith.addi %scan3A_3, %scan3A_4 : i32
    %scan3A_6 = arith.constant 1 : i32
    scf.for %scan3A_9 = %scan3A_3 to %scan3A_5 step %scan3A_6  : i32 {
      %mul3A_10 = arith.constant 40 : i32
      %mul3A_11 = arith.muli %scan3A_9, %mul3A_10 : i32
      "tpu.region"() ({
        %run_scoped3A = tpu.sem_alloc : memref<!tpu.dma_semaphore, #tpu.memory_space<semaphore_mem>>
        %dma_start3A_26 = arith.constant 0 : i32
        %dma_start3A_27 = tpu.memref_slice %arg3[%add3A, %mul3A_11, %dma_start3A_26] : memref<32x80x128xi32, #tpu.memory_space<hbm>> -> memref<1x40x128xi32, #tpu.memory_space<hbm>>
        %dma_start3A_28 = tpu.memref_squeeze %dma_start3A_27 : memref<1x40x128xi32, #tpu.memory_space<hbm>> -> memref<40x128xi32, #tpu.memory_space<hbm>>
        %dma_start3A_29 = arith.constant 0 : i32
        %dma_start3A_30 = tpu.memref_slice %arg3[%add3A, %mul3A_11, %dma_start3A_29] : memref<32x80x128xi32, #tpu.memory_space<hbm>> -> memref<1x40x128xi32, #tpu.memory_space<hbm>>
        %dma_start3A_31 = tpu.memref_squeeze %dma_start3A_30 : memref<1x40x128xi32, #tpu.memory_space<hbm>> -> memref<40x128xi32, #tpu.memory_space<hbm>>
        tpu.enqueue_dma source(%dma_start3A_31 : memref<40x128xi32, #tpu.memory_space<hbm>>) target(%arg7 : memref<40x128xi32, #tpu.memory_space<vmem>>) target_semaphore(%run_scoped3A : memref<!tpu.dma_semaphore, #tpu.memory_space<semaphore_mem>>)
        %dma_wait3A = arith.constant 0 : i32
        %dma_wait3A_32 = tpu.memref_slice %arg3[%add3A, %mul3A_11, %dma_wait3A] : memref<32x80x128xi32, #tpu.memory_space<hbm>> -> memref<1x40x128xi32, #tpu.memory_space<hbm>>
        %dma_wait3A_33 = tpu.memref_squeeze %dma_wait3A_32 : memref<1x40x128xi32, #tpu.memory_space<hbm>> -> memref<40x128xi32, #tpu.memory_space<hbm>>
        %dma_wait3A_34 = arith.constant 0 : i32
        %dma_wait3A_35 = tpu.memref_slice %arg3[%add3A, %mul3A_11, %dma_wait3A_34] : memref<32x80x128xi32, #tpu.memory_space<hbm>> -> memref<1x40x128xi32, #tpu.memory_space<hbm>>
        %dma_wait3A_36 = tpu.memref_squeeze %dma_wait3A_35 : memref<1x40x128xi32, #tpu.memory_space<hbm>> -> memref<40x128xi32, #tpu.memory_space<hbm>>
        tpu.wait_dma2 semaphore(%run_scoped3A : memref<!tpu.dma_semaphore, #tpu.memory_space<semaphore_mem>>) src(%dma_wait3A_36 : memref<40x128xi32, #tpu.memory_space<hbm>>) dst(%arg7 : memref<40x128xi32, #tpu.memory_space<vmem>>)
        tpu.yield
      }) : () -> ()
      %mul3A_12 = arith.constant 40 : i32
      %mul3A_13 = arith.muli %scan3A_9, %mul3A_12 : i32
      "tpu.region"() ({
        %run_scoped3A = tpu.sem_alloc : memref<!tpu.dma_semaphore, #tpu.memory_space<semaphore_mem>>
        %dma_start3A_26 = arith.constant 0 : i32
        %dma_start3A_27 = tpu.memref_slice %arg4[%add3A, %mul3A_13, %dma_start3A_26] : memref<32x80x128xi32, #tpu.memory_space<hbm>> -> memref<1x40x128xi32, #tpu.memory_space<hbm>>
        %dma_start3A_28 = tpu.memref_squeeze %dma_start3A_27 : memref<1x40x128xi32, #tpu.memory_space<hbm>> -> memref<40x128xi32, #tpu.memory_space<hbm>>
        %dma_start3A_29 = arith.constant 0 : i32
        %dma_start3A_30 = tpu.memref_slice %arg4[%add3A, %mul3A_13, %dma_start3A_29] : memref<32x80x128xi32, #tpu.memory_space<hbm>> -> memref<1x40x128xi32, #tpu.memory_space<hbm>>
        %dma_start3A_31 = tpu.memref_squeeze %dma_start3A_30 : memref<1x40x128xi32, #tpu.memory_space<hbm>> -> memref<40x128xi32, #tpu.memory_space<hbm>>
        tpu.enqueue_dma source(%dma_start3A_31 : memref<40x128xi32, #tpu.memory_space<hbm>>) target(%arg8 : memref<40x128xi32, #tpu.memory_space<vmem>>) target_semaphore(%run_scoped3A : memref<!tpu.dma_semaphore, #tpu.memory_space<semaphore_mem>>)
        %dma_wait3A = arith.constant 0 : i32
        %dma_wait3A_32 = tpu.memref_slice %arg4[%add3A, %mul3A_13, %dma_wait3A] : memref<32x80x128xi32, #tpu.memory_space<hbm>> -> memref<1x40x128xi32, #tpu.memory_space<hbm>>
        %dma_wait3A_33 = tpu.memref_squeeze %dma_wait3A_32 : memref<1x40x128xi32, #tpu.memory_space<hbm>> -> memref<40x128xi32, #tpu.memory_space<hbm>>
        %dma_wait3A_34 = arith.constant 0 : i32
        %dma_wait3A_35 = tpu.memref_slice %arg4[%add3A, %mul3A_13, %dma_wait3A_34] : memref<32x80x128xi32, #tpu.memory_space<hbm>> -> memref<1x40x128xi32, #tpu.memory_space<hbm>>
        %dma_wait3A_36 = tpu.memref_squeeze %dma_wait3A_35 : memref<1x40x128xi32, #tpu.memory_space<hbm>> -> memref<40x128xi32, #tpu.memory_space<hbm>>
        tpu.wait_dma2 semaphore(%run_scoped3A : memref<!tpu.dma_semaphore, #tpu.memory_space<semaphore_mem>>) src(%dma_wait3A_36 : memref<40x128xi32, #tpu.memory_space<hbm>>) dst(%arg8 : memref<40x128xi32, #tpu.memory_space<vmem>>)
        tpu.yield
      }) : () -> ()
      %dma_start3A = arith.constant 0 : i32
      %dma_start3A_14 = arith.constant 0 : i32
      %dma_start3A_15 = tpu.memref_slice %arg7[%dma_start3A, %dma_start3A_14] : memref<40x128xi32, #tpu.memory_space<vmem>> -> memref<1x128xi32, #tpu.memory_space<vmem>>
      %dma_start3A_16 = tpu.memref_squeeze %dma_start3A_15 : memref<1x128xi32, #tpu.memory_space<vmem>> -> memref<128xi32, #tpu.memory_space<vmem>>
      %dma_start3A_17 = arith.constant 0 : i32
      %dma_start3A_18 = arith.constant 0 : i32
      %dma_start3A_19 = tpu.memref_slice %arg2[%dma_start3A_17, %dma_start3A_18] : memref<10240x128xf32, #tpu.memory_space<hbm>> -> memref<10240x128xf32, #tpu.memory_space<hbm>>
      tpu.enqueue_indirect_dma source(%dma_start3A_19 : memref<10240x128xf32, #tpu.memory_space<hbm>>) target(%arg9 : memref<128x128xf32, #tpu.memory_space<vmem>>) offsets(%dma_start3A_16 : memref<128xi32, #tpu.memory_space<vmem>>) semaphore(%arg12 : memref<!tpu.dma_semaphore, #tpu.memory_space<semaphore_mem>>)
      %scan3A_20 = arith.constant 0 : i32
      %scan3A_21 = arith.constant 0 : i32
      %scan3A_22 = arith.constant 20 : i32
      %scan3A_23 = arith.addi %scan3A_21, %scan3A_22 : i32
      %scan3A_24 = arith.constant 1 : i32
      scf.for %scan3A_26 = %scan3A_21 to %scan3A_23 step %scan3A_24  : i32 {
        %mul3A_27 = arith.constant 2 : i32
        %mul3A_28 = arith.muli %mul3A_27, %scan3A_26 : i32
        %dma_wait3A = arith.constant 0 : i32
        %dma_wait3A_29 = tpu.memref_slice %arg7[%mul3A_28, %dma_wait3A] : memref<40x128xi32, #tpu.memory_space<vmem>> -> memref<1x128xi32, #tpu.memory_space<vmem>>
        %dma_wait3A_30 = tpu.memref_squeeze %dma_wait3A_29 : memref<1x128xi32, #tpu.memory_space<vmem>> -> memref<128xi32, #tpu.memory_space<vmem>>
        %dma_wait3A_31 = arith.constant 0 : i32
        %dma_wait3A_32 = arith.constant 0 : i32
        %dma_wait3A_33 = tpu.memref_slice %arg2[%dma_wait3A_31, %dma_wait3A_32] : memref<10240x128xf32, #tpu.memory_space<hbm>> -> memref<10240x128xf32, #tpu.memory_space<hbm>>
        tpu.wait_indirect_dma semaphore(%arg12 : memref<!tpu.dma_semaphore, #tpu.memory_space<semaphore_mem>>) src(%dma_wait3A_33 : memref<10240x128xf32, #tpu.memory_space<hbm>>) dst(%arg9 : memref<128x128xf32, #tpu.memory_space<vmem>>)
        %dma_start3A_34 = arith.constant 0 : i32
        %dma_start3A_35 = tpu.memref_slice %arg8[%mul3A_28, %dma_start3A_34] : memref<40x128xi32, #tpu.memory_space<vmem>> -> memref<1x128xi32, #tpu.memory_space<vmem>>
        %dma_start3A_36 = tpu.memref_squeeze %dma_start3A_35 : memref<1x128xi32, #tpu.memory_space<vmem>> -> memref<128xi32, #tpu.memory_space<vmem>>
        %dma_start3A_37 = arith.constant 0 : i32
        %dma_start3A_38 = arith.constant 0 : i32
        %dma_start3A_39 = tpu.memref_slice %arg11[%dma_start3A_37, %dma_start3A_38] : memref<10240x128xf32, #tpu.memory_space<vmem_shared>> -> memref<10240x128xf32, #tpu.memory_space<vmem_shared>>
        tpu.enqueue_indirect_dma source(%arg9 : memref<128x128xf32, #tpu.memory_space<vmem>>) target(%dma_start3A_39 : memref<10240x128xf32, #tpu.memory_space<vmem_shared>>) offsets(%dma_start3A_36 : memref<128xi32, #tpu.memory_space<vmem>>) semaphore(%arg14 : memref<!tpu.dma_semaphore, #tpu.memory_space<semaphore_mem>>) {add = true}
        %add3A_40 = arith.constant 1 : i32
        %add3A_41 = arith.addi %mul3A_28, %add3A_40 : i32
        %dma_start3A_42 = arith.constant 0 : i32
        %dma_start3A_43 = tpu.memref_slice %arg7[%add3A_41, %dma_start3A_42] : memref<40x128xi32, #tpu.memory_space<vmem>> -> memref<1x128xi32, #tpu.memory_space<vmem>>
        %dma_start3A_44 = tpu.memref_squeeze %dma_start3A_43 : memref<1x128xi32, #tpu.memory_space<vmem>> -> memref<128xi32, #tpu.memory_space<vmem>>
        %dma_start3A_45 = arith.constant 0 : i32
        %dma_start3A_46 = arith.constant 0 : i32
        %dma_start3A_47 = tpu.memref_slice %arg2[%dma_start3A_45, %dma_start3A_46] : memref<10240x128xf32, #tpu.memory_space<hbm>> -> memref<10240x128xf32, #tpu.memory_space<hbm>>
        tpu.enqueue_indirect_dma source(%dma_start3A_47 : memref<10240x128xf32, #tpu.memory_space<hbm>>) target(%arg10 : memref<128x128xf32, #tpu.memory_space<vmem>>) offsets(%dma_start3A_44 : memref<128xi32, #tpu.memory_space<vmem>>) semaphore(%arg13 : memref<!tpu.dma_semaphore, #tpu.memory_space<semaphore_mem>>)
        %dma_wait3A_48 = arith.constant 0 : i32
        %dma_wait3A_49 = tpu.memref_slice %arg7[%add3A_41, %dma_wait3A_48] : memref<40x128xi32, #tpu.memory_space<vmem>> -> memref<1x128xi32, #tpu.memory_space<vmem>>
        %dma_wait3A_50 = tpu.memref_squeeze %dma_wait3A_49 : memref<1x128xi32, #tpu.memory_space<vmem>> -> memref<128xi32, #tpu.memory_space<vmem>>
        %dma_wait3A_51 = arith.constant 0 : i32
        %dma_wait3A_52 = arith.constant 0 : i32
        %dma_wait3A_53 = tpu.memref_slice %arg2[%dma_wait3A_51, %dma_wait3A_52] : memref<10240x128xf32, #tpu.memory_space<hbm>> -> memref<10240x128xf32, #tpu.memory_space<hbm>>
        tpu.wait_indirect_dma semaphore(%arg13 : memref<!tpu.dma_semaphore, #tpu.memory_space<semaphore_mem>>) src(%dma_wait3A_53 : memref<10240x128xf32, #tpu.memory_space<hbm>>) dst(%arg10 : memref<128x128xf32, #tpu.memory_space<vmem>>)
        %add3A_54 = arith.constant 1 : i32
        %add3A_55 = arith.addi %mul3A_28, %add3A_54 : i32
        %dma_start3A_56 = arith.constant 0 : i32
        %dma_start3A_57 = tpu.memref_slice %arg8[%add3A_55, %dma_start3A_56] : memref<40x128xi32, #tpu.memory_space<vmem>> -> memref<1x128xi32, #tpu.memory_space<vmem>>
        %dma_start3A_58 = tpu.memref_squeeze %dma_start3A_57 : memref<1x128xi32, #tpu.memory_space<vmem>> -> memref<128xi32, #tpu.memory_space<vmem>>
        %dma_start3A_59 = arith.constant 0 : i32
        %dma_start3A_60 = arith.constant 0 : i32
        %dma_start3A_61 = tpu.memref_slice %arg11[%dma_start3A_59, %dma_start3A_60] : memref<10240x128xf32, #tpu.memory_space<vmem_shared>> -> memref<10240x128xf32, #tpu.memory_space<vmem_shared>>
        tpu.enqueue_indirect_dma source(%arg10 : memref<128x128xf32, #tpu.memory_space<vmem>>) target(%dma_start3A_61 : memref<10240x128xf32, #tpu.memory_space<vmem_shared>>) offsets(%dma_start3A_58 : memref<128xi32, #tpu.memory_space<vmem>>) semaphore(%arg15 : memref<!tpu.dma_semaphore, #tpu.memory_space<semaphore_mem>>) {add = true}
        %dma_wait3A_62 = arith.constant 0 : i32
        %dma_wait3A_63 = tpu.memref_slice %arg8[%mul3A_28, %dma_wait3A_62] : memref<40x128xi32, #tpu.memory_space<vmem>> -> memref<1x128xi32, #tpu.memory_space<vmem>>
        %dma_wait3A_64 = tpu.memref_squeeze %dma_wait3A_63 : memref<1x128xi32, #tpu.memory_space<vmem>> -> memref<128xi32, #tpu.memory_space<vmem>>
        %dma_wait3A_65 = arith.constant 0 : i32
        %dma_wait3A_66 = arith.constant 0 : i32
        %dma_wait3A_67 = tpu.memref_slice %arg11[%dma_wait3A_65, %dma_wait3A_66] : memref<10240x128xf32, #tpu.memory_space<vmem_shared>> -> memref<10240x128xf32, #tpu.memory_space<vmem_shared>>
        tpu.wait_indirect_dma semaphore(%arg14 : memref<!tpu.dma_semaphore, #tpu.memory_space<semaphore_mem>>) src(%arg9 : memref<128x128xf32, #tpu.memory_space<vmem>>) dst(%dma_wait3A_67 : memref<10240x128xf32, #tpu.memory_space<vmem_shared>>)
        %lt3A = arith.constant 19 : i32
        %lt3A_68 = arith.cmpi slt, %scan3A_26, %lt3A : i32
        %convert_element_type3A = arith.extui %lt3A_68 : i1 to i32
        %cond3A = arith.constant 0 : i32
        %cond3A_69 = arith.cmpi ne, %convert_element_type3A, %cond3A : i32
        scf.if %cond3A_69 {
          %add3A_76 = arith.constant 2 : i32
          %add3A_77 = arith.addi %mul3A_28, %add3A_76 : i32
          %dma_start3A_78 = arith.constant 0 : i32
          %dma_start3A_79 = tpu.memref_slice %arg7[%add3A_77, %dma_start3A_78] : memref<40x128xi32, #tpu.memory_space<vmem>> -> memref<1x128xi32, #tpu.memory_space<vmem>>
          %dma_start3A_80 = tpu.memref_squeeze %dma_start3A_79 : memref<1x128xi32, #tpu.memory_space<vmem>> -> memref<128xi32, #tpu.memory_space<vmem>>
          %dma_start3A_81 = arith.constant 0 : i32
          %dma_start3A_82 = arith.constant 0 : i32
          %dma_start3A_83 = tpu.memref_slice %arg2[%dma_start3A_81, %dma_start3A_82] : memref<10240x128xf32, #tpu.memory_space<hbm>> -> memref<10240x128xf32, #tpu.memory_space<hbm>>
          tpu.enqueue_indirect_dma source(%dma_start3A_83 : memref<10240x128xf32, #tpu.memory_space<hbm>>) target(%arg9 : memref<128x128xf32, #tpu.memory_space<vmem>>) offsets(%dma_start3A_80 : memref<128xi32, #tpu.memory_space<vmem>>) semaphore(%arg12 : memref<!tpu.dma_semaphore, #tpu.memory_space<semaphore_mem>>)
        } else {
        }
        %dma_wait3A_70 = arith.constant 0 : i32
        %dma_wait3A_71 = tpu.memref_slice %arg8[%add3A_55, %dma_wait3A_70] : memref<40x128xi32, #tpu.memory_space<vmem>> -> memref<1x128xi32, #tpu.memory_space<vmem>>
        %dma_wait3A_72 = tpu.memref_squeeze %dma_wait3A_71 : memref<1x128xi32, #tpu.memory_space<vmem>> -> memref<128xi32, #tpu.memory_space<vmem>>
        %dma_wait3A_73 = arith.constant 0 : i32
        %dma_wait3A_74 = arith.constant 0 : i32
        %dma_wait3A_75 = tpu.memref_slice %arg11[%dma_wait3A_73, %dma_wait3A_74] : memref<10240x128xf32, #tpu.memory_space<vmem_shared>> -> memref<10240x128xf32, #tpu.memory_space<vmem_shared>>
        tpu.wait_indirect_dma semaphore(%arg15 : memref<!tpu.dma_semaphore, #tpu.memory_space<semaphore_mem>>) src(%arg10 : memref<128x128xf32, #tpu.memory_space<vmem>>) dst(%dma_wait3A_75 : memref<10240x128xf32, #tpu.memory_space<vmem_shared>>)
      }
      %scan3A_25 = arith.constant 20 : i32
    }
    %scan3A_7 = arith.constant 2 : i32
    %barrier3A_8 = arith.constant 0 : index
    tpu.barrier barrier_id(%barrier3A_8)
    "tpu.region"() ({
      %run_scoped3A = tpu.sem_alloc : memref<!tpu.dma_semaphore, #tpu.memory_space<semaphore_mem>>
      %dma_start3A = arith.constant 0 : i32
      %dma_start3A_9 = tpu.memref_slice %arg6[%arg0, %mul3A_2, %dma_start3A] : memref<2x10240x128xf32, #tpu.memory_space<hbm>> -> memref<1x640x128xf32, #tpu.memory_space<hbm>>
      %dma_start3A_10 = tpu.memref_squeeze %dma_start3A_9 : memref<1x640x128xf32, #tpu.memory_space<hbm>> -> memref<640x128xf32, #tpu.memory_space<hbm>>
      %dma_start3A_11 = arith.constant 0 : i32
      %dma_start3A_12 = tpu.memref_slice %arg11[%mul3A_2, %dma_start3A_11] : memref<10240x128xf32, #tpu.memory_space<vmem_shared>> -> memref<640x128xf32, #tpu.memory_space<vmem_shared>>
      tpu.enqueue_dma source(%dma_start3A_12 : memref<640x128xf32, #tpu.memory_space<vmem_shared>>) target(%dma_start3A_10 : memref<640x128xf32, #tpu.memory_space<hbm>>) target_semaphore(%run_scoped3A : memref<!tpu.dma_semaphore, #tpu.memory_space<semaphore_mem>>)
      %dma_wait3A = arith.constant 0 : i32
      %dma_wait3A_13 = tpu.memref_slice %arg6[%arg0, %mul3A_2, %dma_wait3A] : memref<2x10240x128xf32, #tpu.memory_space<hbm>> -> memref<1x640x128xf32, #tpu.memory_space<hbm>>
      %dma_wait3A_14 = tpu.memref_squeeze %dma_wait3A_13 : memref<1x640x128xf32, #tpu.memory_space<hbm>> -> memref<640x128xf32, #tpu.memory_space<hbm>>
      %dma_wait3A_15 = arith.constant 0 : i32
      %dma_wait3A_16 = tpu.memref_slice %arg11[%mul3A_2, %dma_wait3A_15] : memref<10240x128xf32, #tpu.memory_space<vmem_shared>> -> memref<640x128xf32, #tpu.memory_space<vmem_shared>>
      tpu.wait_dma2 semaphore(%run_scoped3A : memref<!tpu.dma_semaphore, #tpu.memory_space<semaphore_mem>>) src(%dma_wait3A_16 : memref<640x128xf32, #tpu.memory_space<vmem_shared>>) dst(%dma_wait3A_14 : memref<640x128xf32, #tpu.memory_space<hbm>>)
      tpu.yield
    }) : () -> ()
    return
  }
}

#map = affine_map<(d0, d1) -> (0, 0, 0)>
#map1 = affine_map<(d0, d1) -> (0, 0)>
module attributes {stable_mosaic.version = 14 : i64} {
  func.func @_sc_deg(%arg0: i32, %arg1: i32, %arg2: memref<32x80x128xi32, #tpu.memory_space<hbm>>, %arg3: memref<128x8xf32, #tpu.memory_space<hbm>>, %arg4: memref<10240x8xf32, #tpu.memory_space<hbm>>, %arg5: memref<2x10240x8xf32, #tpu.memory_space<hbm>>, %arg6: memref<80x128xi32, #tpu.memory_space<vmem>>, %arg7: memref<128x8xf32, #tpu.memory_space<vmem>>, %arg8: memref<10240x8xf32, #tpu.memory_space<vmem_shared>>, %arg9: memref<!tpu.dma_semaphore, #tpu.memory_space<semaphore_mem>>) attributes {dimension_semantics = [#tpu.dimension_semantics<core_parallel>, #tpu.dimension_semantics<subcore_parallel>], iteration_bounds = array<i64: 2, 16>, scalar_prefetch = 0 : i64, scratch_operands = 4 : i64, tpu.core_type = #tpu.core_type<sc_vector_subcore>, window_params = [{transform_indices = #map}, {transform_indices = #map1}, {transform_indices = #map1}, {transform_indices = #map}]} {
    %mul3A = arith.constant 16 : i32
    %mul3A_0 = arith.muli %arg0, %mul3A : i32
    %add3A = arith.addi %mul3A_0, %arg1 : i32
    "tpu.region"() ({
      %run_scoped3A = tpu.sem_alloc : memref<!tpu.dma_semaphore, #tpu.memory_space<semaphore_mem>>
      %dma_start3A = arith.constant 0 : i32
      %dma_start3A_9 = arith.constant 0 : i32
      %dma_start3A_10 = tpu.memref_slice %arg2[%add3A, %dma_start3A, %dma_start3A_9] : memref<32x80x128xi32, #tpu.memory_space<hbm>> -> memref<1x80x128xi32, #tpu.memory_space<hbm>>
      %dma_start3A_11 = tpu.memref_squeeze %dma_start3A_10 : memref<1x80x128xi32, #tpu.memory_space<hbm>> -> memref<80x128xi32, #tpu.memory_space<hbm>>
      %dma_start3A_12 = arith.constant 0 : i32
      %dma_start3A_13 = arith.constant 0 : i32
      %dma_start3A_14 = tpu.memref_slice %arg2[%add3A, %dma_start3A_12, %dma_start3A_13] : memref<32x80x128xi32, #tpu.memory_space<hbm>> -> memref<1x80x128xi32, #tpu.memory_space<hbm>>
      %dma_start3A_15 = tpu.memref_squeeze %dma_start3A_14 : memref<1x80x128xi32, #tpu.memory_space<hbm>> -> memref<80x128xi32, #tpu.memory_space<hbm>>
      tpu.enqueue_dma source(%dma_start3A_15 : memref<80x128xi32, #tpu.memory_space<hbm>>) target(%arg6 : memref<80x128xi32, #tpu.memory_space<vmem>>) target_semaphore(%run_scoped3A : memref<!tpu.dma_semaphore, #tpu.memory_space<semaphore_mem>>)
      %dma_wait3A = arith.constant 0 : i32
      %dma_wait3A_16 = arith.constant 0 : i32
      %dma_wait3A_17 = tpu.memref_slice %arg2[%add3A, %dma_wait3A, %dma_wait3A_16] : memref<32x80x128xi32, #tpu.memory_space<hbm>> -> memref<1x80x128xi32, #tpu.memory_space<hbm>>
      %dma_wait3A_18 = tpu.memref_squeeze %dma_wait3A_17 : memref<1x80x128xi32, #tpu.memory_space<hbm>> -> memref<80x128xi32, #tpu.memory_space<hbm>>
      %dma_wait3A_19 = arith.constant 0 : i32
      %dma_wait3A_20 = arith.constant 0 : i32
      %dma_wait3A_21 = tpu.memref_slice %arg2[%add3A, %dma_wait3A_19, %dma_wait3A_20] : memref<32x80x128xi32, #tpu.memory_space<hbm>> -> memref<1x80x128xi32, #tpu.memory_space<hbm>>
      %dma_wait3A_22 = tpu.memref_squeeze %dma_wait3A_21 : memref<1x80x128xi32, #tpu.memory_space<hbm>> -> memref<80x128xi32, #tpu.memory_space<hbm>>
      tpu.wait_dma2 semaphore(%run_scoped3A : memref<!tpu.dma_semaphore, #tpu.memory_space<semaphore_mem>>) src(%dma_wait3A_22 : memref<80x128xi32, #tpu.memory_space<hbm>>) dst(%arg6 : memref<80x128xi32, #tpu.memory_space<vmem>>)
      tpu.yield
    }) : () -> ()
    "tpu.region"() ({
      %run_scoped3A = tpu.sem_alloc : memref<!tpu.dma_semaphore, #tpu.memory_space<semaphore_mem>>
      tpu.enqueue_dma source(%arg3 : memref<128x8xf32, #tpu.memory_space<hbm>>) target(%arg7 : memref<128x8xf32, #tpu.memory_space<vmem>>) target_semaphore(%run_scoped3A : memref<!tpu.dma_semaphore, #tpu.memory_space<semaphore_mem>>)
      tpu.wait_dma2 semaphore(%run_scoped3A : memref<!tpu.dma_semaphore, #tpu.memory_space<semaphore_mem>>) src(%arg3 : memref<128x8xf32, #tpu.memory_space<hbm>>) dst(%arg7 : memref<128x8xf32, #tpu.memory_space<vmem>>)
      tpu.yield
    }) : () -> ()
    %mul3A_1 = arith.constant 640 : i32
    %mul3A_2 = arith.muli %arg1, %mul3A_1 : i32
    "tpu.region"() ({
      %run_scoped3A = tpu.sem_alloc : memref<!tpu.dma_semaphore, #tpu.memory_space<semaphore_mem>>
      %dma_start3A = arith.constant 0 : i32
      %dma_start3A_9 = tpu.memref_slice %arg8[%mul3A_2, %dma_start3A] : memref<10240x8xf32, #tpu.memory_space<vmem_shared>> -> memref<640x8xf32, #tpu.memory_space<vmem_shared>>
      %dma_start3A_10 = arith.constant 0 : i32
      %dma_start3A_11 = tpu.memref_slice %arg4[%mul3A_2, %dma_start3A_10] : memref<10240x8xf32, #tpu.memory_space<hbm>> -> memref<640x8xf32, #tpu.memory_space<hbm>>
      tpu.enqueue_dma source(%dma_start3A_11 : memref<640x8xf32, #tpu.memory_space<hbm>>) target(%dma_start3A_9 : memref<640x8xf32, #tpu.memory_space<vmem_shared>>) target_semaphore(%run_scoped3A : memref<!tpu.dma_semaphore, #tpu.memory_space<semaphore_mem>>)
      %dma_wait3A = arith.constant 0 : i32
      %dma_wait3A_12 = tpu.memref_slice %arg8[%mul3A_2, %dma_wait3A] : memref<10240x8xf32, #tpu.memory_space<vmem_shared>> -> memref<640x8xf32, #tpu.memory_space<vmem_shared>>
      %dma_wait3A_13 = arith.constant 0 : i32
      %dma_wait3A_14 = tpu.memref_slice %arg4[%mul3A_2, %dma_wait3A_13] : memref<10240x8xf32, #tpu.memory_space<hbm>> -> memref<640x8xf32, #tpu.memory_space<hbm>>
      tpu.wait_dma2 semaphore(%run_scoped3A : memref<!tpu.dma_semaphore, #tpu.memory_space<semaphore_mem>>) src(%dma_wait3A_14 : memref<640x8xf32, #tpu.memory_space<hbm>>) dst(%dma_wait3A_12 : memref<640x8xf32, #tpu.memory_space<vmem_shared>>)
      tpu.yield
    }) : () -> ()
    %barrier3A = arith.constant 0 : index
    tpu.barrier barrier_id(%barrier3A)
    %scan3A = arith.constant 0 : i32
    %scan3A_3 = arith.constant 0 : i32
    %scan3A_4 = arith.constant 80 : i32
    %scan3A_5 = arith.addi %scan3A_3, %scan3A_4 : i32
    %scan3A_6 = arith.constant 1 : i32
    scf.for %scan3A_9 = %scan3A_3 to %scan3A_5 step %scan3A_6  : i32 {
      %dma_start3A = arith.constant 0 : i32
      %dma_start3A_10 = tpu.memref_slice %arg6[%scan3A_9, %dma_start3A] : memref<80x128xi32, #tpu.memory_space<vmem>> -> memref<1x128xi32, #tpu.memory_space<vmem>>
      %dma_start3A_11 = tpu.memref_squeeze %dma_start3A_10 : memref<1x128xi32, #tpu.memory_space<vmem>> -> memref<128xi32, #tpu.memory_space<vmem>>
      %dma_start3A_12 = arith.constant 0 : i32
      %dma_start3A_13 = arith.constant 0 : i32
      %dma_start3A_14 = tpu.memref_slice %arg8[%dma_start3A_12, %dma_start3A_13] : memref<10240x8xf32, #tpu.memory_space<vmem_shared>> -> memref<10240x8xf32, #tpu.memory_space<vmem_shared>>
      tpu.enqueue_indirect_dma source(%arg7 : memref<128x8xf32, #tpu.memory_space<vmem>>) target(%dma_start3A_14 : memref<10240x8xf32, #tpu.memory_space<vmem_shared>>) offsets(%dma_start3A_11 : memref<128xi32, #tpu.memory_space<vmem>>) semaphore(%arg9 : memref<!tpu.dma_semaphore, #tpu.memory_space<semaphore_mem>>) {add = true}
      %dma_wait3A = arith.constant 0 : i32
      %dma_wait3A_15 = tpu.memref_slice %arg6[%scan3A_9, %dma_wait3A] : memref<80x128xi32, #tpu.memory_space<vmem>> -> memref<1x128xi32, #tpu.memory_space<vmem>>
      %dma_wait3A_16 = tpu.memref_squeeze %dma_wait3A_15 : memref<1x128xi32, #tpu.memory_space<vmem>> -> memref<128xi32, #tpu.memory_space<vmem>>
      %dma_wait3A_17 = arith.constant 0 : i32
      %dma_wait3A_18 = arith.constant 0 : i32
      %dma_wait3A_19 = tpu.memref_slice %arg8[%dma_wait3A_17, %dma_wait3A_18] : memref<10240x8xf32, #tpu.memory_space<vmem_shared>> -> memref<10240x8xf32, #tpu.memory_space<vmem_shared>>
      tpu.wait_indirect_dma semaphore(%arg9 : memref<!tpu.dma_semaphore, #tpu.memory_space<semaphore_mem>>) src(%arg7 : memref<128x8xf32, #tpu.memory_space<vmem>>) dst(%dma_wait3A_19 : memref<10240x8xf32, #tpu.memory_space<vmem_shared>>)
    }
    %scan3A_7 = arith.constant 80 : i32
    %barrier3A_8 = arith.constant 0 : index
    tpu.barrier barrier_id(%barrier3A_8)
    "tpu.region"() ({
      %run_scoped3A = tpu.sem_alloc : memref<!tpu.dma_semaphore, #tpu.memory_space<semaphore_mem>>
      %dma_start3A = arith.constant 0 : i32
      %dma_start3A_9 = tpu.memref_slice %arg5[%arg0, %mul3A_2, %dma_start3A] : memref<2x10240x8xf32, #tpu.memory_space<hbm>> -> memref<1x640x8xf32, #tpu.memory_space<hbm>>
      %dma_start3A_10 = tpu.memref_squeeze %dma_start3A_9 : memref<1x640x8xf32, #tpu.memory_space<hbm>> -> memref<640x8xf32, #tpu.memory_space<hbm>>
      %dma_start3A_11 = arith.constant 0 : i32
      %dma_start3A_12 = tpu.memref_slice %arg8[%mul3A_2, %dma_start3A_11] : memref<10240x8xf32, #tpu.memory_space<vmem_shared>> -> memref<640x8xf32, #tpu.memory_space<vmem_shared>>
      tpu.enqueue_dma source(%dma_start3A_12 : memref<640x8xf32, #tpu.memory_space<vmem_shared>>) target(%dma_start3A_10 : memref<640x8xf32, #tpu.memory_space<hbm>>) target_semaphore(%run_scoped3A : memref<!tpu.dma_semaphore, #tpu.memory_space<semaphore_mem>>)
      %dma_wait3A = arith.constant 0 : i32
      %dma_wait3A_13 = tpu.memref_slice %arg5[%arg0, %mul3A_2, %dma_wait3A] : memref<2x10240x8xf32, #tpu.memory_space<hbm>> -> memref<1x640x8xf32, #tpu.memory_space<hbm>>
      %dma_wait3A_14 = tpu.memref_squeeze %dma_wait3A_13 : memref<1x640x8xf32, #tpu.memory_space<hbm>> -> memref<640x8xf32, #tpu.memory_space<hbm>>
      %dma_wait3A_15 = arith.constant 0 : i32
      %dma_wait3A_16 = tpu.memref_slice %arg8[%mul3A_2, %dma_wait3A_15] : memref<10240x8xf32, #tpu.memory_space<vmem_shared>> -> memref<640x8xf32, #tpu.memory_space<vmem_shared>>
      tpu.wait_dma2 semaphore(%run_scoped3A : memref<!tpu.dma_semaphore, #tpu.memory_space<semaphore_mem>>) src(%dma_wait3A_16 : memref<640x8xf32, #tpu.memory_space<vmem_shared>>) dst(%dma_wait3A_14 : memref<640x8xf32, #tpu.memory_space<hbm>>)
      tpu.yield
    }) : () -> ()
    return
  }
}

#map = affine_map<(d0, d1) -> (0, 0, 0)>
#map1 = affine_map<(d0, d1) -> (0, 0)>
module attributes {stable_mosaic.version = 14 : i64} {
  func.func @_agg(%arg0: i32, %arg1: i32, %arg2: memref<2x10240x128xf32, #tpu.memory_space<hbm>>, %arg3: memref<16x160x128xi32, #tpu.memory_space<hbm>>, %arg4: memref<16x160x128xi32, #tpu.memory_space<hbm>>, %arg5: memref<10240x128xf32, #tpu.memory_space<hbm>>, %arg6: memref<2x10240x128xf32, #tpu.memory_space<hbm>>, %arg7: memref<40x128xi32, #tpu.memory_space<vmem>>, %arg8: memref<40x128xi32, #tpu.memory_space<vmem>>, %arg9: memref<128x128xf32, #tpu.memory_space<vmem>>, %arg10: memref<128x128xf32, #tpu.memory_space<vmem>>, %arg11: memref<10240x128xf32, #tpu.memory_space<vmem_shared>>, %arg12: memref<!tpu.dma_semaphore, #tpu.memory_space<semaphore_mem>>, %arg13: memref<!tpu.dma_semaphore, #tpu.memory_space<semaphore_mem>>, %arg14: memref<!tpu.dma_semaphore, #tpu.memory_space<semaphore_mem>>, %arg15: memref<!tpu.dma_semaphore, #tpu.memory_space<semaphore_mem>>) attributes {dimension_semantics = [#tpu.dimension_semantics<core_parallel>, #tpu.dimension_semantics<subcore_parallel>], iteration_bounds = array<i64: 2, 16>, scalar_prefetch = 0 : i64, scratch_operands = 9 : i64, tpu.core_type = #tpu.core_type<sc_vector_subcore>, window_params = [{transform_indices = #map}, {transform_indices = #map}, {transform_indices = #map}, {transform_indices = #map1}, {transform_indices = #map}]} {
    %mul3A = arith.constant 640 : i32
    %mul3A_0 = arith.muli %arg1, %mul3A : i32
    "tpu.region"() ({
      %run_scoped3A = tpu.sem_alloc : memref<!tpu.dma_semaphore, #tpu.memory_space<semaphore_mem>>
      %dma_start3A = arith.constant 0 : i32
      %dma_start3A_9 = tpu.memref_slice %arg11[%mul3A_0, %dma_start3A] : memref<10240x128xf32, #tpu.memory_space<vmem_shared>> -> memref<640x128xf32, #tpu.memory_space<vmem_shared>>
      %dma_start3A_10 = arith.constant 0 : i32
      %dma_start3A_11 = tpu.memref_slice %arg5[%mul3A_0, %dma_start3A_10] : memref<10240x128xf32, #tpu.memory_space<hbm>> -> memref<640x128xf32, #tpu.memory_space<hbm>>
      tpu.enqueue_dma source(%dma_start3A_11 : memref<640x128xf32, #tpu.memory_space<hbm>>) target(%dma_start3A_9 : memref<640x128xf32, #tpu.memory_space<vmem_shared>>) target_semaphore(%run_scoped3A : memref<!tpu.dma_semaphore, #tpu.memory_space<semaphore_mem>>)
      %dma_wait3A = arith.constant 0 : i32
      %dma_wait3A_12 = tpu.memref_slice %arg11[%mul3A_0, %dma_wait3A] : memref<10240x128xf32, #tpu.memory_space<vmem_shared>> -> memref<640x128xf32, #tpu.memory_space<vmem_shared>>
      %dma_wait3A_13 = arith.constant 0 : i32
      %dma_wait3A_14 = tpu.memref_slice %arg5[%mul3A_0, %dma_wait3A_13] : memref<10240x128xf32, #tpu.memory_space<hbm>> -> memref<640x128xf32, #tpu.memory_space<hbm>>
      tpu.wait_dma2 semaphore(%run_scoped3A : memref<!tpu.dma_semaphore, #tpu.memory_space<semaphore_mem>>) src(%dma_wait3A_14 : memref<640x128xf32, #tpu.memory_space<hbm>>) dst(%dma_wait3A_12 : memref<640x128xf32, #tpu.memory_space<vmem_shared>>)
      tpu.yield
    }) : () -> ()
    %barrier3A = arith.constant 0 : index
    tpu.barrier barrier_id(%barrier3A)
    %eq3A = arith.constant 0 : i32
    %eq3A_1 = arith.cmpi eq, %arg0, %eq3A : i32
    %convert_element_type3A = arith.extui %eq3A_1 : i1 to i32
    %cond3A = arith.constant 0 : i32
    %cond3A_2 = arith.cmpi ne, %convert_element_type3A, %cond3A : i32
    scf.if %cond3A_2 {
      %scan3A = arith.constant 0 : i32
      %scan3A_9 = arith.constant 0 : i32
      %scan3A_10 = arith.constant 0 : i32
      %scan3A_11 = arith.constant 4 : i32
      %scan3A_12 = arith.addi %scan3A_10, %scan3A_11 : i32
      %scan3A_13 = arith.constant 1 : i32
      scf.for %scan3A_15 = %scan3A_10 to %scan3A_12 step %scan3A_13  : i32 {
        %mul3A_16 = arith.constant 40 : i32
        %mul3A_17 = arith.muli %scan3A_15, %mul3A_16 : i32
        "tpu.region"() ({
          %run_scoped3A = tpu.sem_alloc : memref<!tpu.dma_semaphore, #tpu.memory_space<semaphore_mem>>
          %dma_start3A_36 = arith.constant 0 : i32
          %dma_start3A_37 = tpu.memref_slice %arg3[%arg1, %mul3A_17, %dma_start3A_36] : memref<16x160x128xi32, #tpu.memory_space<hbm>> -> memref<1x40x128xi32, #tpu.memory_space<hbm>>
          %dma_start3A_38 = tpu.memref_squeeze %dma_start3A_37 : memref<1x40x128xi32, #tpu.memory_space<hbm>> -> memref<40x128xi32, #tpu.memory_space<hbm>>
          %dma_start3A_39 = arith.constant 0 : i32
          %dma_start3A_40 = tpu.memref_slice %arg3[%arg1, %mul3A_17, %dma_start3A_39] : memref<16x160x128xi32, #tpu.memory_space<hbm>> -> memref<1x40x128xi32, #tpu.memory_space<hbm>>
          %dma_start3A_41 = tpu.memref_squeeze %dma_start3A_40 : memref<1x40x128xi32, #tpu.memory_space<hbm>> -> memref<40x128xi32, #tpu.memory_space<hbm>>
          tpu.enqueue_dma source(%dma_start3A_41 : memref<40x128xi32, #tpu.memory_space<hbm>>) target(%arg7 : memref<40x128xi32, #tpu.memory_space<vmem>>) target_semaphore(%run_scoped3A : memref<!tpu.dma_semaphore, #tpu.memory_space<semaphore_mem>>)
          %dma_wait3A = arith.constant 0 : i32
          %dma_wait3A_42 = tpu.memref_slice %arg3[%arg1, %mul3A_17, %dma_wait3A] : memref<16x160x128xi32, #tpu.memory_space<hbm>> -> memref<1x40x128xi32, #tpu.memory_space<hbm>>
          %dma_wait3A_43 = tpu.memref_squeeze %dma_wait3A_42 : memref<1x40x128xi32, #tpu.memory_space<hbm>> -> memref<40x128xi32, #tpu.memory_space<hbm>>
          %dma_wait3A_44 = arith.constant 0 : i32
          %dma_wait3A_45 = tpu.memref_slice %arg3[%arg1, %mul3A_17, %dma_wait3A_44] : memref<16x160x128xi32, #tpu.memory_space<hbm>> -> memref<1x40x128xi32, #tpu.memory_space<hbm>>
          %dma_wait3A_46 = tpu.memref_squeeze %dma_wait3A_45 : memref<1x40x128xi32, #tpu.memory_space<hbm>> -> memref<40x128xi32, #tpu.memory_space<hbm>>
          tpu.wait_dma2 semaphore(%run_scoped3A : memref<!tpu.dma_semaphore, #tpu.memory_space<semaphore_mem>>) src(%dma_wait3A_46 : memref<40x128xi32, #tpu.memory_space<hbm>>) dst(%arg7 : memref<40x128xi32, #tpu.memory_space<vmem>>)
          tpu.yield
        }) : () -> ()
        %mul3A_18 = arith.constant 40 : i32
        %mul3A_19 = arith.muli %scan3A_15, %mul3A_18 : i32
        "tpu.region"() ({
          %run_scoped3A = tpu.sem_alloc : memref<!tpu.dma_semaphore, #tpu.memory_space<semaphore_mem>>
          %dma_start3A_36 = arith.constant 0 : i32
          %dma_start3A_37 = tpu.memref_slice %arg4[%arg1, %mul3A_19, %dma_start3A_36] : memref<16x160x128xi32, #tpu.memory_space<hbm>> -> memref<1x40x128xi32, #tpu.memory_space<hbm>>
          %dma_start3A_38 = tpu.memref_squeeze %dma_start3A_37 : memref<1x40x128xi32, #tpu.memory_space<hbm>> -> memref<40x128xi32, #tpu.memory_space<hbm>>
          %dma_start3A_39 = arith.constant 0 : i32
          %dma_start3A_40 = tpu.memref_slice %arg4[%arg1, %mul3A_19, %dma_start3A_39] : memref<16x160x128xi32, #tpu.memory_space<hbm>> -> memref<1x40x128xi32, #tpu.memory_space<hbm>>
          %dma_start3A_41 = tpu.memref_squeeze %dma_start3A_40 : memref<1x40x128xi32, #tpu.memory_space<hbm>> -> memref<40x128xi32, #tpu.memory_space<hbm>>
          tpu.enqueue_dma source(%dma_start3A_41 : memref<40x128xi32, #tpu.memory_space<hbm>>) target(%arg8 : memref<40x128xi32, #tpu.memory_space<vmem>>) target_semaphore(%run_scoped3A : memref<!tpu.dma_semaphore, #tpu.memory_space<semaphore_mem>>)
          %dma_wait3A = arith.constant 0 : i32
          %dma_wait3A_42 = tpu.memref_slice %arg4[%arg1, %mul3A_19, %dma_wait3A] : memref<16x160x128xi32, #tpu.memory_space<hbm>> -> memref<1x40x128xi32, #tpu.memory_space<hbm>>
          %dma_wait3A_43 = tpu.memref_squeeze %dma_wait3A_42 : memref<1x40x128xi32, #tpu.memory_space<hbm>> -> memref<40x128xi32, #tpu.memory_space<hbm>>
          %dma_wait3A_44 = arith.constant 0 : i32
          %dma_wait3A_45 = tpu.memref_slice %arg4[%arg1, %mul3A_19, %dma_wait3A_44] : memref<16x160x128xi32, #tpu.memory_space<hbm>> -> memref<1x40x128xi32, #tpu.memory_space<hbm>>
          %dma_wait3A_46 = tpu.memref_squeeze %dma_wait3A_45 : memref<1x40x128xi32, #tpu.memory_space<hbm>> -> memref<40x128xi32, #tpu.memory_space<hbm>>
          tpu.wait_dma2 semaphore(%run_scoped3A : memref<!tpu.dma_semaphore, #tpu.memory_space<semaphore_mem>>) src(%dma_wait3A_46 : memref<40x128xi32, #tpu.memory_space<hbm>>) dst(%arg8 : memref<40x128xi32, #tpu.memory_space<vmem>>)
          tpu.yield
        }) : () -> ()
        %dma_start3A = arith.constant 0 : i32
        %dma_start3A_20 = arith.constant 0 : i32
        %dma_start3A_21 = tpu.memref_slice %arg7[%dma_start3A, %dma_start3A_20] : memref<40x128xi32, #tpu.memory_space<vmem>> -> memref<1x128xi32, #tpu.memory_space<vmem>>
        %dma_start3A_22 = tpu.memref_squeeze %dma_start3A_21 : memref<1x128xi32, #tpu.memory_space<vmem>> -> memref<128xi32, #tpu.memory_space<vmem>>
        %dma_start3A_23 = arith.constant 0 : i32
        %dma_start3A_24 = arith.constant 0 : i32
        %dma_start3A_25 = tpu.memref_slice %arg2[%scan3A_9, %dma_start3A_23, %dma_start3A_24] : memref<2x10240x128xf32, #tpu.memory_space<hbm>> -> memref<1x10240x128xf32, #tpu.memory_space<hbm>>
        %dma_start3A_26 = tpu.memref_squeeze %dma_start3A_25 : memref<1x10240x128xf32, #tpu.memory_space<hbm>> -> memref<10240x128xf32, #tpu.memory_space<hbm>>
        %dma_start3A_27 = arith.constant 0 : i32
        %dma_start3A_28 = arith.constant 0 : i32
        %dma_start3A_29 = tpu.memref_slice %dma_start3A_26[%dma_start3A_27, %dma_start3A_28] : memref<10240x128xf32, #tpu.memory_space<hbm>> -> memref<10240x128xf32, #tpu.memory_space<hbm>>
        tpu.enqueue_indirect_dma source(%dma_start3A_29 : memref<10240x128xf32, #tpu.memory_space<hbm>>) target(%arg9 : memref<128x128xf32, #tpu.memory_space<vmem>>) offsets(%dma_start3A_22 : memref<128xi32, #tpu.memory_space<vmem>>) semaphore(%arg12 : memref<!tpu.dma_semaphore, #tpu.memory_space<semaphore_mem>>)
        %scan3A_30 = arith.constant 0 : i32
        %scan3A_31 = arith.constant 0 : i32
        %scan3A_32 = arith.constant 20 : i32
        %scan3A_33 = arith.addi %scan3A_31, %scan3A_32 : i32
        %scan3A_34 = arith.constant 1 : i32
        scf.for %scan3A_36 = %scan3A_31 to %scan3A_33 step %scan3A_34  : i32 {
          %mul3A_37 = arith.constant 2 : i32
          %mul3A_38 = arith.muli %mul3A_37, %scan3A_36 : i32
          %dma_wait3A = arith.constant 0 : i32
          %dma_wait3A_39 = tpu.memref_slice %arg7[%mul3A_38, %dma_wait3A] : memref<40x128xi32, #tpu.memory_space<vmem>> -> memref<1x128xi32, #tpu.memory_space<vmem>>
          %dma_wait3A_40 = tpu.memref_squeeze %dma_wait3A_39 : memref<1x128xi32, #tpu.memory_space<vmem>> -> memref<128xi32, #tpu.memory_space<vmem>>
          %dma_wait3A_41 = arith.constant 0 : i32
          %dma_wait3A_42 = arith.constant 0 : i32
          %dma_wait3A_43 = tpu.memref_slice %arg2[%scan3A_9, %dma_wait3A_41, %dma_wait3A_42] : memref<2x10240x128xf32, #tpu.memory_space<hbm>> -> memref<1x10240x128xf32, #tpu.memory_space<hbm>>
          %dma_wait3A_44 = tpu.memref_squeeze %dma_wait3A_43 : memref<1x10240x128xf32, #tpu.memory_space<hbm>> -> memref<10240x128xf32, #tpu.memory_space<hbm>>
          %dma_wait3A_45 = arith.constant 0 : i32
          %dma_wait3A_46 = arith.constant 0 : i32
          %dma_wait3A_47 = tpu.memref_slice %dma_wait3A_44[%dma_wait3A_45, %dma_wait3A_46] : memref<10240x128xf32, #tpu.memory_space<hbm>> -> memref<10240x128xf32, #tpu.memory_space<hbm>>
          tpu.wait_indirect_dma semaphore(%arg12 : memref<!tpu.dma_semaphore, #tpu.memory_space<semaphore_mem>>) src(%dma_wait3A_47 : memref<10240x128xf32, #tpu.memory_space<hbm>>) dst(%arg9 : memref<128x128xf32, #tpu.memory_space<vmem>>)
          %dma_start3A_48 = arith.constant 0 : i32
          %dma_start3A_49 = tpu.memref_slice %arg8[%mul3A_38, %dma_start3A_48] : memref<40x128xi32, #tpu.memory_space<vmem>> -> memref<1x128xi32, #tpu.memory_space<vmem>>
          %dma_start3A_50 = tpu.memref_squeeze %dma_start3A_49 : memref<1x128xi32, #tpu.memory_space<vmem>> -> memref<128xi32, #tpu.memory_space<vmem>>
          %dma_start3A_51 = arith.constant 0 : i32
          %dma_start3A_52 = arith.constant 0 : i32
          %dma_start3A_53 = tpu.memref_slice %arg11[%dma_start3A_51, %dma_start3A_52] : memref<10240x128xf32, #tpu.memory_space<vmem_shared>> -> memref<10240x128xf32, #tpu.memory_space<vmem_shared>>
          tpu.enqueue_indirect_dma source(%arg9 : memref<128x128xf32, #tpu.memory_space<vmem>>) target(%dma_start3A_53 : memref<10240x128xf32, #tpu.memory_space<vmem_shared>>) offsets(%dma_start3A_50 : memref<128xi32, #tpu.memory_space<vmem>>) semaphore(%arg14 : memref<!tpu.dma_semaphore, #tpu.memory_space<semaphore_mem>>) {add = true}
          %add3A = arith.constant 1 : i32
          %add3A_54 = arith.addi %mul3A_38, %add3A : i32
          %dma_start3A_55 = arith.constant 0 : i32
          %dma_start3A_56 = tpu.memref_slice %arg7[%add3A_54, %dma_start3A_55] : memref<40x128xi32, #tpu.memory_space<vmem>> -> memref<1x128xi32, #tpu.memory_space<vmem>>
          %dma_start3A_57 = tpu.memref_squeeze %dma_start3A_56 : memref<1x128xi32, #tpu.memory_space<vmem>> -> memref<128xi32, #tpu.memory_space<vmem>>
          %dma_start3A_58 = arith.constant 0 : i32
          %dma_start3A_59 = arith.constant 0 : i32
          %dma_start3A_60 = tpu.memref_slice %arg2[%scan3A_9, %dma_start3A_58, %dma_start3A_59] : memref<2x10240x128xf32, #tpu.memory_space<hbm>> -> memref<1x10240x128xf32, #tpu.memory_space<hbm>>
          %dma_start3A_61 = tpu.memref_squeeze %dma_start3A_60 : memref<1x10240x128xf32, #tpu.memory_space<hbm>> -> memref<10240x128xf32, #tpu.memory_space<hbm>>
          %dma_start3A_62 = arith.constant 0 : i32
          %dma_start3A_63 = arith.constant 0 : i32
          %dma_start3A_64 = tpu.memref_slice %dma_start3A_61[%dma_start3A_62, %dma_start3A_63] : memref<10240x128xf32, #tpu.memory_space<hbm>> -> memref<10240x128xf32, #tpu.memory_space<hbm>>
          tpu.enqueue_indirect_dma source(%dma_start3A_64 : memref<10240x128xf32, #tpu.memory_space<hbm>>) target(%arg10 : memref<128x128xf32, #tpu.memory_space<vmem>>) offsets(%dma_start3A_57 : memref<128xi32, #tpu.memory_space<vmem>>) semaphore(%arg13 : memref<!tpu.dma_semaphore, #tpu.memory_space<semaphore_mem>>)
          %dma_wait3A_65 = arith.constant 0 : i32
          %dma_wait3A_66 = tpu.memref_slice %arg7[%add3A_54, %dma_wait3A_65] : memref<40x128xi32, #tpu.memory_space<vmem>> -> memref<1x128xi32, #tpu.memory_space<vmem>>
          %dma_wait3A_67 = tpu.memref_squeeze %dma_wait3A_66 : memref<1x128xi32, #tpu.memory_space<vmem>> -> memref<128xi32, #tpu.memory_space<vmem>>
          %dma_wait3A_68 = arith.constant 0 : i32
          %dma_wait3A_69 = arith.constant 0 : i32
          %dma_wait3A_70 = tpu.memref_slice %arg2[%scan3A_9, %dma_wait3A_68, %dma_wait3A_69] : memref<2x10240x128xf32, #tpu.memory_space<hbm>> -> memref<1x10240x128xf32, #tpu.memory_space<hbm>>
          %dma_wait3A_71 = tpu.memref_squeeze %dma_wait3A_70 : memref<1x10240x128xf32, #tpu.memory_space<hbm>> -> memref<10240x128xf32, #tpu.memory_space<hbm>>
          %dma_wait3A_72 = arith.constant 0 : i32
          %dma_wait3A_73 = arith.constant 0 : i32
          %dma_wait3A_74 = tpu.memref_slice %dma_wait3A_71[%dma_wait3A_72, %dma_wait3A_73] : memref<10240x128xf32, #tpu.memory_space<hbm>> -> memref<10240x128xf32, #tpu.memory_space<hbm>>
          tpu.wait_indirect_dma semaphore(%arg13 : memref<!tpu.dma_semaphore, #tpu.memory_space<semaphore_mem>>) src(%dma_wait3A_74 : memref<10240x128xf32, #tpu.memory_space<hbm>>) dst(%arg10 : memref<128x128xf32, #tpu.memory_space<vmem>>)
          %add3A_75 = arith.constant 1 : i32
          %add3A_76 = arith.addi %mul3A_38, %add3A_75 : i32
          %dma_start3A_77 = arith.constant 0 : i32
          %dma_start3A_78 = tpu.memref_slice %arg8[%add3A_76, %dma_start3A_77] : memref<40x128xi32, #tpu.memory_space<vmem>> -> memref<1x128xi32, #tpu.memory_space<vmem>>
          %dma_start3A_79 = tpu.memref_squeeze %dma_start3A_78 : memref<1x128xi32, #tpu.memory_space<vmem>> -> memref<128xi32, #tpu.memory_space<vmem>>
          %dma_start3A_80 = arith.constant 0 : i32
          %dma_start3A_81 = arith.constant 0 : i32
          %dma_start3A_82 = tpu.memref_slice %arg11[%dma_start3A_80, %dma_start3A_81] : memref<10240x128xf32, #tpu.memory_space<vmem_shared>> -> memref<10240x128xf32, #tpu.memory_space<vmem_shared>>
          tpu.enqueue_indirect_dma source(%arg10 : memref<128x128xf32, #tpu.memory_space<vmem>>) target(%dma_start3A_82 : memref<10240x128xf32, #tpu.memory_space<vmem_shared>>) offsets(%dma_start3A_79 : memref<128xi32, #tpu.memory_space<vmem>>) semaphore(%arg15 : memref<!tpu.dma_semaphore, #tpu.memory_space<semaphore_mem>>) {add = true}
          %dma_wait3A_83 = arith.constant 0 : i32
          %dma_wait3A_84 = tpu.memref_slice %arg8[%mul3A_38, %dma_wait3A_83] : memref<40x128xi32, #tpu.memory_space<vmem>> -> memref<1x128xi32, #tpu.memory_space<vmem>>
          %dma_wait3A_85 = tpu.memref_squeeze %dma_wait3A_84 : memref<1x128xi32, #tpu.memory_space<vmem>> -> memref<128xi32, #tpu.memory_space<vmem>>
          %dma_wait3A_86 = arith.constant 0 : i32
          %dma_wait3A_87 = arith.constant 0 : i32
          %dma_wait3A_88 = tpu.memref_slice %arg11[%dma_wait3A_86, %dma_wait3A_87] : memref<10240x128xf32, #tpu.memory_space<vmem_shared>> -> memref<10240x128xf32, #tpu.memory_space<vmem_shared>>
          tpu.wait_indirect_dma semaphore(%arg14 : memref<!tpu.dma_semaphore, #tpu.memory_space<semaphore_mem>>) src(%arg9 : memref<128x128xf32, #tpu.memory_space<vmem>>) dst(%dma_wait3A_88 : memref<10240x128xf32, #tpu.memory_space<vmem_shared>>)
          %lt3A = arith.constant 19 : i32
          %lt3A_89 = arith.cmpi slt, %scan3A_36, %lt3A : i32
          %convert_element_type3A_90 = arith.extui %lt3A_89 : i1 to i32
          %cond3A_91 = arith.constant 0 : i32
          %cond3A_92 = arith.cmpi ne, %convert_element_type3A_90, %cond3A_91 : i32
          scf.if %cond3A_92 {
            %add3A_99 = arith.constant 2 : i32
            %add3A_100 = arith.addi %mul3A_38, %add3A_99 : i32
            %dma_start3A_101 = arith.constant 0 : i32
            %dma_start3A_102 = tpu.memref_slice %arg7[%add3A_100, %dma_start3A_101] : memref<40x128xi32, #tpu.memory_space<vmem>> -> memref<1x128xi32, #tpu.memory_space<vmem>>
            %dma_start3A_103 = tpu.memref_squeeze %dma_start3A_102 : memref<1x128xi32, #tpu.memory_space<vmem>> -> memref<128xi32, #tpu.memory_space<vmem>>
            %dma_start3A_104 = arith.constant 0 : i32
            %dma_start3A_105 = arith.constant 0 : i32
            %dma_start3A_106 = tpu.memref_slice %arg2[%scan3A_9, %dma_start3A_104, %dma_start3A_105] : memref<2x10240x128xf32, #tpu.memory_space<hbm>> -> memref<1x10240x128xf32, #tpu.memory_space<hbm>>
            %dma_start3A_107 = tpu.memref_squeeze %dma_start3A_106 : memref<1x10240x128xf32, #tpu.memory_space<hbm>> -> memref<10240x128xf32, #tpu.memory_space<hbm>>
            %dma_start3A_108 = arith.constant 0 : i32
            %dma_start3A_109 = arith.constant 0 : i32
            %dma_start3A_110 = tpu.memref_slice %dma_start3A_107[%dma_start3A_108, %dma_start3A_109] : memref<10240x128xf32, #tpu.memory_space<hbm>> -> memref<10240x128xf32, #tpu.memory_space<hbm>>
            tpu.enqueue_indirect_dma source(%dma_start3A_110 : memref<10240x128xf32, #tpu.memory_space<hbm>>) target(%arg9 : memref<128x128xf32, #tpu.memory_space<vmem>>) offsets(%dma_start3A_103 : memref<128xi32, #tpu.memory_space<vmem>>) semaphore(%arg12 : memref<!tpu.dma_semaphore, #tpu.memory_space<semaphore_mem>>)
          } else {
          }
          %dma_wait3A_93 = arith.constant 0 : i32
          %dma_wait3A_94 = tpu.memref_slice %arg8[%add3A_76, %dma_wait3A_93] : memref<40x128xi32, #tpu.memory_space<vmem>> -> memref<1x128xi32, #tpu.memory_space<vmem>>
          %dma_wait3A_95 = tpu.memref_squeeze %dma_wait3A_94 : memref<1x128xi32, #tpu.memory_space<vmem>> -> memref<128xi32, #tpu.memory_space<vmem>>
          %dma_wait3A_96 = arith.constant 0 : i32
          %dma_wait3A_97 = arith.constant 0 : i32
          %dma_wait3A_98 = tpu.memref_slice %arg11[%dma_wait3A_96, %dma_wait3A_97] : memref<10240x128xf32, #tpu.memory_space<vmem_shared>> -> memref<10240x128xf32, #tpu.memory_space<vmem_shared>>
          tpu.wait_indirect_dma semaphore(%arg15 : memref<!tpu.dma_semaphore, #tpu.memory_space<semaphore_mem>>) src(%arg10 : memref<128x128xf32, #tpu.memory_space<vmem>>) dst(%dma_wait3A_98 : memref<10240x128xf32, #tpu.memory_space<vmem_shared>>)
        }
        %scan3A_35 = arith.constant 20 : i32
      }
      %scan3A_14 = arith.constant 4 : i32
    } else {
    }
    %eq3A_3 = arith.constant 1 : i32
    %eq3A_4 = arith.cmpi eq, %arg0, %eq3A_3 : i32
    %convert_element_type3A_5 = arith.extui %eq3A_4 : i1 to i32
    %cond3A_6 = arith.constant 0 : i32
    %cond3A_7 = arith.cmpi ne, %convert_element_type3A_5, %cond3A_6 : i32
    scf.if %cond3A_7 {
      %scan3A = arith.constant 0 : i32
      %scan3A_9 = arith.constant 1 : i32
      %scan3A_10 = arith.constant 0 : i32
      %scan3A_11 = arith.constant 4 : i32
      %scan3A_12 = arith.addi %scan3A_10, %scan3A_11 : i32
      %scan3A_13 = arith.constant 1 : i32
      scf.for %scan3A_15 = %scan3A_10 to %scan3A_12 step %scan3A_13  : i32 {
        %mul3A_16 = arith.constant 40 : i32
        %mul3A_17 = arith.muli %scan3A_15, %mul3A_16 : i32
        "tpu.region"() ({
          %run_scoped3A = tpu.sem_alloc : memref<!tpu.dma_semaphore, #tpu.memory_space<semaphore_mem>>
          %dma_start3A_36 = arith.constant 0 : i32
          %dma_start3A_37 = tpu.memref_slice %arg3[%arg1, %mul3A_17, %dma_start3A_36] : memref<16x160x128xi32, #tpu.memory_space<hbm>> -> memref<1x40x128xi32, #tpu.memory_space<hbm>>
          %dma_start3A_38 = tpu.memref_squeeze %dma_start3A_37 : memref<1x40x128xi32, #tpu.memory_space<hbm>> -> memref<40x128xi32, #tpu.memory_space<hbm>>
          %dma_start3A_39 = arith.constant 0 : i32
          %dma_start3A_40 = tpu.memref_slice %arg3[%arg1, %mul3A_17, %dma_start3A_39] : memref<16x160x128xi32, #tpu.memory_space<hbm>> -> memref<1x40x128xi32, #tpu.memory_space<hbm>>
          %dma_start3A_41 = tpu.memref_squeeze %dma_start3A_40 : memref<1x40x128xi32, #tpu.memory_space<hbm>> -> memref<40x128xi32, #tpu.memory_space<hbm>>
          tpu.enqueue_dma source(%dma_start3A_41 : memref<40x128xi32, #tpu.memory_space<hbm>>) target(%arg7 : memref<40x128xi32, #tpu.memory_space<vmem>>) target_semaphore(%run_scoped3A : memref<!tpu.dma_semaphore, #tpu.memory_space<semaphore_mem>>)
          %dma_wait3A = arith.constant 0 : i32
          %dma_wait3A_42 = tpu.memref_slice %arg3[%arg1, %mul3A_17, %dma_wait3A] : memref<16x160x128xi32, #tpu.memory_space<hbm>> -> memref<1x40x128xi32, #tpu.memory_space<hbm>>
          %dma_wait3A_43 = tpu.memref_squeeze %dma_wait3A_42 : memref<1x40x128xi32, #tpu.memory_space<hbm>> -> memref<40x128xi32, #tpu.memory_space<hbm>>
          %dma_wait3A_44 = arith.constant 0 : i32
          %dma_wait3A_45 = tpu.memref_slice %arg3[%arg1, %mul3A_17, %dma_wait3A_44] : memref<16x160x128xi32, #tpu.memory_space<hbm>> -> memref<1x40x128xi32, #tpu.memory_space<hbm>>
          %dma_wait3A_46 = tpu.memref_squeeze %dma_wait3A_45 : memref<1x40x128xi32, #tpu.memory_space<hbm>> -> memref<40x128xi32, #tpu.memory_space<hbm>>
          tpu.wait_dma2 semaphore(%run_scoped3A : memref<!tpu.dma_semaphore, #tpu.memory_space<semaphore_mem>>) src(%dma_wait3A_46 : memref<40x128xi32, #tpu.memory_space<hbm>>) dst(%arg7 : memref<40x128xi32, #tpu.memory_space<vmem>>)
          tpu.yield
        }) : () -> ()
        %mul3A_18 = arith.constant 40 : i32
        %mul3A_19 = arith.muli %scan3A_15, %mul3A_18 : i32
        "tpu.region"() ({
          %run_scoped3A = tpu.sem_alloc : memref<!tpu.dma_semaphore, #tpu.memory_space<semaphore_mem>>
          %dma_start3A_36 = arith.constant 0 : i32
          %dma_start3A_37 = tpu.memref_slice %arg4[%arg1, %mul3A_19, %dma_start3A_36] : memref<16x160x128xi32, #tpu.memory_space<hbm>> -> memref<1x40x128xi32, #tpu.memory_space<hbm>>
          %dma_start3A_38 = tpu.memref_squeeze %dma_start3A_37 : memref<1x40x128xi32, #tpu.memory_space<hbm>> -> memref<40x128xi32, #tpu.memory_space<hbm>>
          %dma_start3A_39 = arith.constant 0 : i32
          %dma_start3A_40 = tpu.memref_slice %arg4[%arg1, %mul3A_19, %dma_start3A_39] : memref<16x160x128xi32, #tpu.memory_space<hbm>> -> memref<1x40x128xi32, #tpu.memory_space<hbm>>
          %dma_start3A_41 = tpu.memref_squeeze %dma_start3A_40 : memref<1x40x128xi32, #tpu.memory_space<hbm>> -> memref<40x128xi32, #tpu.memory_space<hbm>>
          tpu.enqueue_dma source(%dma_start3A_41 : memref<40x128xi32, #tpu.memory_space<hbm>>) target(%arg8 : memref<40x128xi32, #tpu.memory_space<vmem>>) target_semaphore(%run_scoped3A : memref<!tpu.dma_semaphore, #tpu.memory_space<semaphore_mem>>)
          %dma_wait3A = arith.constant 0 : i32
          %dma_wait3A_42 = tpu.memref_slice %arg4[%arg1, %mul3A_19, %dma_wait3A] : memref<16x160x128xi32, #tpu.memory_space<hbm>> -> memref<1x40x128xi32, #tpu.memory_space<hbm>>
          %dma_wait3A_43 = tpu.memref_squeeze %dma_wait3A_42 : memref<1x40x128xi32, #tpu.memory_space<hbm>> -> memref<40x128xi32, #tpu.memory_space<hbm>>
          %dma_wait3A_44 = arith.constant 0 : i32
          %dma_wait3A_45 = tpu.memref_slice %arg4[%arg1, %mul3A_19, %dma_wait3A_44] : memref<16x160x128xi32, #tpu.memory_space<hbm>> -> memref<1x40x128xi32, #tpu.memory_space<hbm>>
          %dma_wait3A_46 = tpu.memref_squeeze %dma_wait3A_45 : memref<1x40x128xi32, #tpu.memory_space<hbm>> -> memref<40x128xi32, #tpu.memory_space<hbm>>
          tpu.wait_dma2 semaphore(%run_scoped3A : memref<!tpu.dma_semaphore, #tpu.memory_space<semaphore_mem>>) src(%dma_wait3A_46 : memref<40x128xi32, #tpu.memory_space<hbm>>) dst(%arg8 : memref<40x128xi32, #tpu.memory_space<vmem>>)
          tpu.yield
        }) : () -> ()
        %dma_start3A = arith.constant 0 : i32
        %dma_start3A_20 = arith.constant 0 : i32
        %dma_start3A_21 = tpu.memref_slice %arg7[%dma_start3A, %dma_start3A_20] : memref<40x128xi32, #tpu.memory_space<vmem>> -> memref<1x128xi32, #tpu.memory_space<vmem>>
        %dma_start3A_22 = tpu.memref_squeeze %dma_start3A_21 : memref<1x128xi32, #tpu.memory_space<vmem>> -> memref<128xi32, #tpu.memory_space<vmem>>
        %dma_start3A_23 = arith.constant 0 : i32
        %dma_start3A_24 = arith.constant 0 : i32
        %dma_start3A_25 = tpu.memref_slice %arg2[%scan3A_9, %dma_start3A_23, %dma_start3A_24] : memref<2x10240x128xf32, #tpu.memory_space<hbm>> -> memref<1x10240x128xf32, #tpu.memory_space<hbm>>
        %dma_start3A_26 = tpu.memref_squeeze %dma_start3A_25 : memref<1x10240x128xf32, #tpu.memory_space<hbm>> -> memref<10240x128xf32, #tpu.memory_space<hbm>>
        %dma_start3A_27 = arith.constant 0 : i32
        %dma_start3A_28 = arith.constant 0 : i32
        %dma_start3A_29 = tpu.memref_slice %dma_start3A_26[%dma_start3A_27, %dma_start3A_28] : memref<10240x128xf32, #tpu.memory_space<hbm>> -> memref<10240x128xf32, #tpu.memory_space<hbm>>
        tpu.enqueue_indirect_dma source(%dma_start3A_29 : memref<10240x128xf32, #tpu.memory_space<hbm>>) target(%arg9 : memref<128x128xf32, #tpu.memory_space<vmem>>) offsets(%dma_start3A_22 : memref<128xi32, #tpu.memory_space<vmem>>) semaphore(%arg12 : memref<!tpu.dma_semaphore, #tpu.memory_space<semaphore_mem>>)
        %scan3A_30 = arith.constant 0 : i32
        %scan3A_31 = arith.constant 0 : i32
        %scan3A_32 = arith.constant 20 : i32
        %scan3A_33 = arith.addi %scan3A_31, %scan3A_32 : i32
        %scan3A_34 = arith.constant 1 : i32
        scf.for %scan3A_36 = %scan3A_31 to %scan3A_33 step %scan3A_34  : i32 {
          %mul3A_37 = arith.constant 2 : i32
          %mul3A_38 = arith.muli %mul3A_37, %scan3A_36 : i32
          %dma_wait3A = arith.constant 0 : i32
          %dma_wait3A_39 = tpu.memref_slice %arg7[%mul3A_38, %dma_wait3A] : memref<40x128xi32, #tpu.memory_space<vmem>> -> memref<1x128xi32, #tpu.memory_space<vmem>>
          %dma_wait3A_40 = tpu.memref_squeeze %dma_wait3A_39 : memref<1x128xi32, #tpu.memory_space<vmem>> -> memref<128xi32, #tpu.memory_space<vmem>>
          %dma_wait3A_41 = arith.constant 0 : i32
          %dma_wait3A_42 = arith.constant 0 : i32
          %dma_wait3A_43 = tpu.memref_slice %arg2[%scan3A_9, %dma_wait3A_41, %dma_wait3A_42] : memref<2x10240x128xf32, #tpu.memory_space<hbm>> -> memref<1x10240x128xf32, #tpu.memory_space<hbm>>
          %dma_wait3A_44 = tpu.memref_squeeze %dma_wait3A_43 : memref<1x10240x128xf32, #tpu.memory_space<hbm>> -> memref<10240x128xf32, #tpu.memory_space<hbm>>
          %dma_wait3A_45 = arith.constant 0 : i32
          %dma_wait3A_46 = arith.constant 0 : i32
          %dma_wait3A_47 = tpu.memref_slice %dma_wait3A_44[%dma_wait3A_45, %dma_wait3A_46] : memref<10240x128xf32, #tpu.memory_space<hbm>> -> memref<10240x128xf32, #tpu.memory_space<hbm>>
          tpu.wait_indirect_dma semaphore(%arg12 : memref<!tpu.dma_semaphore, #tpu.memory_space<semaphore_mem>>) src(%dma_wait3A_47 : memref<10240x128xf32, #tpu.memory_space<hbm>>) dst(%arg9 : memref<128x128xf32, #tpu.memory_space<vmem>>)
          %dma_start3A_48 = arith.constant 0 : i32
          %dma_start3A_49 = tpu.memref_slice %arg8[%mul3A_38, %dma_start3A_48] : memref<40x128xi32, #tpu.memory_space<vmem>> -> memref<1x128xi32, #tpu.memory_space<vmem>>
          %dma_start3A_50 = tpu.memref_squeeze %dma_start3A_49 : memref<1x128xi32, #tpu.memory_space<vmem>> -> memref<128xi32, #tpu.memory_space<vmem>>
          %dma_start3A_51 = arith.constant 0 : i32
          %dma_start3A_52 = arith.constant 0 : i32
          %dma_start3A_53 = tpu.memref_slice %arg11[%dma_start3A_51, %dma_start3A_52] : memref<10240x128xf32, #tpu.memory_space<vmem_shared>> -> memref<10240x128xf32, #tpu.memory_space<vmem_shared>>
          tpu.enqueue_indirect_dma source(%arg9 : memref<128x128xf32, #tpu.memory_space<vmem>>) target(%dma_start3A_53 : memref<10240x128xf32, #tpu.memory_space<vmem_shared>>) offsets(%dma_start3A_50 : memref<128xi32, #tpu.memory_space<vmem>>) semaphore(%arg14 : memref<!tpu.dma_semaphore, #tpu.memory_space<semaphore_mem>>) {add = true}
          %add3A = arith.constant 1 : i32
          %add3A_54 = arith.addi %mul3A_38, %add3A : i32
          %dma_start3A_55 = arith.constant 0 : i32
          %dma_start3A_56 = tpu.memref_slice %arg7[%add3A_54, %dma_start3A_55] : memref<40x128xi32, #tpu.memory_space<vmem>> -> memref<1x128xi32, #tpu.memory_space<vmem>>
          %dma_start3A_57 = tpu.memref_squeeze %dma_start3A_56 : memref<1x128xi32, #tpu.memory_space<vmem>> -> memref<128xi32, #tpu.memory_space<vmem>>
          %dma_start3A_58 = arith.constant 0 : i32
          %dma_start3A_59 = arith.constant 0 : i32
          %dma_start3A_60 = tpu.memref_slice %arg2[%scan3A_9, %dma_start3A_58, %dma_start3A_59] : memref<2x10240x128xf32, #tpu.memory_space<hbm>> -> memref<1x10240x128xf32, #tpu.memory_space<hbm>>
          %dma_start3A_61 = tpu.memref_squeeze %dma_start3A_60 : memref<1x10240x128xf32, #tpu.memory_space<hbm>> -> memref<10240x128xf32, #tpu.memory_space<hbm>>
          %dma_start3A_62 = arith.constant 0 : i32
          %dma_start3A_63 = arith.constant 0 : i32
          %dma_start3A_64 = tpu.memref_slice %dma_start3A_61[%dma_start3A_62, %dma_start3A_63] : memref<10240x128xf32, #tpu.memory_space<hbm>> -> memref<10240x128xf32, #tpu.memory_space<hbm>>
          tpu.enqueue_indirect_dma source(%dma_start3A_64 : memref<10240x128xf32, #tpu.memory_space<hbm>>) target(%arg10 : memref<128x128xf32, #tpu.memory_space<vmem>>) offsets(%dma_start3A_57 : memref<128xi32, #tpu.memory_space<vmem>>) semaphore(%arg13 : memref<!tpu.dma_semaphore, #tpu.memory_space<semaphore_mem>>)
          %dma_wait3A_65 = arith.constant 0 : i32
          %dma_wait3A_66 = tpu.memref_slice %arg7[%add3A_54, %dma_wait3A_65] : memref<40x128xi32, #tpu.memory_space<vmem>> -> memref<1x128xi32, #tpu.memory_space<vmem>>
          %dma_wait3A_67 = tpu.memref_squeeze %dma_wait3A_66 : memref<1x128xi32, #tpu.memory_space<vmem>> -> memref<128xi32, #tpu.memory_space<vmem>>
          %dma_wait3A_68 = arith.constant 0 : i32
          %dma_wait3A_69 = arith.constant 0 : i32
          %dma_wait3A_70 = tpu.memref_slice %arg2[%scan3A_9, %dma_wait3A_68, %dma_wait3A_69] : memref<2x10240x128xf32, #tpu.memory_space<hbm>> -> memref<1x10240x128xf32, #tpu.memory_space<hbm>>
          %dma_wait3A_71 = tpu.memref_squeeze %dma_wait3A_70 : memref<1x10240x128xf32, #tpu.memory_space<hbm>> -> memref<10240x128xf32, #tpu.memory_space<hbm>>
          %dma_wait3A_72 = arith.constant 0 : i32
          %dma_wait3A_73 = arith.constant 0 : i32
          %dma_wait3A_74 = tpu.memref_slice %dma_wait3A_71[%dma_wait3A_72, %dma_wait3A_73] : memref<10240x128xf32, #tpu.memory_space<hbm>> -> memref<10240x128xf32, #tpu.memory_space<hbm>>
          tpu.wait_indirect_dma semaphore(%arg13 : memref<!tpu.dma_semaphore, #tpu.memory_space<semaphore_mem>>) src(%dma_wait3A_74 : memref<10240x128xf32, #tpu.memory_space<hbm>>) dst(%arg10 : memref<128x128xf32, #tpu.memory_space<vmem>>)
          %add3A_75 = arith.constant 1 : i32
          %add3A_76 = arith.addi %mul3A_38, %add3A_75 : i32
          %dma_start3A_77 = arith.constant 0 : i32
          %dma_start3A_78 = tpu.memref_slice %arg8[%add3A_76, %dma_start3A_77] : memref<40x128xi32, #tpu.memory_space<vmem>> -> memref<1x128xi32, #tpu.memory_space<vmem>>
          %dma_start3A_79 = tpu.memref_squeeze %dma_start3A_78 : memref<1x128xi32, #tpu.memory_space<vmem>> -> memref<128xi32, #tpu.memory_space<vmem>>
          %dma_start3A_80 = arith.constant 0 : i32
          %dma_start3A_81 = arith.constant 0 : i32
          %dma_start3A_82 = tpu.memref_slice %arg11[%dma_start3A_80, %dma_start3A_81] : memref<10240x128xf32, #tpu.memory_space<vmem_shared>> -> memref<10240x128xf32, #tpu.memory_space<vmem_shared>>
          tpu.enqueue_indirect_dma source(%arg10 : memref<128x128xf32, #tpu.memory_space<vmem>>) target(%dma_start3A_82 : memref<10240x128xf32, #tpu.memory_space<vmem_shared>>) offsets(%dma_start3A_79 : memref<128xi32, #tpu.memory_space<vmem>>) semaphore(%arg15 : memref<!tpu.dma_semaphore, #tpu.memory_space<semaphore_mem>>) {add = true}
          %dma_wait3A_83 = arith.constant 0 : i32
          %dma_wait3A_84 = tpu.memref_slice %arg8[%mul3A_38, %dma_wait3A_83] : memref<40x128xi32, #tpu.memory_space<vmem>> -> memref<1x128xi32, #tpu.memory_space<vmem>>
          %dma_wait3A_85 = tpu.memref_squeeze %dma_wait3A_84 : memref<1x128xi32, #tpu.memory_space<vmem>> -> memref<128xi32, #tpu.memory_space<vmem>>
          %dma_wait3A_86 = arith.constant 0 : i32
          %dma_wait3A_87 = arith.constant 0 : i32
          %dma_wait3A_88 = tpu.memref_slice %arg11[%dma_wait3A_86, %dma_wait3A_87] : memref<10240x128xf32, #tpu.memory_space<vmem_shared>> -> memref<10240x128xf32, #tpu.memory_space<vmem_shared>>
          tpu.wait_indirect_dma semaphore(%arg14 : memref<!tpu.dma_semaphore, #tpu.memory_space<semaphore_mem>>) src(%arg9 : memref<128x128xf32, #tpu.memory_space<vmem>>) dst(%dma_wait3A_88 : memref<10240x128xf32, #tpu.memory_space<vmem_shared>>)
          %lt3A = arith.constant 19 : i32
          %lt3A_89 = arith.cmpi slt, %scan3A_36, %lt3A : i32
          %convert_element_type3A_90 = arith.extui %lt3A_89 : i1 to i32
          %cond3A_91 = arith.constant 0 : i32
          %cond3A_92 = arith.cmpi ne, %convert_element_type3A_90, %cond3A_91 : i32
          scf.if %cond3A_92 {
            %add3A_99 = arith.constant 2 : i32
            %add3A_100 = arith.addi %mul3A_38, %add3A_99 : i32
            %dma_start3A_101 = arith.constant 0 : i32
            %dma_start3A_102 = tpu.memref_slice %arg7[%add3A_100, %dma_start3A_101] : memref<40x128xi32, #tpu.memory_space<vmem>> -> memref<1x128xi32, #tpu.memory_space<vmem>>
            %dma_start3A_103 = tpu.memref_squeeze %dma_start3A_102 : memref<1x128xi32, #tpu.memory_space<vmem>> -> memref<128xi32, #tpu.memory_space<vmem>>
            %dma_start3A_104 = arith.constant 0 : i32
            %dma_start3A_105 = arith.constant 0 : i32
            %dma_start3A_106 = tpu.memref_slice %arg2[%scan3A_9, %dma_start3A_104, %dma_start3A_105] : memref<2x10240x128xf32, #tpu.memory_space<hbm>> -> memref<1x10240x128xf32, #tpu.memory_space<hbm>>
            %dma_start3A_107 = tpu.memref_squeeze %dma_start3A_106 : memref<1x10240x128xf32, #tpu.memory_space<hbm>> -> memref<10240x128xf32, #tpu.memory_space<hbm>>
            %dma_start3A_108 = arith.constant 0 : i32
            %dma_start3A_109 = arith.constant 0 : i32
            %dma_start3A_110 = tpu.memref_slice %dma_start3A_107[%dma_start3A_108, %dma_start3A_109] : memref<10240x128xf32, #tpu.memory_space<hbm>> -> memref<10240x128xf32, #tpu.memory_space<hbm>>
            tpu.enqueue_indirect_dma source(%dma_start3A_110 : memref<10240x128xf32, #tpu.memory_space<hbm>>) target(%arg9 : memref<128x128xf32, #tpu.memory_space<vmem>>) offsets(%dma_start3A_103 : memref<128xi32, #tpu.memory_space<vmem>>) semaphore(%arg12 : memref<!tpu.dma_semaphore, #tpu.memory_space<semaphore_mem>>)
          } else {
          }
          %dma_wait3A_93 = arith.constant 0 : i32
          %dma_wait3A_94 = tpu.memref_slice %arg8[%add3A_76, %dma_wait3A_93] : memref<40x128xi32, #tpu.memory_space<vmem>> -> memref<1x128xi32, #tpu.memory_space<vmem>>
          %dma_wait3A_95 = tpu.memref_squeeze %dma_wait3A_94 : memref<1x128xi32, #tpu.memory_space<vmem>> -> memref<128xi32, #tpu.memory_space<vmem>>
          %dma_wait3A_96 = arith.constant 0 : i32
          %dma_wait3A_97 = arith.constant 0 : i32
          %dma_wait3A_98 = tpu.memref_slice %arg11[%dma_wait3A_96, %dma_wait3A_97] : memref<10240x128xf32, #tpu.memory_space<vmem_shared>> -> memref<10240x128xf32, #tpu.memory_space<vmem_shared>>
          tpu.wait_indirect_dma semaphore(%arg15 : memref<!tpu.dma_semaphore, #tpu.memory_space<semaphore_mem>>) src(%arg10 : memref<128x128xf32, #tpu.memory_space<vmem>>) dst(%dma_wait3A_98 : memref<10240x128xf32, #tpu.memory_space<vmem_shared>>)
        }
        %scan3A_35 = arith.constant 20 : i32
      }
      %scan3A_14 = arith.constant 4 : i32
    } else {
    }
    %barrier3A_8 = arith.constant 0 : index
    tpu.barrier barrier_id(%barrier3A_8)
    "tpu.region"() ({
      %run_scoped3A = tpu.sem_alloc : memref<!tpu.dma_semaphore, #tpu.memory_space<semaphore_mem>>
      %dma_start3A = arith.constant 0 : i32
      %dma_start3A_9 = tpu.memref_slice %arg6[%arg0, %mul3A_0, %dma_start3A] : memref<2x10240x128xf32, #tpu.memory_space<hbm>> -> memref<1x640x128xf32, #tpu.memory_space<hbm>>
      %dma_start3A_10 = tpu.memref_squeeze %dma_start3A_9 : memref<1x640x128xf32, #tpu.memory_space<hbm>> -> memref<640x128xf32, #tpu.memory_space<hbm>>
      %dma_start3A_11 = arith.constant 0 : i32
      %dma_start3A_12 = tpu.memref_slice %arg11[%mul3A_0, %dma_start3A_11] : memref<10240x128xf32, #tpu.memory_space<vmem_shared>> -> memref<640x128xf32, #tpu.memory_space<vmem_shared>>
      tpu.enqueue_dma source(%dma_start3A_12 : memref<640x128xf32, #tpu.memory_space<vmem_shared>>) target(%dma_start3A_10 : memref<640x128xf32, #tpu.memory_space<hbm>>) target_semaphore(%run_scoped3A : memref<!tpu.dma_semaphore, #tpu.memory_space<semaphore_mem>>)
      %dma_wait3A = arith.constant 0 : i32
      %dma_wait3A_13 = tpu.memref_slice %arg6[%arg0, %mul3A_0, %dma_wait3A] : memref<2x10240x128xf32, #tpu.memory_space<hbm>> -> memref<1x640x128xf32, #tpu.memory_space<hbm>>
      %dma_wait3A_14 = tpu.memref_squeeze %dma_wait3A_13 : memref<1x640x128xf32, #tpu.memory_space<hbm>> -> memref<640x128xf32, #tpu.memory_space<hbm>>
      %dma_wait3A_15 = arith.constant 0 : i32
      %dma_wait3A_16 = tpu.memref_slice %arg11[%mul3A_0, %dma_wait3A_15] : memref<10240x128xf32, #tpu.memory_space<vmem_shared>> -> memref<640x128xf32, #tpu.memory_space<vmem_shared>>
      tpu.wait_dma2 semaphore(%run_scoped3A : memref<!tpu.dma_semaphore, #tpu.memory_space<semaphore_mem>>) src(%dma_wait3A_16 : memref<640x128xf32, #tpu.memory_space<vmem_shared>>) dst(%dma_wait3A_14 : memref<640x128xf32, #tpu.memory_space<hbm>>)
      tpu.yield
    }) : () -> ()
    return
  }
}

#map = affine_map<(d0, d1) -> (0, 0, 0)>
#map1 = affine_map<(d0, d1) -> (0, 0)>
module attributes {stable_mosaic.version = 14 : i64} {
  func.func @_agg(%arg0: i32, %arg1: i32, %arg2: memref<2x10240x128xf32, #tpu.memory_space<hbm>>, %arg3: memref<16x160x128xi32, #tpu.memory_space<hbm>>, %arg4: memref<16x160x128xi32, #tpu.memory_space<hbm>>, %arg5: memref<10240x128xf32, #tpu.memory_space<hbm>>, %arg6: memref<2x10240x128xf32, #tpu.memory_space<hbm>>, %arg7: memref<40x128xi32, #tpu.memory_space<vmem>>, %arg8: memref<40x128xi32, #tpu.memory_space<vmem>>, %arg9: memref<128x128xf32, #tpu.memory_space<vmem>>, %arg10: memref<128x128xf32, #tpu.memory_space<vmem>>, %arg11: memref<10240x128xf32, #tpu.memory_space<vmem_shared>>, %arg12: memref<!tpu.dma_semaphore, #tpu.memory_space<semaphore_mem>>, %arg13: memref<!tpu.dma_semaphore, #tpu.memory_space<semaphore_mem>>, %arg14: memref<!tpu.dma_semaphore, #tpu.memory_space<semaphore_mem>>, %arg15: memref<!tpu.dma_semaphore, #tpu.memory_space<semaphore_mem>>) attributes {dimension_semantics = [#tpu.dimension_semantics<core_parallel>, #tpu.dimension_semantics<subcore_parallel>], iteration_bounds = array<i64: 2, 16>, scalar_prefetch = 0 : i64, scratch_operands = 9 : i64, tpu.core_type = #tpu.core_type<sc_vector_subcore>, window_params = [{transform_indices = #map}, {transform_indices = #map}, {transform_indices = #map}, {transform_indices = #map1}, {transform_indices = #map}]} {
    %mul3A = arith.constant 640 : i32
    %mul3A_0 = arith.muli %arg1, %mul3A : i32
    "tpu.region"() ({
      %run_scoped3A = tpu.sem_alloc : memref<!tpu.dma_semaphore, #tpu.memory_space<semaphore_mem>>
      %dma_start3A = arith.constant 0 : i32
      %dma_start3A_9 = tpu.memref_slice %arg11[%mul3A_0, %dma_start3A] : memref<10240x128xf32, #tpu.memory_space<vmem_shared>> -> memref<640x128xf32, #tpu.memory_space<vmem_shared>>
      %dma_start3A_10 = arith.constant 0 : i32
      %dma_start3A_11 = tpu.memref_slice %arg5[%mul3A_0, %dma_start3A_10] : memref<10240x128xf32, #tpu.memory_space<hbm>> -> memref<640x128xf32, #tpu.memory_space<hbm>>
      tpu.enqueue_dma source(%dma_start3A_11 : memref<640x128xf32, #tpu.memory_space<hbm>>) target(%dma_start3A_9 : memref<640x128xf32, #tpu.memory_space<vmem_shared>>) target_semaphore(%run_scoped3A : memref<!tpu.dma_semaphore, #tpu.memory_space<semaphore_mem>>)
      %dma_wait3A = arith.constant 0 : i32
      %dma_wait3A_12 = tpu.memref_slice %arg11[%mul3A_0, %dma_wait3A] : memref<10240x128xf32, #tpu.memory_space<vmem_shared>> -> memref<640x128xf32, #tpu.memory_space<vmem_shared>>
      %dma_wait3A_13 = arith.constant 0 : i32
      %dma_wait3A_14 = tpu.memref_slice %arg5[%mul3A_0, %dma_wait3A_13] : memref<10240x128xf32, #tpu.memory_space<hbm>> -> memref<640x128xf32, #tpu.memory_space<hbm>>
      tpu.wait_dma2 semaphore(%run_scoped3A : memref<!tpu.dma_semaphore, #tpu.memory_space<semaphore_mem>>) src(%dma_wait3A_14 : memref<640x128xf32, #tpu.memory_space<hbm>>) dst(%dma_wait3A_12 : memref<640x128xf32, #tpu.memory_space<vmem_shared>>)
      tpu.yield
    }) : () -> ()
    %barrier3A = arith.constant 0 : index
    tpu.barrier barrier_id(%barrier3A)
    %eq3A = arith.constant 0 : i32
    %eq3A_1 = arith.cmpi eq, %arg0, %eq3A : i32
    %convert_element_type3A = arith.extui %eq3A_1 : i1 to i32
    %cond3A = arith.constant 0 : i32
    %cond3A_2 = arith.cmpi ne, %convert_element_type3A, %cond3A : i32
    scf.if %cond3A_2 {
      %scan3A = arith.constant 0 : i32
      %scan3A_9 = arith.constant 0 : i32
      %scan3A_10 = arith.constant 0 : i32
      %scan3A_11 = arith.constant 4 : i32
      %scan3A_12 = arith.addi %scan3A_10, %scan3A_11 : i32
      %scan3A_13 = arith.constant 1 : i32
      scf.for %scan3A_15 = %scan3A_10 to %scan3A_12 step %scan3A_13  : i32 {
        %mul3A_16 = arith.constant 40 : i32
        %mul3A_17 = arith.muli %scan3A_15, %mul3A_16 : i32
        "tpu.region"() ({
          %run_scoped3A = tpu.sem_alloc : memref<!tpu.dma_semaphore, #tpu.memory_space<semaphore_mem>>
          %dma_start3A_36 = arith.constant 0 : i32
          %dma_start3A_37 = tpu.memref_slice %arg3[%arg1, %mul3A_17, %dma_start3A_36] : memref<16x160x128xi32, #tpu.memory_space<hbm>> -> memref<1x40x128xi32, #tpu.memory_space<hbm>>
          %dma_start3A_38 = tpu.memref_squeeze %dma_start3A_37 : memref<1x40x128xi32, #tpu.memory_space<hbm>> -> memref<40x128xi32, #tpu.memory_space<hbm>>
          %dma_start3A_39 = arith.constant 0 : i32
          %dma_start3A_40 = tpu.memref_slice %arg3[%arg1, %mul3A_17, %dma_start3A_39] : memref<16x160x128xi32, #tpu.memory_space<hbm>> -> memref<1x40x128xi32, #tpu.memory_space<hbm>>
          %dma_start3A_41 = tpu.memref_squeeze %dma_start3A_40 : memref<1x40x128xi32, #tpu.memory_space<hbm>> -> memref<40x128xi32, #tpu.memory_space<hbm>>
          tpu.enqueue_dma source(%dma_start3A_41 : memref<40x128xi32, #tpu.memory_space<hbm>>) target(%arg7 : memref<40x128xi32, #tpu.memory_space<vmem>>) target_semaphore(%run_scoped3A : memref<!tpu.dma_semaphore, #tpu.memory_space<semaphore_mem>>)
          %dma_wait3A = arith.constant 0 : i32
          %dma_wait3A_42 = tpu.memref_slice %arg3[%arg1, %mul3A_17, %dma_wait3A] : memref<16x160x128xi32, #tpu.memory_space<hbm>> -> memref<1x40x128xi32, #tpu.memory_space<hbm>>
          %dma_wait3A_43 = tpu.memref_squeeze %dma_wait3A_42 : memref<1x40x128xi32, #tpu.memory_space<hbm>> -> memref<40x128xi32, #tpu.memory_space<hbm>>
          %dma_wait3A_44 = arith.constant 0 : i32
          %dma_wait3A_45 = tpu.memref_slice %arg3[%arg1, %mul3A_17, %dma_wait3A_44] : memref<16x160x128xi32, #tpu.memory_space<hbm>> -> memref<1x40x128xi32, #tpu.memory_space<hbm>>
          %dma_wait3A_46 = tpu.memref_squeeze %dma_wait3A_45 : memref<1x40x128xi32, #tpu.memory_space<hbm>> -> memref<40x128xi32, #tpu.memory_space<hbm>>
          tpu.wait_dma2 semaphore(%run_scoped3A : memref<!tpu.dma_semaphore, #tpu.memory_space<semaphore_mem>>) src(%dma_wait3A_46 : memref<40x128xi32, #tpu.memory_space<hbm>>) dst(%arg7 : memref<40x128xi32, #tpu.memory_space<vmem>>)
          tpu.yield
        }) : () -> ()
        %mul3A_18 = arith.constant 40 : i32
        %mul3A_19 = arith.muli %scan3A_15, %mul3A_18 : i32
        "tpu.region"() ({
          %run_scoped3A = tpu.sem_alloc : memref<!tpu.dma_semaphore, #tpu.memory_space<semaphore_mem>>
          %dma_start3A_36 = arith.constant 0 : i32
          %dma_start3A_37 = tpu.memref_slice %arg4[%arg1, %mul3A_19, %dma_start3A_36] : memref<16x160x128xi32, #tpu.memory_space<hbm>> -> memref<1x40x128xi32, #tpu.memory_space<hbm>>
          %dma_start3A_38 = tpu.memref_squeeze %dma_start3A_37 : memref<1x40x128xi32, #tpu.memory_space<hbm>> -> memref<40x128xi32, #tpu.memory_space<hbm>>
          %dma_start3A_39 = arith.constant 0 : i32
          %dma_start3A_40 = tpu.memref_slice %arg4[%arg1, %mul3A_19, %dma_start3A_39] : memref<16x160x128xi32, #tpu.memory_space<hbm>> -> memref<1x40x128xi32, #tpu.memory_space<hbm>>
          %dma_start3A_41 = tpu.memref_squeeze %dma_start3A_40 : memref<1x40x128xi32, #tpu.memory_space<hbm>> -> memref<40x128xi32, #tpu.memory_space<hbm>>
          tpu.enqueue_dma source(%dma_start3A_41 : memref<40x128xi32, #tpu.memory_space<hbm>>) target(%arg8 : memref<40x128xi32, #tpu.memory_space<vmem>>) target_semaphore(%run_scoped3A : memref<!tpu.dma_semaphore, #tpu.memory_space<semaphore_mem>>)
          %dma_wait3A = arith.constant 0 : i32
          %dma_wait3A_42 = tpu.memref_slice %arg4[%arg1, %mul3A_19, %dma_wait3A] : memref<16x160x128xi32, #tpu.memory_space<hbm>> -> memref<1x40x128xi32, #tpu.memory_space<hbm>>
          %dma_wait3A_43 = tpu.memref_squeeze %dma_wait3A_42 : memref<1x40x128xi32, #tpu.memory_space<hbm>> -> memref<40x128xi32, #tpu.memory_space<hbm>>
          %dma_wait3A_44 = arith.constant 0 : i32
          %dma_wait3A_45 = tpu.memref_slice %arg4[%arg1, %mul3A_19, %dma_wait3A_44] : memref<16x160x128xi32, #tpu.memory_space<hbm>> -> memref<1x40x128xi32, #tpu.memory_space<hbm>>
          %dma_wait3A_46 = tpu.memref_squeeze %dma_wait3A_45 : memref<1x40x128xi32, #tpu.memory_space<hbm>> -> memref<40x128xi32, #tpu.memory_space<hbm>>
          tpu.wait_dma2 semaphore(%run_scoped3A : memref<!tpu.dma_semaphore, #tpu.memory_space<semaphore_mem>>) src(%dma_wait3A_46 : memref<40x128xi32, #tpu.memory_space<hbm>>) dst(%arg8 : memref<40x128xi32, #tpu.memory_space<vmem>>)
          tpu.yield
        }) : () -> ()
        %dma_start3A = arith.constant 0 : i32
        %dma_start3A_20 = arith.constant 0 : i32
        %dma_start3A_21 = tpu.memref_slice %arg7[%dma_start3A, %dma_start3A_20] : memref<40x128xi32, #tpu.memory_space<vmem>> -> memref<1x128xi32, #tpu.memory_space<vmem>>
        %dma_start3A_22 = tpu.memref_squeeze %dma_start3A_21 : memref<1x128xi32, #tpu.memory_space<vmem>> -> memref<128xi32, #tpu.memory_space<vmem>>
        %dma_start3A_23 = arith.constant 0 : i32
        %dma_start3A_24 = arith.constant 0 : i32
        %dma_start3A_25 = tpu.memref_slice %arg2[%scan3A_9, %dma_start3A_23, %dma_start3A_24] : memref<2x10240x128xf32, #tpu.memory_space<hbm>> -> memref<1x10240x128xf32, #tpu.memory_space<hbm>>
        %dma_start3A_26 = tpu.memref_squeeze %dma_start3A_25 : memref<1x10240x128xf32, #tpu.memory_space<hbm>> -> memref<10240x128xf32, #tpu.memory_space<hbm>>
        %dma_start3A_27 = arith.constant 0 : i32
        %dma_start3A_28 = arith.constant 0 : i32
        %dma_start3A_29 = tpu.memref_slice %dma_start3A_26[%dma_start3A_27, %dma_start3A_28] : memref<10240x128xf32, #tpu.memory_space<hbm>> -> memref<10240x128xf32, #tpu.memory_space<hbm>>
        tpu.enqueue_indirect_dma source(%dma_start3A_29 : memref<10240x128xf32, #tpu.memory_space<hbm>>) target(%arg9 : memref<128x128xf32, #tpu.memory_space<vmem>>) offsets(%dma_start3A_22 : memref<128xi32, #tpu.memory_space<vmem>>) semaphore(%arg12 : memref<!tpu.dma_semaphore, #tpu.memory_space<semaphore_mem>>)
        %scan3A_30 = arith.constant 0 : i32
        %scan3A_31 = arith.constant 0 : i32
        %scan3A_32 = arith.constant 20 : i32
        %scan3A_33 = arith.addi %scan3A_31, %scan3A_32 : i32
        %scan3A_34 = arith.constant 1 : i32
        scf.for %scan3A_36 = %scan3A_31 to %scan3A_33 step %scan3A_34  : i32 {
          %mul3A_37 = arith.constant 2 : i32
          %mul3A_38 = arith.muli %mul3A_37, %scan3A_36 : i32
          %dma_wait3A = arith.constant 0 : i32
          %dma_wait3A_39 = tpu.memref_slice %arg7[%mul3A_38, %dma_wait3A] : memref<40x128xi32, #tpu.memory_space<vmem>> -> memref<1x128xi32, #tpu.memory_space<vmem>>
          %dma_wait3A_40 = tpu.memref_squeeze %dma_wait3A_39 : memref<1x128xi32, #tpu.memory_space<vmem>> -> memref<128xi32, #tpu.memory_space<vmem>>
          %dma_wait3A_41 = arith.constant 0 : i32
          %dma_wait3A_42 = arith.constant 0 : i32
          %dma_wait3A_43 = tpu.memref_slice %arg2[%scan3A_9, %dma_wait3A_41, %dma_wait3A_42] : memref<2x10240x128xf32, #tpu.memory_space<hbm>> -> memref<1x10240x128xf32, #tpu.memory_space<hbm>>
          %dma_wait3A_44 = tpu.memref_squeeze %dma_wait3A_43 : memref<1x10240x128xf32, #tpu.memory_space<hbm>> -> memref<10240x128xf32, #tpu.memory_space<hbm>>
          %dma_wait3A_45 = arith.constant 0 : i32
          %dma_wait3A_46 = arith.constant 0 : i32
          %dma_wait3A_47 = tpu.memref_slice %dma_wait3A_44[%dma_wait3A_45, %dma_wait3A_46] : memref<10240x128xf32, #tpu.memory_space<hbm>> -> memref<10240x128xf32, #tpu.memory_space<hbm>>
          tpu.wait_indirect_dma semaphore(%arg12 : memref<!tpu.dma_semaphore, #tpu.memory_space<semaphore_mem>>) src(%dma_wait3A_47 : memref<10240x128xf32, #tpu.memory_space<hbm>>) dst(%arg9 : memref<128x128xf32, #tpu.memory_space<vmem>>)
          %dma_start3A_48 = arith.constant 0 : i32
          %dma_start3A_49 = tpu.memref_slice %arg8[%mul3A_38, %dma_start3A_48] : memref<40x128xi32, #tpu.memory_space<vmem>> -> memref<1x128xi32, #tpu.memory_space<vmem>>
          %dma_start3A_50 = tpu.memref_squeeze %dma_start3A_49 : memref<1x128xi32, #tpu.memory_space<vmem>> -> memref<128xi32, #tpu.memory_space<vmem>>
          %dma_start3A_51 = arith.constant 0 : i32
          %dma_start3A_52 = arith.constant 0 : i32
          %dma_start3A_53 = tpu.memref_slice %arg11[%dma_start3A_51, %dma_start3A_52] : memref<10240x128xf32, #tpu.memory_space<vmem_shared>> -> memref<10240x128xf32, #tpu.memory_space<vmem_shared>>
          tpu.enqueue_indirect_dma source(%arg9 : memref<128x128xf32, #tpu.memory_space<vmem>>) target(%dma_start3A_53 : memref<10240x128xf32, #tpu.memory_space<vmem_shared>>) offsets(%dma_start3A_50 : memref<128xi32, #tpu.memory_space<vmem>>) semaphore(%arg14 : memref<!tpu.dma_semaphore, #tpu.memory_space<semaphore_mem>>) {add = true}
          %add3A = arith.constant 1 : i32
          %add3A_54 = arith.addi %mul3A_38, %add3A : i32
          %dma_start3A_55 = arith.constant 0 : i32
          %dma_start3A_56 = tpu.memref_slice %arg7[%add3A_54, %dma_start3A_55] : memref<40x128xi32, #tpu.memory_space<vmem>> -> memref<1x128xi32, #tpu.memory_space<vmem>>
          %dma_start3A_57 = tpu.memref_squeeze %dma_start3A_56 : memref<1x128xi32, #tpu.memory_space<vmem>> -> memref<128xi32, #tpu.memory_space<vmem>>
          %dma_start3A_58 = arith.constant 0 : i32
          %dma_start3A_59 = arith.constant 0 : i32
          %dma_start3A_60 = tpu.memref_slice %arg2[%scan3A_9, %dma_start3A_58, %dma_start3A_59] : memref<2x10240x128xf32, #tpu.memory_space<hbm>> -> memref<1x10240x128xf32, #tpu.memory_space<hbm>>
          %dma_start3A_61 = tpu.memref_squeeze %dma_start3A_60 : memref<1x10240x128xf32, #tpu.memory_space<hbm>> -> memref<10240x128xf32, #tpu.memory_space<hbm>>
          %dma_start3A_62 = arith.constant 0 : i32
          %dma_start3A_63 = arith.constant 0 : i32
          %dma_start3A_64 = tpu.memref_slice %dma_start3A_61[%dma_start3A_62, %dma_start3A_63] : memref<10240x128xf32, #tpu.memory_space<hbm>> -> memref<10240x128xf32, #tpu.memory_space<hbm>>
          tpu.enqueue_indirect_dma source(%dma_start3A_64 : memref<10240x128xf32, #tpu.memory_space<hbm>>) target(%arg10 : memref<128x128xf32, #tpu.memory_space<vmem>>) offsets(%dma_start3A_57 : memref<128xi32, #tpu.memory_space<vmem>>) semaphore(%arg13 : memref<!tpu.dma_semaphore, #tpu.memory_space<semaphore_mem>>)
          %dma_wait3A_65 = arith.constant 0 : i32
          %dma_wait3A_66 = tpu.memref_slice %arg7[%add3A_54, %dma_wait3A_65] : memref<40x128xi32, #tpu.memory_space<vmem>> -> memref<1x128xi32, #tpu.memory_space<vmem>>
          %dma_wait3A_67 = tpu.memref_squeeze %dma_wait3A_66 : memref<1x128xi32, #tpu.memory_space<vmem>> -> memref<128xi32, #tpu.memory_space<vmem>>
          %dma_wait3A_68 = arith.constant 0 : i32
          %dma_wait3A_69 = arith.constant 0 : i32
          %dma_wait3A_70 = tpu.memref_slice %arg2[%scan3A_9, %dma_wait3A_68, %dma_wait3A_69] : memref<2x10240x128xf32, #tpu.memory_space<hbm>> -> memref<1x10240x128xf32, #tpu.memory_space<hbm>>
          %dma_wait3A_71 = tpu.memref_squeeze %dma_wait3A_70 : memref<1x10240x128xf32, #tpu.memory_space<hbm>> -> memref<10240x128xf32, #tpu.memory_space<hbm>>
          %dma_wait3A_72 = arith.constant 0 : i32
          %dma_wait3A_73 = arith.constant 0 : i32
          %dma_wait3A_74 = tpu.memref_slice %dma_wait3A_71[%dma_wait3A_72, %dma_wait3A_73] : memref<10240x128xf32, #tpu.memory_space<hbm>> -> memref<10240x128xf32, #tpu.memory_space<hbm>>
          tpu.wait_indirect_dma semaphore(%arg13 : memref<!tpu.dma_semaphore, #tpu.memory_space<semaphore_mem>>) src(%dma_wait3A_74 : memref<10240x128xf32, #tpu.memory_space<hbm>>) dst(%arg10 : memref<128x128xf32, #tpu.memory_space<vmem>>)
          %add3A_75 = arith.constant 1 : i32
          %add3A_76 = arith.addi %mul3A_38, %add3A_75 : i32
          %dma_start3A_77 = arith.constant 0 : i32
          %dma_start3A_78 = tpu.memref_slice %arg8[%add3A_76, %dma_start3A_77] : memref<40x128xi32, #tpu.memory_space<vmem>> -> memref<1x128xi32, #tpu.memory_space<vmem>>
          %dma_start3A_79 = tpu.memref_squeeze %dma_start3A_78 : memref<1x128xi32, #tpu.memory_space<vmem>> -> memref<128xi32, #tpu.memory_space<vmem>>
          %dma_start3A_80 = arith.constant 0 : i32
          %dma_start3A_81 = arith.constant 0 : i32
          %dma_start3A_82 = tpu.memref_slice %arg11[%dma_start3A_80, %dma_start3A_81] : memref<10240x128xf32, #tpu.memory_space<vmem_shared>> -> memref<10240x128xf32, #tpu.memory_space<vmem_shared>>
          tpu.enqueue_indirect_dma source(%arg10 : memref<128x128xf32, #tpu.memory_space<vmem>>) target(%dma_start3A_82 : memref<10240x128xf32, #tpu.memory_space<vmem_shared>>) offsets(%dma_start3A_79 : memref<128xi32, #tpu.memory_space<vmem>>) semaphore(%arg15 : memref<!tpu.dma_semaphore, #tpu.memory_space<semaphore_mem>>) {add = true}
          %dma_wait3A_83 = arith.constant 0 : i32
          %dma_wait3A_84 = tpu.memref_slice %arg8[%mul3A_38, %dma_wait3A_83] : memref<40x128xi32, #tpu.memory_space<vmem>> -> memref<1x128xi32, #tpu.memory_space<vmem>>
          %dma_wait3A_85 = tpu.memref_squeeze %dma_wait3A_84 : memref<1x128xi32, #tpu.memory_space<vmem>> -> memref<128xi32, #tpu.memory_space<vmem>>
          %dma_wait3A_86 = arith.constant 0 : i32
          %dma_wait3A_87 = arith.constant 0 : i32
          %dma_wait3A_88 = tpu.memref_slice %arg11[%dma_wait3A_86, %dma_wait3A_87] : memref<10240x128xf32, #tpu.memory_space<vmem_shared>> -> memref<10240x128xf32, #tpu.memory_space<vmem_shared>>
          tpu.wait_indirect_dma semaphore(%arg14 : memref<!tpu.dma_semaphore, #tpu.memory_space<semaphore_mem>>) src(%arg9 : memref<128x128xf32, #tpu.memory_space<vmem>>) dst(%dma_wait3A_88 : memref<10240x128xf32, #tpu.memory_space<vmem_shared>>)
          %lt3A = arith.constant 19 : i32
          %lt3A_89 = arith.cmpi slt, %scan3A_36, %lt3A : i32
          %convert_element_type3A_90 = arith.extui %lt3A_89 : i1 to i32
          %cond3A_91 = arith.constant 0 : i32
          %cond3A_92 = arith.cmpi ne, %convert_element_type3A_90, %cond3A_91 : i32
          scf.if %cond3A_92 {
            %add3A_99 = arith.constant 2 : i32
            %add3A_100 = arith.addi %mul3A_38, %add3A_99 : i32
            %dma_start3A_101 = arith.constant 0 : i32
            %dma_start3A_102 = tpu.memref_slice %arg7[%add3A_100, %dma_start3A_101] : memref<40x128xi32, #tpu.memory_space<vmem>> -> memref<1x128xi32, #tpu.memory_space<vmem>>
            %dma_start3A_103 = tpu.memref_squeeze %dma_start3A_102 : memref<1x128xi32, #tpu.memory_space<vmem>> -> memref<128xi32, #tpu.memory_space<vmem>>
            %dma_start3A_104 = arith.constant 0 : i32
            %dma_start3A_105 = arith.constant 0 : i32
            %dma_start3A_106 = tpu.memref_slice %arg2[%scan3A_9, %dma_start3A_104, %dma_start3A_105] : memref<2x10240x128xf32, #tpu.memory_space<hbm>> -> memref<1x10240x128xf32, #tpu.memory_space<hbm>>
            %dma_start3A_107 = tpu.memref_squeeze %dma_start3A_106 : memref<1x10240x128xf32, #tpu.memory_space<hbm>> -> memref<10240x128xf32, #tpu.memory_space<hbm>>
            %dma_start3A_108 = arith.constant 0 : i32
            %dma_start3A_109 = arith.constant 0 : i32
            %dma_start3A_110 = tpu.memref_slice %dma_start3A_107[%dma_start3A_108, %dma_start3A_109] : memref<10240x128xf32, #tpu.memory_space<hbm>> -> memref<10240x128xf32, #tpu.memory_space<hbm>>
            tpu.enqueue_indirect_dma source(%dma_start3A_110 : memref<10240x128xf32, #tpu.memory_space<hbm>>) target(%arg9 : memref<128x128xf32, #tpu.memory_space<vmem>>) offsets(%dma_start3A_103 : memref<128xi32, #tpu.memory_space<vmem>>) semaphore(%arg12 : memref<!tpu.dma_semaphore, #tpu.memory_space<semaphore_mem>>)
          } else {
          }
          %dma_wait3A_93 = arith.constant 0 : i32
          %dma_wait3A_94 = tpu.memref_slice %arg8[%add3A_76, %dma_wait3A_93] : memref<40x128xi32, #tpu.memory_space<vmem>> -> memref<1x128xi32, #tpu.memory_space<vmem>>
          %dma_wait3A_95 = tpu.memref_squeeze %dma_wait3A_94 : memref<1x128xi32, #tpu.memory_space<vmem>> -> memref<128xi32, #tpu.memory_space<vmem>>
          %dma_wait3A_96 = arith.constant 0 : i32
          %dma_wait3A_97 = arith.constant 0 : i32
          %dma_wait3A_98 = tpu.memref_slice %arg11[%dma_wait3A_96, %dma_wait3A_97] : memref<10240x128xf32, #tpu.memory_space<vmem_shared>> -> memref<10240x128xf32, #tpu.memory_space<vmem_shared>>
          tpu.wait_indirect_dma semaphore(%arg15 : memref<!tpu.dma_semaphore, #tpu.memory_space<semaphore_mem>>) src(%arg10 : memref<128x128xf32, #tpu.memory_space<vmem>>) dst(%dma_wait3A_98 : memref<10240x128xf32, #tpu.memory_space<vmem_shared>>)
        }
        %scan3A_35 = arith.constant 20 : i32
      }
      %scan3A_14 = arith.constant 4 : i32
    } else {
    }
    %eq3A_3 = arith.constant 1 : i32
    %eq3A_4 = arith.cmpi eq, %arg0, %eq3A_3 : i32
    %convert_element_type3A_5 = arith.extui %eq3A_4 : i1 to i32
    %cond3A_6 = arith.constant 0 : i32
    %cond3A_7 = arith.cmpi ne, %convert_element_type3A_5, %cond3A_6 : i32
    scf.if %cond3A_7 {
      %scan3A = arith.constant 0 : i32
      %scan3A_9 = arith.constant 1 : i32
      %scan3A_10 = arith.constant 0 : i32
      %scan3A_11 = arith.constant 4 : i32
      %scan3A_12 = arith.addi %scan3A_10, %scan3A_11 : i32
      %scan3A_13 = arith.constant 1 : i32
      scf.for %scan3A_15 = %scan3A_10 to %scan3A_12 step %scan3A_13  : i32 {
        %mul3A_16 = arith.constant 40 : i32
        %mul3A_17 = arith.muli %scan3A_15, %mul3A_16 : i32
        "tpu.region"() ({
          %run_scoped3A = tpu.sem_alloc : memref<!tpu.dma_semaphore, #tpu.memory_space<semaphore_mem>>
          %dma_start3A_36 = arith.constant 0 : i32
          %dma_start3A_37 = tpu.memref_slice %arg3[%arg1, %mul3A_17, %dma_start3A_36] : memref<16x160x128xi32, #tpu.memory_space<hbm>> -> memref<1x40x128xi32, #tpu.memory_space<hbm>>
          %dma_start3A_38 = tpu.memref_squeeze %dma_start3A_37 : memref<1x40x128xi32, #tpu.memory_space<hbm>> -> memref<40x128xi32, #tpu.memory_space<hbm>>
          %dma_start3A_39 = arith.constant 0 : i32
          %dma_start3A_40 = tpu.memref_slice %arg3[%arg1, %mul3A_17, %dma_start3A_39] : memref<16x160x128xi32, #tpu.memory_space<hbm>> -> memref<1x40x128xi32, #tpu.memory_space<hbm>>
          %dma_start3A_41 = tpu.memref_squeeze %dma_start3A_40 : memref<1x40x128xi32, #tpu.memory_space<hbm>> -> memref<40x128xi32, #tpu.memory_space<hbm>>
          tpu.enqueue_dma source(%dma_start3A_41 : memref<40x128xi32, #tpu.memory_space<hbm>>) target(%arg7 : memref<40x128xi32, #tpu.memory_space<vmem>>) target_semaphore(%run_scoped3A : memref<!tpu.dma_semaphore, #tpu.memory_space<semaphore_mem>>)
          %dma_wait3A = arith.constant 0 : i32
          %dma_wait3A_42 = tpu.memref_slice %arg3[%arg1, %mul3A_17, %dma_wait3A] : memref<16x160x128xi32, #tpu.memory_space<hbm>> -> memref<1x40x128xi32, #tpu.memory_space<hbm>>
          %dma_wait3A_43 = tpu.memref_squeeze %dma_wait3A_42 : memref<1x40x128xi32, #tpu.memory_space<hbm>> -> memref<40x128xi32, #tpu.memory_space<hbm>>
          %dma_wait3A_44 = arith.constant 0 : i32
          %dma_wait3A_45 = tpu.memref_slice %arg3[%arg1, %mul3A_17, %dma_wait3A_44] : memref<16x160x128xi32, #tpu.memory_space<hbm>> -> memref<1x40x128xi32, #tpu.memory_space<hbm>>
          %dma_wait3A_46 = tpu.memref_squeeze %dma_wait3A_45 : memref<1x40x128xi32, #tpu.memory_space<hbm>> -> memref<40x128xi32, #tpu.memory_space<hbm>>
          tpu.wait_dma2 semaphore(%run_scoped3A : memref<!tpu.dma_semaphore, #tpu.memory_space<semaphore_mem>>) src(%dma_wait3A_46 : memref<40x128xi32, #tpu.memory_space<hbm>>) dst(%arg7 : memref<40x128xi32, #tpu.memory_space<vmem>>)
          tpu.yield
        }) : () -> ()
        %mul3A_18 = arith.constant 40 : i32
        %mul3A_19 = arith.muli %scan3A_15, %mul3A_18 : i32
        "tpu.region"() ({
          %run_scoped3A = tpu.sem_alloc : memref<!tpu.dma_semaphore, #tpu.memory_space<semaphore_mem>>
          %dma_start3A_36 = arith.constant 0 : i32
          %dma_start3A_37 = tpu.memref_slice %arg4[%arg1, %mul3A_19, %dma_start3A_36] : memref<16x160x128xi32, #tpu.memory_space<hbm>> -> memref<1x40x128xi32, #tpu.memory_space<hbm>>
          %dma_start3A_38 = tpu.memref_squeeze %dma_start3A_37 : memref<1x40x128xi32, #tpu.memory_space<hbm>> -> memref<40x128xi32, #tpu.memory_space<hbm>>
          %dma_start3A_39 = arith.constant 0 : i32
          %dma_start3A_40 = tpu.memref_slice %arg4[%arg1, %mul3A_19, %dma_start3A_39] : memref<16x160x128xi32, #tpu.memory_space<hbm>> -> memref<1x40x128xi32, #tpu.memory_space<hbm>>
          %dma_start3A_41 = tpu.memref_squeeze %dma_start3A_40 : memref<1x40x128xi32, #tpu.memory_space<hbm>> -> memref<40x128xi32, #tpu.memory_space<hbm>>
          tpu.enqueue_dma source(%dma_start3A_41 : memref<40x128xi32, #tpu.memory_space<hbm>>) target(%arg8 : memref<40x128xi32, #tpu.memory_space<vmem>>) target_semaphore(%run_scoped3A : memref<!tpu.dma_semaphore, #tpu.memory_space<semaphore_mem>>)
          %dma_wait3A = arith.constant 0 : i32
          %dma_wait3A_42 = tpu.memref_slice %arg4[%arg1, %mul3A_19, %dma_wait3A] : memref<16x160x128xi32, #tpu.memory_space<hbm>> -> memref<1x40x128xi32, #tpu.memory_space<hbm>>
          %dma_wait3A_43 = tpu.memref_squeeze %dma_wait3A_42 : memref<1x40x128xi32, #tpu.memory_space<hbm>> -> memref<40x128xi32, #tpu.memory_space<hbm>>
          %dma_wait3A_44 = arith.constant 0 : i32
          %dma_wait3A_45 = tpu.memref_slice %arg4[%arg1, %mul3A_19, %dma_wait3A_44] : memref<16x160x128xi32, #tpu.memory_space<hbm>> -> memref<1x40x128xi32, #tpu.memory_space<hbm>>
          %dma_wait3A_46 = tpu.memref_squeeze %dma_wait3A_45 : memref<1x40x128xi32, #tpu.memory_space<hbm>> -> memref<40x128xi32, #tpu.memory_space<hbm>>
          tpu.wait_dma2 semaphore(%run_scoped3A : memref<!tpu.dma_semaphore, #tpu.memory_space<semaphore_mem>>) src(%dma_wait3A_46 : memref<40x128xi32, #tpu.memory_space<hbm>>) dst(%arg8 : memref<40x128xi32, #tpu.memory_space<vmem>>)
          tpu.yield
        }) : () -> ()
        %dma_start3A = arith.constant 0 : i32
        %dma_start3A_20 = arith.constant 0 : i32
        %dma_start3A_21 = tpu.memref_slice %arg7[%dma_start3A, %dma_start3A_20] : memref<40x128xi32, #tpu.memory_space<vmem>> -> memref<1x128xi32, #tpu.memory_space<vmem>>
        %dma_start3A_22 = tpu.memref_squeeze %dma_start3A_21 : memref<1x128xi32, #tpu.memory_space<vmem>> -> memref<128xi32, #tpu.memory_space<vmem>>
        %dma_start3A_23 = arith.constant 0 : i32
        %dma_start3A_24 = arith.constant 0 : i32
        %dma_start3A_25 = tpu.memref_slice %arg2[%scan3A_9, %dma_start3A_23, %dma_start3A_24] : memref<2x10240x128xf32, #tpu.memory_space<hbm>> -> memref<1x10240x128xf32, #tpu.memory_space<hbm>>
        %dma_start3A_26 = tpu.memref_squeeze %dma_start3A_25 : memref<1x10240x128xf32, #tpu.memory_space<hbm>> -> memref<10240x128xf32, #tpu.memory_space<hbm>>
        %dma_start3A_27 = arith.constant 0 : i32
        %dma_start3A_28 = arith.constant 0 : i32
        %dma_start3A_29 = tpu.memref_slice %dma_start3A_26[%dma_start3A_27, %dma_start3A_28] : memref<10240x128xf32, #tpu.memory_space<hbm>> -> memref<10240x128xf32, #tpu.memory_space<hbm>>
        tpu.enqueue_indirect_dma source(%dma_start3A_29 : memref<10240x128xf32, #tpu.memory_space<hbm>>) target(%arg9 : memref<128x128xf32, #tpu.memory_space<vmem>>) offsets(%dma_start3A_22 : memref<128xi32, #tpu.memory_space<vmem>>) semaphore(%arg12 : memref<!tpu.dma_semaphore, #tpu.memory_space<semaphore_mem>>)
        %scan3A_30 = arith.constant 0 : i32
        %scan3A_31 = arith.constant 0 : i32
        %scan3A_32 = arith.constant 20 : i32
        %scan3A_33 = arith.addi %scan3A_31, %scan3A_32 : i32
        %scan3A_34 = arith.constant 1 : i32
        scf.for %scan3A_36 = %scan3A_31 to %scan3A_33 step %scan3A_34  : i32 {
          %mul3A_37 = arith.constant 2 : i32
          %mul3A_38 = arith.muli %mul3A_37, %scan3A_36 : i32
          %dma_wait3A = arith.constant 0 : i32
          %dma_wait3A_39 = tpu.memref_slice %arg7[%mul3A_38, %dma_wait3A] : memref<40x128xi32, #tpu.memory_space<vmem>> -> memref<1x128xi32, #tpu.memory_space<vmem>>
          %dma_wait3A_40 = tpu.memref_squeeze %dma_wait3A_39 : memref<1x128xi32, #tpu.memory_space<vmem>> -> memref<128xi32, #tpu.memory_space<vmem>>
          %dma_wait3A_41 = arith.constant 0 : i32
          %dma_wait3A_42 = arith.constant 0 : i32
          %dma_wait3A_43 = tpu.memref_slice %arg2[%scan3A_9, %dma_wait3A_41, %dma_wait3A_42] : memref<2x10240x128xf32, #tpu.memory_space<hbm>> -> memref<1x10240x128xf32, #tpu.memory_space<hbm>>
          %dma_wait3A_44 = tpu.memref_squeeze %dma_wait3A_43 : memref<1x10240x128xf32, #tpu.memory_space<hbm>> -> memref<10240x128xf32, #tpu.memory_space<hbm>>
          %dma_wait3A_45 = arith.constant 0 : i32
          %dma_wait3A_46 = arith.constant 0 : i32
          %dma_wait3A_47 = tpu.memref_slice %dma_wait3A_44[%dma_wait3A_45, %dma_wait3A_46] : memref<10240x128xf32, #tpu.memory_space<hbm>> -> memref<10240x128xf32, #tpu.memory_space<hbm>>
          tpu.wait_indirect_dma semaphore(%arg12 : memref<!tpu.dma_semaphore, #tpu.memory_space<semaphore_mem>>) src(%dma_wait3A_47 : memref<10240x128xf32, #tpu.memory_space<hbm>>) dst(%arg9 : memref<128x128xf32, #tpu.memory_space<vmem>>)
          %dma_start3A_48 = arith.constant 0 : i32
          %dma_start3A_49 = tpu.memref_slice %arg8[%mul3A_38, %dma_start3A_48] : memref<40x128xi32, #tpu.memory_space<vmem>> -> memref<1x128xi32, #tpu.memory_space<vmem>>
          %dma_start3A_50 = tpu.memref_squeeze %dma_start3A_49 : memref<1x128xi32, #tpu.memory_space<vmem>> -> memref<128xi32, #tpu.memory_space<vmem>>
          %dma_start3A_51 = arith.constant 0 : i32
          %dma_start3A_52 = arith.constant 0 : i32
          %dma_start3A_53 = tpu.memref_slice %arg11[%dma_start3A_51, %dma_start3A_52] : memref<10240x128xf32, #tpu.memory_space<vmem_shared>> -> memref<10240x128xf32, #tpu.memory_space<vmem_shared>>
          tpu.enqueue_indirect_dma source(%arg9 : memref<128x128xf32, #tpu.memory_space<vmem>>) target(%dma_start3A_53 : memref<10240x128xf32, #tpu.memory_space<vmem_shared>>) offsets(%dma_start3A_50 : memref<128xi32, #tpu.memory_space<vmem>>) semaphore(%arg14 : memref<!tpu.dma_semaphore, #tpu.memory_space<semaphore_mem>>) {add = true}
          %add3A = arith.constant 1 : i32
          %add3A_54 = arith.addi %mul3A_38, %add3A : i32
          %dma_start3A_55 = arith.constant 0 : i32
          %dma_start3A_56 = tpu.memref_slice %arg7[%add3A_54, %dma_start3A_55] : memref<40x128xi32, #tpu.memory_space<vmem>> -> memref<1x128xi32, #tpu.memory_space<vmem>>
          %dma_start3A_57 = tpu.memref_squeeze %dma_start3A_56 : memref<1x128xi32, #tpu.memory_space<vmem>> -> memref<128xi32, #tpu.memory_space<vmem>>
          %dma_start3A_58 = arith.constant 0 : i32
          %dma_start3A_59 = arith.constant 0 : i32
          %dma_start3A_60 = tpu.memref_slice %arg2[%scan3A_9, %dma_start3A_58, %dma_start3A_59] : memref<2x10240x128xf32, #tpu.memory_space<hbm>> -> memref<1x10240x128xf32, #tpu.memory_space<hbm>>
          %dma_start3A_61 = tpu.memref_squeeze %dma_start3A_60 : memref<1x10240x128xf32, #tpu.memory_space<hbm>> -> memref<10240x128xf32, #tpu.memory_space<hbm>>
          %dma_start3A_62 = arith.constant 0 : i32
          %dma_start3A_63 = arith.constant 0 : i32
          %dma_start3A_64 = tpu.memref_slice %dma_start3A_61[%dma_start3A_62, %dma_start3A_63] : memref<10240x128xf32, #tpu.memory_space<hbm>> -> memref<10240x128xf32, #tpu.memory_space<hbm>>
          tpu.enqueue_indirect_dma source(%dma_start3A_64 : memref<10240x128xf32, #tpu.memory_space<hbm>>) target(%arg10 : memref<128x128xf32, #tpu.memory_space<vmem>>) offsets(%dma_start3A_57 : memref<128xi32, #tpu.memory_space<vmem>>) semaphore(%arg13 : memref<!tpu.dma_semaphore, #tpu.memory_space<semaphore_mem>>)
          %dma_wait3A_65 = arith.constant 0 : i32
          %dma_wait3A_66 = tpu.memref_slice %arg7[%add3A_54, %dma_wait3A_65] : memref<40x128xi32, #tpu.memory_space<vmem>> -> memref<1x128xi32, #tpu.memory_space<vmem>>
          %dma_wait3A_67 = tpu.memref_squeeze %dma_wait3A_66 : memref<1x128xi32, #tpu.memory_space<vmem>> -> memref<128xi32, #tpu.memory_space<vmem>>
          %dma_wait3A_68 = arith.constant 0 : i32
          %dma_wait3A_69 = arith.constant 0 : i32
          %dma_wait3A_70 = tpu.memref_slice %arg2[%scan3A_9, %dma_wait3A_68, %dma_wait3A_69] : memref<2x10240x128xf32, #tpu.memory_space<hbm>> -> memref<1x10240x128xf32, #tpu.memory_space<hbm>>
          %dma_wait3A_71 = tpu.memref_squeeze %dma_wait3A_70 : memref<1x10240x128xf32, #tpu.memory_space<hbm>> -> memref<10240x128xf32, #tpu.memory_space<hbm>>
          %dma_wait3A_72 = arith.constant 0 : i32
          %dma_wait3A_73 = arith.constant 0 : i32
          %dma_wait3A_74 = tpu.memref_slice %dma_wait3A_71[%dma_wait3A_72, %dma_wait3A_73] : memref<10240x128xf32, #tpu.memory_space<hbm>> -> memref<10240x128xf32, #tpu.memory_space<hbm>>
          tpu.wait_indirect_dma semaphore(%arg13 : memref<!tpu.dma_semaphore, #tpu.memory_space<semaphore_mem>>) src(%dma_wait3A_74 : memref<10240x128xf32, #tpu.memory_space<hbm>>) dst(%arg10 : memref<128x128xf32, #tpu.memory_space<vmem>>)
          %add3A_75 = arith.constant 1 : i32
          %add3A_76 = arith.addi %mul3A_38, %add3A_75 : i32
          %dma_start3A_77 = arith.constant 0 : i32
          %dma_start3A_78 = tpu.memref_slice %arg8[%add3A_76, %dma_start3A_77] : memref<40x128xi32, #tpu.memory_space<vmem>> -> memref<1x128xi32, #tpu.memory_space<vmem>>
          %dma_start3A_79 = tpu.memref_squeeze %dma_start3A_78 : memref<1x128xi32, #tpu.memory_space<vmem>> -> memref<128xi32, #tpu.memory_space<vmem>>
          %dma_start3A_80 = arith.constant 0 : i32
          %dma_start3A_81 = arith.constant 0 : i32
          %dma_start3A_82 = tpu.memref_slice %arg11[%dma_start3A_80, %dma_start3A_81] : memref<10240x128xf32, #tpu.memory_space<vmem_shared>> -> memref<10240x128xf32, #tpu.memory_space<vmem_shared>>
          tpu.enqueue_indirect_dma source(%arg10 : memref<128x128xf32, #tpu.memory_space<vmem>>) target(%dma_start3A_82 : memref<10240x128xf32, #tpu.memory_space<vmem_shared>>) offsets(%dma_start3A_79 : memref<128xi32, #tpu.memory_space<vmem>>) semaphore(%arg15 : memref<!tpu.dma_semaphore, #tpu.memory_space<semaphore_mem>>) {add = true}
          %dma_wait3A_83 = arith.constant 0 : i32
          %dma_wait3A_84 = tpu.memref_slice %arg8[%mul3A_38, %dma_wait3A_83] : memref<40x128xi32, #tpu.memory_space<vmem>> -> memref<1x128xi32, #tpu.memory_space<vmem>>
          %dma_wait3A_85 = tpu.memref_squeeze %dma_wait3A_84 : memref<1x128xi32, #tpu.memory_space<vmem>> -> memref<128xi32, #tpu.memory_space<vmem>>
          %dma_wait3A_86 = arith.constant 0 : i32
          %dma_wait3A_87 = arith.constant 0 : i32
          %dma_wait3A_88 = tpu.memref_slice %arg11[%dma_wait3A_86, %dma_wait3A_87] : memref<10240x128xf32, #tpu.memory_space<vmem_shared>> -> memref<10240x128xf32, #tpu.memory_space<vmem_shared>>
          tpu.wait_indirect_dma semaphore(%arg14 : memref<!tpu.dma_semaphore, #tpu.memory_space<semaphore_mem>>) src(%arg9 : memref<128x128xf32, #tpu.memory_space<vmem>>) dst(%dma_wait3A_88 : memref<10240x128xf32, #tpu.memory_space<vmem_shared>>)
          %lt3A = arith.constant 19 : i32
          %lt3A_89 = arith.cmpi slt, %scan3A_36, %lt3A : i32
          %convert_element_type3A_90 = arith.extui %lt3A_89 : i1 to i32
          %cond3A_91 = arith.constant 0 : i32
          %cond3A_92 = arith.cmpi ne, %convert_element_type3A_90, %cond3A_91 : i32
          scf.if %cond3A_92 {
            %add3A_99 = arith.constant 2 : i32
            %add3A_100 = arith.addi %mul3A_38, %add3A_99 : i32
            %dma_start3A_101 = arith.constant 0 : i32
            %dma_start3A_102 = tpu.memref_slice %arg7[%add3A_100, %dma_start3A_101] : memref<40x128xi32, #tpu.memory_space<vmem>> -> memref<1x128xi32, #tpu.memory_space<vmem>>
            %dma_start3A_103 = tpu.memref_squeeze %dma_start3A_102 : memref<1x128xi32, #tpu.memory_space<vmem>> -> memref<128xi32, #tpu.memory_space<vmem>>
            %dma_start3A_104 = arith.constant 0 : i32
            %dma_start3A_105 = arith.constant 0 : i32
            %dma_start3A_106 = tpu.memref_slice %arg2[%scan3A_9, %dma_start3A_104, %dma_start3A_105] : memref<2x10240x128xf32, #tpu.memory_space<hbm>> -> memref<1x10240x128xf32, #tpu.memory_space<hbm>>
            %dma_start3A_107 = tpu.memref_squeeze %dma_start3A_106 : memref<1x10240x128xf32, #tpu.memory_space<hbm>> -> memref<10240x128xf32, #tpu.memory_space<hbm>>
            %dma_start3A_108 = arith.constant 0 : i32
            %dma_start3A_109 = arith.constant 0 : i32
            %dma_start3A_110 = tpu.memref_slice %dma_start3A_107[%dma_start3A_108, %dma_start3A_109] : memref<10240x128xf32, #tpu.memory_space<hbm>> -> memref<10240x128xf32, #tpu.memory_space<hbm>>
            tpu.enqueue_indirect_dma source(%dma_start3A_110 : memref<10240x128xf32, #tpu.memory_space<hbm>>) target(%arg9 : memref<128x128xf32, #tpu.memory_space<vmem>>) offsets(%dma_start3A_103 : memref<128xi32, #tpu.memory_space<vmem>>) semaphore(%arg12 : memref<!tpu.dma_semaphore, #tpu.memory_space<semaphore_mem>>)
          } else {
          }
          %dma_wait3A_93 = arith.constant 0 : i32
          %dma_wait3A_94 = tpu.memref_slice %arg8[%add3A_76, %dma_wait3A_93] : memref<40x128xi32, #tpu.memory_space<vmem>> -> memref<1x128xi32, #tpu.memory_space<vmem>>
          %dma_wait3A_95 = tpu.memref_squeeze %dma_wait3A_94 : memref<1x128xi32, #tpu.memory_space<vmem>> -> memref<128xi32, #tpu.memory_space<vmem>>
          %dma_wait3A_96 = arith.constant 0 : i32
          %dma_wait3A_97 = arith.constant 0 : i32
          %dma_wait3A_98 = tpu.memref_slice %arg11[%dma_wait3A_96, %dma_wait3A_97] : memref<10240x128xf32, #tpu.memory_space<vmem_shared>> -> memref<10240x128xf32, #tpu.memory_space<vmem_shared>>
          tpu.wait_indirect_dma semaphore(%arg15 : memref<!tpu.dma_semaphore, #tpu.memory_space<semaphore_mem>>) src(%arg10 : memref<128x128xf32, #tpu.memory_space<vmem>>) dst(%dma_wait3A_98 : memref<10240x128xf32, #tpu.memory_space<vmem_shared>>)
        }
        %scan3A_35 = arith.constant 20 : i32
      }
      %scan3A_14 = arith.constant 4 : i32
    } else {
    }
    %barrier3A_8 = arith.constant 0 : index
    tpu.barrier barrier_id(%barrier3A_8)
    "tpu.region"() ({
      %run_scoped3A = tpu.sem_alloc : memref<!tpu.dma_semaphore, #tpu.memory_space<semaphore_mem>>
      %dma_start3A = arith.constant 0 : i32
      %dma_start3A_9 = tpu.memref_slice %arg6[%arg0, %mul3A_0, %dma_start3A] : memref<2x10240x128xf32, #tpu.memory_space<hbm>> -> memref<1x640x128xf32, #tpu.memory_space<hbm>>
      %dma_start3A_10 = tpu.memref_squeeze %dma_start3A_9 : memref<1x640x128xf32, #tpu.memory_space<hbm>> -> memref<640x128xf32, #tpu.memory_space<hbm>>
      %dma_start3A_11 = arith.constant 0 : i32
      %dma_start3A_12 = tpu.memref_slice %arg11[%mul3A_0, %dma_start3A_11] : memref<10240x128xf32, #tpu.memory_space<vmem_shared>> -> memref<640x128xf32, #tpu.memory_space<vmem_shared>>
      tpu.enqueue_dma source(%dma_start3A_12 : memref<640x128xf32, #tpu.memory_space<vmem_shared>>) target(%dma_start3A_10 : memref<640x128xf32, #tpu.memory_space<hbm>>) target_semaphore(%run_scoped3A : memref<!tpu.dma_semaphore, #tpu.memory_space<semaphore_mem>>)
      %dma_wait3A = arith.constant 0 : i32
      %dma_wait3A_13 = tpu.memref_slice %arg6[%arg0, %mul3A_0, %dma_wait3A] : memref<2x10240x128xf32, #tpu.memory_space<hbm>> -> memref<1x640x128xf32, #tpu.memory_space<hbm>>
      %dma_wait3A_14 = tpu.memref_squeeze %dma_wait3A_13 : memref<1x640x128xf32, #tpu.memory_space<hbm>> -> memref<640x128xf32, #tpu.memory_space<hbm>>
      %dma_wait3A_15 = arith.constant 0 : i32
      %dma_wait3A_16 = tpu.memref_slice %arg11[%mul3A_0, %dma_wait3A_15] : memref<10240x128xf32, #tpu.memory_space<vmem_shared>> -> memref<640x128xf32, #tpu.memory_space<vmem_shared>>
      tpu.wait_dma2 semaphore(%run_scoped3A : memref<!tpu.dma_semaphore, #tpu.memory_space<semaphore_mem>>) src(%dma_wait3A_16 : memref<640x128xf32, #tpu.memory_space<vmem_shared>>) dst(%dma_wait3A_14 : memref<640x128xf32, #tpu.memory_space<hbm>>)
      tpu.yield
    }) : () -> ()
    return
  }
}

#map = affine_map<(d0, d1) -> (0, 0, 0)>
#map1 = affine_map<(d0, d1) -> (0, 0)>
module attributes {stable_mosaic.version = 14 : i64} {
  func.func @_agg(%arg0: i32, %arg1: i32, %arg2: memref<2x10240x128xf32, #tpu.memory_space<hbm>>, %arg3: memref<16x160x128xi32, #tpu.memory_space<hbm>>, %arg4: memref<16x160x128xi32, #tpu.memory_space<hbm>>, %arg5: memref<10240x128xf32, #tpu.memory_space<hbm>>, %arg6: memref<2x10240x128xf32, #tpu.memory_space<hbm>>, %arg7: memref<40x128xi32, #tpu.memory_space<vmem>>, %arg8: memref<40x128xi32, #tpu.memory_space<vmem>>, %arg9: memref<128x128xf32, #tpu.memory_space<vmem>>, %arg10: memref<128x128xf32, #tpu.memory_space<vmem>>, %arg11: memref<10240x128xf32, #tpu.memory_space<vmem_shared>>, %arg12: memref<!tpu.dma_semaphore, #tpu.memory_space<semaphore_mem>>, %arg13: memref<!tpu.dma_semaphore, #tpu.memory_space<semaphore_mem>>, %arg14: memref<!tpu.dma_semaphore, #tpu.memory_space<semaphore_mem>>, %arg15: memref<!tpu.dma_semaphore, #tpu.memory_space<semaphore_mem>>) attributes {dimension_semantics = [#tpu.dimension_semantics<core_parallel>, #tpu.dimension_semantics<subcore_parallel>], iteration_bounds = array<i64: 2, 16>, scalar_prefetch = 0 : i64, scratch_operands = 9 : i64, tpu.core_type = #tpu.core_type<sc_vector_subcore>, window_params = [{transform_indices = #map}, {transform_indices = #map}, {transform_indices = #map}, {transform_indices = #map1}, {transform_indices = #map}]} {
    %mul3A = arith.constant 640 : i32
    %mul3A_0 = arith.muli %arg1, %mul3A : i32
    "tpu.region"() ({
      %run_scoped3A = tpu.sem_alloc : memref<!tpu.dma_semaphore, #tpu.memory_space<semaphore_mem>>
      %dma_start3A = arith.constant 0 : i32
      %dma_start3A_9 = tpu.memref_slice %arg11[%mul3A_0, %dma_start3A] : memref<10240x128xf32, #tpu.memory_space<vmem_shared>> -> memref<640x128xf32, #tpu.memory_space<vmem_shared>>
      %dma_start3A_10 = arith.constant 0 : i32
      %dma_start3A_11 = tpu.memref_slice %arg5[%mul3A_0, %dma_start3A_10] : memref<10240x128xf32, #tpu.memory_space<hbm>> -> memref<640x128xf32, #tpu.memory_space<hbm>>
      tpu.enqueue_dma source(%dma_start3A_11 : memref<640x128xf32, #tpu.memory_space<hbm>>) target(%dma_start3A_9 : memref<640x128xf32, #tpu.memory_space<vmem_shared>>) target_semaphore(%run_scoped3A : memref<!tpu.dma_semaphore, #tpu.memory_space<semaphore_mem>>)
      %dma_wait3A = arith.constant 0 : i32
      %dma_wait3A_12 = tpu.memref_slice %arg11[%mul3A_0, %dma_wait3A] : memref<10240x128xf32, #tpu.memory_space<vmem_shared>> -> memref<640x128xf32, #tpu.memory_space<vmem_shared>>
      %dma_wait3A_13 = arith.constant 0 : i32
      %dma_wait3A_14 = tpu.memref_slice %arg5[%mul3A_0, %dma_wait3A_13] : memref<10240x128xf32, #tpu.memory_space<hbm>> -> memref<640x128xf32, #tpu.memory_space<hbm>>
      tpu.wait_dma2 semaphore(%run_scoped3A : memref<!tpu.dma_semaphore, #tpu.memory_space<semaphore_mem>>) src(%dma_wait3A_14 : memref<640x128xf32, #tpu.memory_space<hbm>>) dst(%dma_wait3A_12 : memref<640x128xf32, #tpu.memory_space<vmem_shared>>)
      tpu.yield
    }) : () -> ()
    %barrier3A = arith.constant 0 : index
    tpu.barrier barrier_id(%barrier3A)
    %eq3A = arith.constant 0 : i32
    %eq3A_1 = arith.cmpi eq, %arg0, %eq3A : i32
    %convert_element_type3A = arith.extui %eq3A_1 : i1 to i32
    %cond3A = arith.constant 0 : i32
    %cond3A_2 = arith.cmpi ne, %convert_element_type3A, %cond3A : i32
    scf.if %cond3A_2 {
      %scan3A = arith.constant 0 : i32
      %scan3A_9 = arith.constant 0 : i32
      %scan3A_10 = arith.constant 0 : i32
      %scan3A_11 = arith.constant 4 : i32
      %scan3A_12 = arith.addi %scan3A_10, %scan3A_11 : i32
      %scan3A_13 = arith.constant 1 : i32
      scf.for %scan3A_15 = %scan3A_10 to %scan3A_12 step %scan3A_13  : i32 {
        %mul3A_16 = arith.constant 40 : i32
        %mul3A_17 = arith.muli %scan3A_15, %mul3A_16 : i32
        "tpu.region"() ({
          %run_scoped3A = tpu.sem_alloc : memref<!tpu.dma_semaphore, #tpu.memory_space<semaphore_mem>>
          %dma_start3A_36 = arith.constant 0 : i32
          %dma_start3A_37 = tpu.memref_slice %arg3[%arg1, %mul3A_17, %dma_start3A_36] : memref<16x160x128xi32, #tpu.memory_space<hbm>> -> memref<1x40x128xi32, #tpu.memory_space<hbm>>
          %dma_start3A_38 = tpu.memref_squeeze %dma_start3A_37 : memref<1x40x128xi32, #tpu.memory_space<hbm>> -> memref<40x128xi32, #tpu.memory_space<hbm>>
          %dma_start3A_39 = arith.constant 0 : i32
          %dma_start3A_40 = tpu.memref_slice %arg3[%arg1, %mul3A_17, %dma_start3A_39] : memref<16x160x128xi32, #tpu.memory_space<hbm>> -> memref<1x40x128xi32, #tpu.memory_space<hbm>>
          %dma_start3A_41 = tpu.memref_squeeze %dma_start3A_40 : memref<1x40x128xi32, #tpu.memory_space<hbm>> -> memref<40x128xi32, #tpu.memory_space<hbm>>
          tpu.enqueue_dma source(%dma_start3A_41 : memref<40x128xi32, #tpu.memory_space<hbm>>) target(%arg7 : memref<40x128xi32, #tpu.memory_space<vmem>>) target_semaphore(%run_scoped3A : memref<!tpu.dma_semaphore, #tpu.memory_space<semaphore_mem>>)
          %dma_wait3A = arith.constant 0 : i32
          %dma_wait3A_42 = tpu.memref_slice %arg3[%arg1, %mul3A_17, %dma_wait3A] : memref<16x160x128xi32, #tpu.memory_space<hbm>> -> memref<1x40x128xi32, #tpu.memory_space<hbm>>
          %dma_wait3A_43 = tpu.memref_squeeze %dma_wait3A_42 : memref<1x40x128xi32, #tpu.memory_space<hbm>> -> memref<40x128xi32, #tpu.memory_space<hbm>>
          %dma_wait3A_44 = arith.constant 0 : i32
          %dma_wait3A_45 = tpu.memref_slice %arg3[%arg1, %mul3A_17, %dma_wait3A_44] : memref<16x160x128xi32, #tpu.memory_space<hbm>> -> memref<1x40x128xi32, #tpu.memory_space<hbm>>
          %dma_wait3A_46 = tpu.memref_squeeze %dma_wait3A_45 : memref<1x40x128xi32, #tpu.memory_space<hbm>> -> memref<40x128xi32, #tpu.memory_space<hbm>>
          tpu.wait_dma2 semaphore(%run_scoped3A : memref<!tpu.dma_semaphore, #tpu.memory_space<semaphore_mem>>) src(%dma_wait3A_46 : memref<40x128xi32, #tpu.memory_space<hbm>>) dst(%arg7 : memref<40x128xi32, #tpu.memory_space<vmem>>)
          tpu.yield
        }) : () -> ()
        %mul3A_18 = arith.constant 40 : i32
        %mul3A_19 = arith.muli %scan3A_15, %mul3A_18 : i32
        "tpu.region"() ({
          %run_scoped3A = tpu.sem_alloc : memref<!tpu.dma_semaphore, #tpu.memory_space<semaphore_mem>>
          %dma_start3A_36 = arith.constant 0 : i32
          %dma_start3A_37 = tpu.memref_slice %arg4[%arg1, %mul3A_19, %dma_start3A_36] : memref<16x160x128xi32, #tpu.memory_space<hbm>> -> memref<1x40x128xi32, #tpu.memory_space<hbm>>
          %dma_start3A_38 = tpu.memref_squeeze %dma_start3A_37 : memref<1x40x128xi32, #tpu.memory_space<hbm>> -> memref<40x128xi32, #tpu.memory_space<hbm>>
          %dma_start3A_39 = arith.constant 0 : i32
          %dma_start3A_40 = tpu.memref_slice %arg4[%arg1, %mul3A_19, %dma_start3A_39] : memref<16x160x128xi32, #tpu.memory_space<hbm>> -> memref<1x40x128xi32, #tpu.memory_space<hbm>>
          %dma_start3A_41 = tpu.memref_squeeze %dma_start3A_40 : memref<1x40x128xi32, #tpu.memory_space<hbm>> -> memref<40x128xi32, #tpu.memory_space<hbm>>
          tpu.enqueue_dma source(%dma_start3A_41 : memref<40x128xi32, #tpu.memory_space<hbm>>) target(%arg8 : memref<40x128xi32, #tpu.memory_space<vmem>>) target_semaphore(%run_scoped3A : memref<!tpu.dma_semaphore, #tpu.memory_space<semaphore_mem>>)
          %dma_wait3A = arith.constant 0 : i32
          %dma_wait3A_42 = tpu.memref_slice %arg4[%arg1, %mul3A_19, %dma_wait3A] : memref<16x160x128xi32, #tpu.memory_space<hbm>> -> memref<1x40x128xi32, #tpu.memory_space<hbm>>
          %dma_wait3A_43 = tpu.memref_squeeze %dma_wait3A_42 : memref<1x40x128xi32, #tpu.memory_space<hbm>> -> memref<40x128xi32, #tpu.memory_space<hbm>>
          %dma_wait3A_44 = arith.constant 0 : i32
          %dma_wait3A_45 = tpu.memref_slice %arg4[%arg1, %mul3A_19, %dma_wait3A_44] : memref<16x160x128xi32, #tpu.memory_space<hbm>> -> memref<1x40x128xi32, #tpu.memory_space<hbm>>
          %dma_wait3A_46 = tpu.memref_squeeze %dma_wait3A_45 : memref<1x40x128xi32, #tpu.memory_space<hbm>> -> memref<40x128xi32, #tpu.memory_space<hbm>>
          tpu.wait_dma2 semaphore(%run_scoped3A : memref<!tpu.dma_semaphore, #tpu.memory_space<semaphore_mem>>) src(%dma_wait3A_46 : memref<40x128xi32, #tpu.memory_space<hbm>>) dst(%arg8 : memref<40x128xi32, #tpu.memory_space<vmem>>)
          tpu.yield
        }) : () -> ()
        %dma_start3A = arith.constant 0 : i32
        %dma_start3A_20 = arith.constant 0 : i32
        %dma_start3A_21 = tpu.memref_slice %arg7[%dma_start3A, %dma_start3A_20] : memref<40x128xi32, #tpu.memory_space<vmem>> -> memref<1x128xi32, #tpu.memory_space<vmem>>
        %dma_start3A_22 = tpu.memref_squeeze %dma_start3A_21 : memref<1x128xi32, #tpu.memory_space<vmem>> -> memref<128xi32, #tpu.memory_space<vmem>>
        %dma_start3A_23 = arith.constant 0 : i32
        %dma_start3A_24 = arith.constant 0 : i32
        %dma_start3A_25 = tpu.memref_slice %arg2[%scan3A_9, %dma_start3A_23, %dma_start3A_24] : memref<2x10240x128xf32, #tpu.memory_space<hbm>> -> memref<1x10240x128xf32, #tpu.memory_space<hbm>>
        %dma_start3A_26 = tpu.memref_squeeze %dma_start3A_25 : memref<1x10240x128xf32, #tpu.memory_space<hbm>> -> memref<10240x128xf32, #tpu.memory_space<hbm>>
        %dma_start3A_27 = arith.constant 0 : i32
        %dma_start3A_28 = arith.constant 0 : i32
        %dma_start3A_29 = tpu.memref_slice %dma_start3A_26[%dma_start3A_27, %dma_start3A_28] : memref<10240x128xf32, #tpu.memory_space<hbm>> -> memref<10240x128xf32, #tpu.memory_space<hbm>>
        tpu.enqueue_indirect_dma source(%dma_start3A_29 : memref<10240x128xf32, #tpu.memory_space<hbm>>) target(%arg9 : memref<128x128xf32, #tpu.memory_space<vmem>>) offsets(%dma_start3A_22 : memref<128xi32, #tpu.memory_space<vmem>>) semaphore(%arg12 : memref<!tpu.dma_semaphore, #tpu.memory_space<semaphore_mem>>)
        %scan3A_30 = arith.constant 0 : i32
        %scan3A_31 = arith.constant 0 : i32
        %scan3A_32 = arith.constant 20 : i32
        %scan3A_33 = arith.addi %scan3A_31, %scan3A_32 : i32
        %scan3A_34 = arith.constant 1 : i32
        scf.for %scan3A_36 = %scan3A_31 to %scan3A_33 step %scan3A_34  : i32 {
          %mul3A_37 = arith.constant 2 : i32
          %mul3A_38 = arith.muli %mul3A_37, %scan3A_36 : i32
          %dma_wait3A = arith.constant 0 : i32
          %dma_wait3A_39 = tpu.memref_slice %arg7[%mul3A_38, %dma_wait3A] : memref<40x128xi32, #tpu.memory_space<vmem>> -> memref<1x128xi32, #tpu.memory_space<vmem>>
          %dma_wait3A_40 = tpu.memref_squeeze %dma_wait3A_39 : memref<1x128xi32, #tpu.memory_space<vmem>> -> memref<128xi32, #tpu.memory_space<vmem>>
          %dma_wait3A_41 = arith.constant 0 : i32
          %dma_wait3A_42 = arith.constant 0 : i32
          %dma_wait3A_43 = tpu.memref_slice %arg2[%scan3A_9, %dma_wait3A_41, %dma_wait3A_42] : memref<2x10240x128xf32, #tpu.memory_space<hbm>> -> memref<1x10240x128xf32, #tpu.memory_space<hbm>>
          %dma_wait3A_44 = tpu.memref_squeeze %dma_wait3A_43 : memref<1x10240x128xf32, #tpu.memory_space<hbm>> -> memref<10240x128xf32, #tpu.memory_space<hbm>>
          %dma_wait3A_45 = arith.constant 0 : i32
          %dma_wait3A_46 = arith.constant 0 : i32
          %dma_wait3A_47 = tpu.memref_slice %dma_wait3A_44[%dma_wait3A_45, %dma_wait3A_46] : memref<10240x128xf32, #tpu.memory_space<hbm>> -> memref<10240x128xf32, #tpu.memory_space<hbm>>
          tpu.wait_indirect_dma semaphore(%arg12 : memref<!tpu.dma_semaphore, #tpu.memory_space<semaphore_mem>>) src(%dma_wait3A_47 : memref<10240x128xf32, #tpu.memory_space<hbm>>) dst(%arg9 : memref<128x128xf32, #tpu.memory_space<vmem>>)
          %dma_start3A_48 = arith.constant 0 : i32
          %dma_start3A_49 = tpu.memref_slice %arg8[%mul3A_38, %dma_start3A_48] : memref<40x128xi32, #tpu.memory_space<vmem>> -> memref<1x128xi32, #tpu.memory_space<vmem>>
          %dma_start3A_50 = tpu.memref_squeeze %dma_start3A_49 : memref<1x128xi32, #tpu.memory_space<vmem>> -> memref<128xi32, #tpu.memory_space<vmem>>
          %dma_start3A_51 = arith.constant 0 : i32
          %dma_start3A_52 = arith.constant 0 : i32
          %dma_start3A_53 = tpu.memref_slice %arg11[%dma_start3A_51, %dma_start3A_52] : memref<10240x128xf32, #tpu.memory_space<vmem_shared>> -> memref<10240x128xf32, #tpu.memory_space<vmem_shared>>
          tpu.enqueue_indirect_dma source(%arg9 : memref<128x128xf32, #tpu.memory_space<vmem>>) target(%dma_start3A_53 : memref<10240x128xf32, #tpu.memory_space<vmem_shared>>) offsets(%dma_start3A_50 : memref<128xi32, #tpu.memory_space<vmem>>) semaphore(%arg14 : memref<!tpu.dma_semaphore, #tpu.memory_space<semaphore_mem>>) {add = true}
          %add3A = arith.constant 1 : i32
          %add3A_54 = arith.addi %mul3A_38, %add3A : i32
          %dma_start3A_55 = arith.constant 0 : i32
          %dma_start3A_56 = tpu.memref_slice %arg7[%add3A_54, %dma_start3A_55] : memref<40x128xi32, #tpu.memory_space<vmem>> -> memref<1x128xi32, #tpu.memory_space<vmem>>
          %dma_start3A_57 = tpu.memref_squeeze %dma_start3A_56 : memref<1x128xi32, #tpu.memory_space<vmem>> -> memref<128xi32, #tpu.memory_space<vmem>>
          %dma_start3A_58 = arith.constant 0 : i32
          %dma_start3A_59 = arith.constant 0 : i32
          %dma_start3A_60 = tpu.memref_slice %arg2[%scan3A_9, %dma_start3A_58, %dma_start3A_59] : memref<2x10240x128xf32, #tpu.memory_space<hbm>> -> memref<1x10240x128xf32, #tpu.memory_space<hbm>>
          %dma_start3A_61 = tpu.memref_squeeze %dma_start3A_60 : memref<1x10240x128xf32, #tpu.memory_space<hbm>> -> memref<10240x128xf32, #tpu.memory_space<hbm>>
          %dma_start3A_62 = arith.constant 0 : i32
          %dma_start3A_63 = arith.constant 0 : i32
          %dma_start3A_64 = tpu.memref_slice %dma_start3A_61[%dma_start3A_62, %dma_start3A_63] : memref<10240x128xf32, #tpu.memory_space<hbm>> -> memref<10240x128xf32, #tpu.memory_space<hbm>>
          tpu.enqueue_indirect_dma source(%dma_start3A_64 : memref<10240x128xf32, #tpu.memory_space<hbm>>) target(%arg10 : memref<128x128xf32, #tpu.memory_space<vmem>>) offsets(%dma_start3A_57 : memref<128xi32, #tpu.memory_space<vmem>>) semaphore(%arg13 : memref<!tpu.dma_semaphore, #tpu.memory_space<semaphore_mem>>)
          %dma_wait3A_65 = arith.constant 0 : i32
          %dma_wait3A_66 = tpu.memref_slice %arg7[%add3A_54, %dma_wait3A_65] : memref<40x128xi32, #tpu.memory_space<vmem>> -> memref<1x128xi32, #tpu.memory_space<vmem>>
          %dma_wait3A_67 = tpu.memref_squeeze %dma_wait3A_66 : memref<1x128xi32, #tpu.memory_space<vmem>> -> memref<128xi32, #tpu.memory_space<vmem>>
          %dma_wait3A_68 = arith.constant 0 : i32
          %dma_wait3A_69 = arith.constant 0 : i32
          %dma_wait3A_70 = tpu.memref_slice %arg2[%scan3A_9, %dma_wait3A_68, %dma_wait3A_69] : memref<2x10240x128xf32, #tpu.memory_space<hbm>> -> memref<1x10240x128xf32, #tpu.memory_space<hbm>>
          %dma_wait3A_71 = tpu.memref_squeeze %dma_wait3A_70 : memref<1x10240x128xf32, #tpu.memory_space<hbm>> -> memref<10240x128xf32, #tpu.memory_space<hbm>>
          %dma_wait3A_72 = arith.constant 0 : i32
          %dma_wait3A_73 = arith.constant 0 : i32
          %dma_wait3A_74 = tpu.memref_slice %dma_wait3A_71[%dma_wait3A_72, %dma_wait3A_73] : memref<10240x128xf32, #tpu.memory_space<hbm>> -> memref<10240x128xf32, #tpu.memory_space<hbm>>
          tpu.wait_indirect_dma semaphore(%arg13 : memref<!tpu.dma_semaphore, #tpu.memory_space<semaphore_mem>>) src(%dma_wait3A_74 : memref<10240x128xf32, #tpu.memory_space<hbm>>) dst(%arg10 : memref<128x128xf32, #tpu.memory_space<vmem>>)
          %add3A_75 = arith.constant 1 : i32
          %add3A_76 = arith.addi %mul3A_38, %add3A_75 : i32
          %dma_start3A_77 = arith.constant 0 : i32
          %dma_start3A_78 = tpu.memref_slice %arg8[%add3A_76, %dma_start3A_77] : memref<40x128xi32, #tpu.memory_space<vmem>> -> memref<1x128xi32, #tpu.memory_space<vmem>>
          %dma_start3A_79 = tpu.memref_squeeze %dma_start3A_78 : memref<1x128xi32, #tpu.memory_space<vmem>> -> memref<128xi32, #tpu.memory_space<vmem>>
          %dma_start3A_80 = arith.constant 0 : i32
          %dma_start3A_81 = arith.constant 0 : i32
          %dma_start3A_82 = tpu.memref_slice %arg11[%dma_start3A_80, %dma_start3A_81] : memref<10240x128xf32, #tpu.memory_space<vmem_shared>> -> memref<10240x128xf32, #tpu.memory_space<vmem_shared>>
          tpu.enqueue_indirect_dma source(%arg10 : memref<128x128xf32, #tpu.memory_space<vmem>>) target(%dma_start3A_82 : memref<10240x128xf32, #tpu.memory_space<vmem_shared>>) offsets(%dma_start3A_79 : memref<128xi32, #tpu.memory_space<vmem>>) semaphore(%arg15 : memref<!tpu.dma_semaphore, #tpu.memory_space<semaphore_mem>>) {add = true}
          %dma_wait3A_83 = arith.constant 0 : i32
          %dma_wait3A_84 = tpu.memref_slice %arg8[%mul3A_38, %dma_wait3A_83] : memref<40x128xi32, #tpu.memory_space<vmem>> -> memref<1x128xi32, #tpu.memory_space<vmem>>
          %dma_wait3A_85 = tpu.memref_squeeze %dma_wait3A_84 : memref<1x128xi32, #tpu.memory_space<vmem>> -> memref<128xi32, #tpu.memory_space<vmem>>
          %dma_wait3A_86 = arith.constant 0 : i32
          %dma_wait3A_87 = arith.constant 0 : i32
          %dma_wait3A_88 = tpu.memref_slice %arg11[%dma_wait3A_86, %dma_wait3A_87] : memref<10240x128xf32, #tpu.memory_space<vmem_shared>> -> memref<10240x128xf32, #tpu.memory_space<vmem_shared>>
          tpu.wait_indirect_dma semaphore(%arg14 : memref<!tpu.dma_semaphore, #tpu.memory_space<semaphore_mem>>) src(%arg9 : memref<128x128xf32, #tpu.memory_space<vmem>>) dst(%dma_wait3A_88 : memref<10240x128xf32, #tpu.memory_space<vmem_shared>>)
          %lt3A = arith.constant 19 : i32
          %lt3A_89 = arith.cmpi slt, %scan3A_36, %lt3A : i32
          %convert_element_type3A_90 = arith.extui %lt3A_89 : i1 to i32
          %cond3A_91 = arith.constant 0 : i32
          %cond3A_92 = arith.cmpi ne, %convert_element_type3A_90, %cond3A_91 : i32
          scf.if %cond3A_92 {
            %add3A_99 = arith.constant 2 : i32
            %add3A_100 = arith.addi %mul3A_38, %add3A_99 : i32
            %dma_start3A_101 = arith.constant 0 : i32
            %dma_start3A_102 = tpu.memref_slice %arg7[%add3A_100, %dma_start3A_101] : memref<40x128xi32, #tpu.memory_space<vmem>> -> memref<1x128xi32, #tpu.memory_space<vmem>>
            %dma_start3A_103 = tpu.memref_squeeze %dma_start3A_102 : memref<1x128xi32, #tpu.memory_space<vmem>> -> memref<128xi32, #tpu.memory_space<vmem>>
            %dma_start3A_104 = arith.constant 0 : i32
            %dma_start3A_105 = arith.constant 0 : i32
            %dma_start3A_106 = tpu.memref_slice %arg2[%scan3A_9, %dma_start3A_104, %dma_start3A_105] : memref<2x10240x128xf32, #tpu.memory_space<hbm>> -> memref<1x10240x128xf32, #tpu.memory_space<hbm>>
            %dma_start3A_107 = tpu.memref_squeeze %dma_start3A_106 : memref<1x10240x128xf32, #tpu.memory_space<hbm>> -> memref<10240x128xf32, #tpu.memory_space<hbm>>
            %dma_start3A_108 = arith.constant 0 : i32
            %dma_start3A_109 = arith.constant 0 : i32
            %dma_start3A_110 = tpu.memref_slice %dma_start3A_107[%dma_start3A_108, %dma_start3A_109] : memref<10240x128xf32, #tpu.memory_space<hbm>> -> memref<10240x128xf32, #tpu.memory_space<hbm>>
            tpu.enqueue_indirect_dma source(%dma_start3A_110 : memref<10240x128xf32, #tpu.memory_space<hbm>>) target(%arg9 : memref<128x128xf32, #tpu.memory_space<vmem>>) offsets(%dma_start3A_103 : memref<128xi32, #tpu.memory_space<vmem>>) semaphore(%arg12 : memref<!tpu.dma_semaphore, #tpu.memory_space<semaphore_mem>>)
          } else {
          }
          %dma_wait3A_93 = arith.constant 0 : i32
          %dma_wait3A_94 = tpu.memref_slice %arg8[%add3A_76, %dma_wait3A_93] : memref<40x128xi32, #tpu.memory_space<vmem>> -> memref<1x128xi32, #tpu.memory_space<vmem>>
          %dma_wait3A_95 = tpu.memref_squeeze %dma_wait3A_94 : memref<1x128xi32, #tpu.memory_space<vmem>> -> memref<128xi32, #tpu.memory_space<vmem>>
          %dma_wait3A_96 = arith.constant 0 : i32
          %dma_wait3A_97 = arith.constant 0 : i32
          %dma_wait3A_98 = tpu.memref_slice %arg11[%dma_wait3A_96, %dma_wait3A_97] : memref<10240x128xf32, #tpu.memory_space<vmem_shared>> -> memref<10240x128xf32, #tpu.memory_space<vmem_shared>>
          tpu.wait_indirect_dma semaphore(%arg15 : memref<!tpu.dma_semaphore, #tpu.memory_space<semaphore_mem>>) src(%arg10 : memref<128x128xf32, #tpu.memory_space<vmem>>) dst(%dma_wait3A_98 : memref<10240x128xf32, #tpu.memory_space<vmem_shared>>)
        }
        %scan3A_35 = arith.constant 20 : i32
      }
      %scan3A_14 = arith.constant 4 : i32
    } else {
    }
    %eq3A_3 = arith.constant 1 : i32
    %eq3A_4 = arith.cmpi eq, %arg0, %eq3A_3 : i32
    %convert_element_type3A_5 = arith.extui %eq3A_4 : i1 to i32
    %cond3A_6 = arith.constant 0 : i32
    %cond3A_7 = arith.cmpi ne, %convert_element_type3A_5, %cond3A_6 : i32
    scf.if %cond3A_7 {
      %scan3A = arith.constant 0 : i32
      %scan3A_9 = arith.constant 1 : i32
      %scan3A_10 = arith.constant 0 : i32
      %scan3A_11 = arith.constant 4 : i32
      %scan3A_12 = arith.addi %scan3A_10, %scan3A_11 : i32
      %scan3A_13 = arith.constant 1 : i32
      scf.for %scan3A_15 = %scan3A_10 to %scan3A_12 step %scan3A_13  : i32 {
        %mul3A_16 = arith.constant 40 : i32
        %mul3A_17 = arith.muli %scan3A_15, %mul3A_16 : i32
        "tpu.region"() ({
          %run_scoped3A = tpu.sem_alloc : memref<!tpu.dma_semaphore, #tpu.memory_space<semaphore_mem>>
          %dma_start3A_36 = arith.constant 0 : i32
          %dma_start3A_37 = tpu.memref_slice %arg3[%arg1, %mul3A_17, %dma_start3A_36] : memref<16x160x128xi32, #tpu.memory_space<hbm>> -> memref<1x40x128xi32, #tpu.memory_space<hbm>>
          %dma_start3A_38 = tpu.memref_squeeze %dma_start3A_37 : memref<1x40x128xi32, #tpu.memory_space<hbm>> -> memref<40x128xi32, #tpu.memory_space<hbm>>
          %dma_start3A_39 = arith.constant 0 : i32
          %dma_start3A_40 = tpu.memref_slice %arg3[%arg1, %mul3A_17, %dma_start3A_39] : memref<16x160x128xi32, #tpu.memory_space<hbm>> -> memref<1x40x128xi32, #tpu.memory_space<hbm>>
          %dma_start3A_41 = tpu.memref_squeeze %dma_start3A_40 : memref<1x40x128xi32, #tpu.memory_space<hbm>> -> memref<40x128xi32, #tpu.memory_space<hbm>>
          tpu.enqueue_dma source(%dma_start3A_41 : memref<40x128xi32, #tpu.memory_space<hbm>>) target(%arg7 : memref<40x128xi32, #tpu.memory_space<vmem>>) target_semaphore(%run_scoped3A : memref<!tpu.dma_semaphore, #tpu.memory_space<semaphore_mem>>)
          %dma_wait3A = arith.constant 0 : i32
          %dma_wait3A_42 = tpu.memref_slice %arg3[%arg1, %mul3A_17, %dma_wait3A] : memref<16x160x128xi32, #tpu.memory_space<hbm>> -> memref<1x40x128xi32, #tpu.memory_space<hbm>>
          %dma_wait3A_43 = tpu.memref_squeeze %dma_wait3A_42 : memref<1x40x128xi32, #tpu.memory_space<hbm>> -> memref<40x128xi32, #tpu.memory_space<hbm>>
          %dma_wait3A_44 = arith.constant 0 : i32
          %dma_wait3A_45 = tpu.memref_slice %arg3[%arg1, %mul3A_17, %dma_wait3A_44] : memref<16x160x128xi32, #tpu.memory_space<hbm>> -> memref<1x40x128xi32, #tpu.memory_space<hbm>>
          %dma_wait3A_46 = tpu.memref_squeeze %dma_wait3A_45 : memref<1x40x128xi32, #tpu.memory_space<hbm>> -> memref<40x128xi32, #tpu.memory_space<hbm>>
          tpu.wait_dma2 semaphore(%run_scoped3A : memref<!tpu.dma_semaphore, #tpu.memory_space<semaphore_mem>>) src(%dma_wait3A_46 : memref<40x128xi32, #tpu.memory_space<hbm>>) dst(%arg7 : memref<40x128xi32, #tpu.memory_space<vmem>>)
          tpu.yield
        }) : () -> ()
        %mul3A_18 = arith.constant 40 : i32
        %mul3A_19 = arith.muli %scan3A_15, %mul3A_18 : i32
        "tpu.region"() ({
          %run_scoped3A = tpu.sem_alloc : memref<!tpu.dma_semaphore, #tpu.memory_space<semaphore_mem>>
          %dma_start3A_36 = arith.constant 0 : i32
          %dma_start3A_37 = tpu.memref_slice %arg4[%arg1, %mul3A_19, %dma_start3A_36] : memref<16x160x128xi32, #tpu.memory_space<hbm>> -> memref<1x40x128xi32, #tpu.memory_space<hbm>>
          %dma_start3A_38 = tpu.memref_squeeze %dma_start3A_37 : memref<1x40x128xi32, #tpu.memory_space<hbm>> -> memref<40x128xi32, #tpu.memory_space<hbm>>
          %dma_start3A_39 = arith.constant 0 : i32
          %dma_start3A_40 = tpu.memref_slice %arg4[%arg1, %mul3A_19, %dma_start3A_39] : memref<16x160x128xi32, #tpu.memory_space<hbm>> -> memref<1x40x128xi32, #tpu.memory_space<hbm>>
          %dma_start3A_41 = tpu.memref_squeeze %dma_start3A_40 : memref<1x40x128xi32, #tpu.memory_space<hbm>> -> memref<40x128xi32, #tpu.memory_space<hbm>>
          tpu.enqueue_dma source(%dma_start3A_41 : memref<40x128xi32, #tpu.memory_space<hbm>>) target(%arg8 : memref<40x128xi32, #tpu.memory_space<vmem>>) target_semaphore(%run_scoped3A : memref<!tpu.dma_semaphore, #tpu.memory_space<semaphore_mem>>)
          %dma_wait3A = arith.constant 0 : i32
          %dma_wait3A_42 = tpu.memref_slice %arg4[%arg1, %mul3A_19, %dma_wait3A] : memref<16x160x128xi32, #tpu.memory_space<hbm>> -> memref<1x40x128xi32, #tpu.memory_space<hbm>>
          %dma_wait3A_43 = tpu.memref_squeeze %dma_wait3A_42 : memref<1x40x128xi32, #tpu.memory_space<hbm>> -> memref<40x128xi32, #tpu.memory_space<hbm>>
          %dma_wait3A_44 = arith.constant 0 : i32
          %dma_wait3A_45 = tpu.memref_slice %arg4[%arg1, %mul3A_19, %dma_wait3A_44] : memref<16x160x128xi32, #tpu.memory_space<hbm>> -> memref<1x40x128xi32, #tpu.memory_space<hbm>>
          %dma_wait3A_46 = tpu.memref_squeeze %dma_wait3A_45 : memref<1x40x128xi32, #tpu.memory_space<hbm>> -> memref<40x128xi32, #tpu.memory_space<hbm>>
          tpu.wait_dma2 semaphore(%run_scoped3A : memref<!tpu.dma_semaphore, #tpu.memory_space<semaphore_mem>>) src(%dma_wait3A_46 : memref<40x128xi32, #tpu.memory_space<hbm>>) dst(%arg8 : memref<40x128xi32, #tpu.memory_space<vmem>>)
          tpu.yield
        }) : () -> ()
        %dma_start3A = arith.constant 0 : i32
        %dma_start3A_20 = arith.constant 0 : i32
        %dma_start3A_21 = tpu.memref_slice %arg7[%dma_start3A, %dma_start3A_20] : memref<40x128xi32, #tpu.memory_space<vmem>> -> memref<1x128xi32, #tpu.memory_space<vmem>>
        %dma_start3A_22 = tpu.memref_squeeze %dma_start3A_21 : memref<1x128xi32, #tpu.memory_space<vmem>> -> memref<128xi32, #tpu.memory_space<vmem>>
        %dma_start3A_23 = arith.constant 0 : i32
        %dma_start3A_24 = arith.constant 0 : i32
        %dma_start3A_25 = tpu.memref_slice %arg2[%scan3A_9, %dma_start3A_23, %dma_start3A_24] : memref<2x10240x128xf32, #tpu.memory_space<hbm>> -> memref<1x10240x128xf32, #tpu.memory_space<hbm>>
        %dma_start3A_26 = tpu.memref_squeeze %dma_start3A_25 : memref<1x10240x128xf32, #tpu.memory_space<hbm>> -> memref<10240x128xf32, #tpu.memory_space<hbm>>
        %dma_start3A_27 = arith.constant 0 : i32
        %dma_start3A_28 = arith.constant 0 : i32
        %dma_start3A_29 = tpu.memref_slice %dma_start3A_26[%dma_start3A_27, %dma_start3A_28] : memref<10240x128xf32, #tpu.memory_space<hbm>> -> memref<10240x128xf32, #tpu.memory_space<hbm>>
        tpu.enqueue_indirect_dma source(%dma_start3A_29 : memref<10240x128xf32, #tpu.memory_space<hbm>>) target(%arg9 : memref<128x128xf32, #tpu.memory_space<vmem>>) offsets(%dma_start3A_22 : memref<128xi32, #tpu.memory_space<vmem>>) semaphore(%arg12 : memref<!tpu.dma_semaphore, #tpu.memory_space<semaphore_mem>>)
        %scan3A_30 = arith.constant 0 : i32
        %scan3A_31 = arith.constant 0 : i32
        %scan3A_32 = arith.constant 20 : i32
        %scan3A_33 = arith.addi %scan3A_31, %scan3A_32 : i32
        %scan3A_34 = arith.constant 1 : i32
        scf.for %scan3A_36 = %scan3A_31 to %scan3A_33 step %scan3A_34  : i32 {
          %mul3A_37 = arith.constant 2 : i32
          %mul3A_38 = arith.muli %mul3A_37, %scan3A_36 : i32
          %dma_wait3A = arith.constant 0 : i32
          %dma_wait3A_39 = tpu.memref_slice %arg7[%mul3A_38, %dma_wait3A] : memref<40x128xi32, #tpu.memory_space<vmem>> -> memref<1x128xi32, #tpu.memory_space<vmem>>
          %dma_wait3A_40 = tpu.memref_squeeze %dma_wait3A_39 : memref<1x128xi32, #tpu.memory_space<vmem>> -> memref<128xi32, #tpu.memory_space<vmem>>
          %dma_wait3A_41 = arith.constant 0 : i32
          %dma_wait3A_42 = arith.constant 0 : i32
          %dma_wait3A_43 = tpu.memref_slice %arg2[%scan3A_9, %dma_wait3A_41, %dma_wait3A_42] : memref<2x10240x128xf32, #tpu.memory_space<hbm>> -> memref<1x10240x128xf32, #tpu.memory_space<hbm>>
          %dma_wait3A_44 = tpu.memref_squeeze %dma_wait3A_43 : memref<1x10240x128xf32, #tpu.memory_space<hbm>> -> memref<10240x128xf32, #tpu.memory_space<hbm>>
          %dma_wait3A_45 = arith.constant 0 : i32
          %dma_wait3A_46 = arith.constant 0 : i32
          %dma_wait3A_47 = tpu.memref_slice %dma_wait3A_44[%dma_wait3A_45, %dma_wait3A_46] : memref<10240x128xf32, #tpu.memory_space<hbm>> -> memref<10240x128xf32, #tpu.memory_space<hbm>>
          tpu.wait_indirect_dma semaphore(%arg12 : memref<!tpu.dma_semaphore, #tpu.memory_space<semaphore_mem>>) src(%dma_wait3A_47 : memref<10240x128xf32, #tpu.memory_space<hbm>>) dst(%arg9 : memref<128x128xf32, #tpu.memory_space<vmem>>)
          %dma_start3A_48 = arith.constant 0 : i32
          %dma_start3A_49 = tpu.memref_slice %arg8[%mul3A_38, %dma_start3A_48] : memref<40x128xi32, #tpu.memory_space<vmem>> -> memref<1x128xi32, #tpu.memory_space<vmem>>
          %dma_start3A_50 = tpu.memref_squeeze %dma_start3A_49 : memref<1x128xi32, #tpu.memory_space<vmem>> -> memref<128xi32, #tpu.memory_space<vmem>>
          %dma_start3A_51 = arith.constant 0 : i32
          %dma_start3A_52 = arith.constant 0 : i32
          %dma_start3A_53 = tpu.memref_slice %arg11[%dma_start3A_51, %dma_start3A_52] : memref<10240x128xf32, #tpu.memory_space<vmem_shared>> -> memref<10240x128xf32, #tpu.memory_space<vmem_shared>>
          tpu.enqueue_indirect_dma source(%arg9 : memref<128x128xf32, #tpu.memory_space<vmem>>) target(%dma_start3A_53 : memref<10240x128xf32, #tpu.memory_space<vmem_shared>>) offsets(%dma_start3A_50 : memref<128xi32, #tpu.memory_space<vmem>>) semaphore(%arg14 : memref<!tpu.dma_semaphore, #tpu.memory_space<semaphore_mem>>) {add = true}
          %add3A = arith.constant 1 : i32
          %add3A_54 = arith.addi %mul3A_38, %add3A : i32
          %dma_start3A_55 = arith.constant 0 : i32
          %dma_start3A_56 = tpu.memref_slice %arg7[%add3A_54, %dma_start3A_55] : memref<40x128xi32, #tpu.memory_space<vmem>> -> memref<1x128xi32, #tpu.memory_space<vmem>>
          %dma_start3A_57 = tpu.memref_squeeze %dma_start3A_56 : memref<1x128xi32, #tpu.memory_space<vmem>> -> memref<128xi32, #tpu.memory_space<vmem>>
          %dma_start3A_58 = arith.constant 0 : i32
          %dma_start3A_59 = arith.constant 0 : i32
          %dma_start3A_60 = tpu.memref_slice %arg2[%scan3A_9, %dma_start3A_58, %dma_start3A_59] : memref<2x10240x128xf32, #tpu.memory_space<hbm>> -> memref<1x10240x128xf32, #tpu.memory_space<hbm>>
          %dma_start3A_61 = tpu.memref_squeeze %dma_start3A_60 : memref<1x10240x128xf32, #tpu.memory_space<hbm>> -> memref<10240x128xf32, #tpu.memory_space<hbm>>
          %dma_start3A_62 = arith.constant 0 : i32
          %dma_start3A_63 = arith.constant 0 : i32
          %dma_start3A_64 = tpu.memref_slice %dma_start3A_61[%dma_start3A_62, %dma_start3A_63] : memref<10240x128xf32, #tpu.memory_space<hbm>> -> memref<10240x128xf32, #tpu.memory_space<hbm>>
          tpu.enqueue_indirect_dma source(%dma_start3A_64 : memref<10240x128xf32, #tpu.memory_space<hbm>>) target(%arg10 : memref<128x128xf32, #tpu.memory_space<vmem>>) offsets(%dma_start3A_57 : memref<128xi32, #tpu.memory_space<vmem>>) semaphore(%arg13 : memref<!tpu.dma_semaphore, #tpu.memory_space<semaphore_mem>>)
          %dma_wait3A_65 = arith.constant 0 : i32
          %dma_wait3A_66 = tpu.memref_slice %arg7[%add3A_54, %dma_wait3A_65] : memref<40x128xi32, #tpu.memory_space<vmem>> -> memref<1x128xi32, #tpu.memory_space<vmem>>
          %dma_wait3A_67 = tpu.memref_squeeze %dma_wait3A_66 : memref<1x128xi32, #tpu.memory_space<vmem>> -> memref<128xi32, #tpu.memory_space<vmem>>
          %dma_wait3A_68 = arith.constant 0 : i32
          %dma_wait3A_69 = arith.constant 0 : i32
          %dma_wait3A_70 = tpu.memref_slice %arg2[%scan3A_9, %dma_wait3A_68, %dma_wait3A_69] : memref<2x10240x128xf32, #tpu.memory_space<hbm>> -> memref<1x10240x128xf32, #tpu.memory_space<hbm>>
          %dma_wait3A_71 = tpu.memref_squeeze %dma_wait3A_70 : memref<1x10240x128xf32, #tpu.memory_space<hbm>> -> memref<10240x128xf32, #tpu.memory_space<hbm>>
          %dma_wait3A_72 = arith.constant 0 : i32
          %dma_wait3A_73 = arith.constant 0 : i32
          %dma_wait3A_74 = tpu.memref_slice %dma_wait3A_71[%dma_wait3A_72, %dma_wait3A_73] : memref<10240x128xf32, #tpu.memory_space<hbm>> -> memref<10240x128xf32, #tpu.memory_space<hbm>>
          tpu.wait_indirect_dma semaphore(%arg13 : memref<!tpu.dma_semaphore, #tpu.memory_space<semaphore_mem>>) src(%dma_wait3A_74 : memref<10240x128xf32, #tpu.memory_space<hbm>>) dst(%arg10 : memref<128x128xf32, #tpu.memory_space<vmem>>)
          %add3A_75 = arith.constant 1 : i32
          %add3A_76 = arith.addi %mul3A_38, %add3A_75 : i32
          %dma_start3A_77 = arith.constant 0 : i32
          %dma_start3A_78 = tpu.memref_slice %arg8[%add3A_76, %dma_start3A_77] : memref<40x128xi32, #tpu.memory_space<vmem>> -> memref<1x128xi32, #tpu.memory_space<vmem>>
          %dma_start3A_79 = tpu.memref_squeeze %dma_start3A_78 : memref<1x128xi32, #tpu.memory_space<vmem>> -> memref<128xi32, #tpu.memory_space<vmem>>
          %dma_start3A_80 = arith.constant 0 : i32
          %dma_start3A_81 = arith.constant 0 : i32
          %dma_start3A_82 = tpu.memref_slice %arg11[%dma_start3A_80, %dma_start3A_81] : memref<10240x128xf32, #tpu.memory_space<vmem_shared>> -> memref<10240x128xf32, #tpu.memory_space<vmem_shared>>
          tpu.enqueue_indirect_dma source(%arg10 : memref<128x128xf32, #tpu.memory_space<vmem>>) target(%dma_start3A_82 : memref<10240x128xf32, #tpu.memory_space<vmem_shared>>) offsets(%dma_start3A_79 : memref<128xi32, #tpu.memory_space<vmem>>) semaphore(%arg15 : memref<!tpu.dma_semaphore, #tpu.memory_space<semaphore_mem>>) {add = true}
          %dma_wait3A_83 = arith.constant 0 : i32
          %dma_wait3A_84 = tpu.memref_slice %arg8[%mul3A_38, %dma_wait3A_83] : memref<40x128xi32, #tpu.memory_space<vmem>> -> memref<1x128xi32, #tpu.memory_space<vmem>>
          %dma_wait3A_85 = tpu.memref_squeeze %dma_wait3A_84 : memref<1x128xi32, #tpu.memory_space<vmem>> -> memref<128xi32, #tpu.memory_space<vmem>>
          %dma_wait3A_86 = arith.constant 0 : i32
          %dma_wait3A_87 = arith.constant 0 : i32
          %dma_wait3A_88 = tpu.memref_slice %arg11[%dma_wait3A_86, %dma_wait3A_87] : memref<10240x128xf32, #tpu.memory_space<vmem_shared>> -> memref<10240x128xf32, #tpu.memory_space<vmem_shared>>
          tpu.wait_indirect_dma semaphore(%arg14 : memref<!tpu.dma_semaphore, #tpu.memory_space<semaphore_mem>>) src(%arg9 : memref<128x128xf32, #tpu.memory_space<vmem>>) dst(%dma_wait3A_88 : memref<10240x128xf32, #tpu.memory_space<vmem_shared>>)
          %lt3A = arith.constant 19 : i32
          %lt3A_89 = arith.cmpi slt, %scan3A_36, %lt3A : i32
          %convert_element_type3A_90 = arith.extui %lt3A_89 : i1 to i32
          %cond3A_91 = arith.constant 0 : i32
          %cond3A_92 = arith.cmpi ne, %convert_element_type3A_90, %cond3A_91 : i32
          scf.if %cond3A_92 {
            %add3A_99 = arith.constant 2 : i32
            %add3A_100 = arith.addi %mul3A_38, %add3A_99 : i32
            %dma_start3A_101 = arith.constant 0 : i32
            %dma_start3A_102 = tpu.memref_slice %arg7[%add3A_100, %dma_start3A_101] : memref<40x128xi32, #tpu.memory_space<vmem>> -> memref<1x128xi32, #tpu.memory_space<vmem>>
            %dma_start3A_103 = tpu.memref_squeeze %dma_start3A_102 : memref<1x128xi32, #tpu.memory_space<vmem>> -> memref<128xi32, #tpu.memory_space<vmem>>
            %dma_start3A_104 = arith.constant 0 : i32
            %dma_start3A_105 = arith.constant 0 : i32
            %dma_start3A_106 = tpu.memref_slice %arg2[%scan3A_9, %dma_start3A_104, %dma_start3A_105] : memref<2x10240x128xf32, #tpu.memory_space<hbm>> -> memref<1x10240x128xf32, #tpu.memory_space<hbm>>
            %dma_start3A_107 = tpu.memref_squeeze %dma_start3A_106 : memref<1x10240x128xf32, #tpu.memory_space<hbm>> -> memref<10240x128xf32, #tpu.memory_space<hbm>>
            %dma_start3A_108 = arith.constant 0 : i32
            %dma_start3A_109 = arith.constant 0 : i32
            %dma_start3A_110 = tpu.memref_slice %dma_start3A_107[%dma_start3A_108, %dma_start3A_109] : memref<10240x128xf32, #tpu.memory_space<hbm>> -> memref<10240x128xf32, #tpu.memory_space<hbm>>
            tpu.enqueue_indirect_dma source(%dma_start3A_110 : memref<10240x128xf32, #tpu.memory_space<hbm>>) target(%arg9 : memref<128x128xf32, #tpu.memory_space<vmem>>) offsets(%dma_start3A_103 : memref<128xi32, #tpu.memory_space<vmem>>) semaphore(%arg12 : memref<!tpu.dma_semaphore, #tpu.memory_space<semaphore_mem>>)
          } else {
          }
          %dma_wait3A_93 = arith.constant 0 : i32
          %dma_wait3A_94 = tpu.memref_slice %arg8[%add3A_76, %dma_wait3A_93] : memref<40x128xi32, #tpu.memory_space<vmem>> -> memref<1x128xi32, #tpu.memory_space<vmem>>
          %dma_wait3A_95 = tpu.memref_squeeze %dma_wait3A_94 : memref<1x128xi32, #tpu.memory_space<vmem>> -> memref<128xi32, #tpu.memory_space<vmem>>
          %dma_wait3A_96 = arith.constant 0 : i32
          %dma_wait3A_97 = arith.constant 0 : i32
          %dma_wait3A_98 = tpu.memref_slice %arg11[%dma_wait3A_96, %dma_wait3A_97] : memref<10240x128xf32, #tpu.memory_space<vmem_shared>> -> memref<10240x128xf32, #tpu.memory_space<vmem_shared>>
          tpu.wait_indirect_dma semaphore(%arg15 : memref<!tpu.dma_semaphore, #tpu.memory_space<semaphore_mem>>) src(%arg10 : memref<128x128xf32, #tpu.memory_space<vmem>>) dst(%dma_wait3A_98 : memref<10240x128xf32, #tpu.memory_space<vmem_shared>>)
        }
        %scan3A_35 = arith.constant 20 : i32
      }
      %scan3A_14 = arith.constant 4 : i32
    } else {
    }
    %barrier3A_8 = arith.constant 0 : index
    tpu.barrier barrier_id(%barrier3A_8)
    "tpu.region"() ({
      %run_scoped3A = tpu.sem_alloc : memref<!tpu.dma_semaphore, #tpu.memory_space<semaphore_mem>>
      %dma_start3A = arith.constant 0 : i32
      %dma_start3A_9 = tpu.memref_slice %arg6[%arg0, %mul3A_0, %dma_start3A] : memref<2x10240x128xf32, #tpu.memory_space<hbm>> -> memref<1x640x128xf32, #tpu.memory_space<hbm>>
      %dma_start3A_10 = tpu.memref_squeeze %dma_start3A_9 : memref<1x640x128xf32, #tpu.memory_space<hbm>> -> memref<640x128xf32, #tpu.memory_space<hbm>>
      %dma_start3A_11 = arith.constant 0 : i32
      %dma_start3A_12 = tpu.memref_slice %arg11[%mul3A_0, %dma_start3A_11] : memref<10240x128xf32, #tpu.memory_space<vmem_shared>> -> memref<640x128xf32, #tpu.memory_space<vmem_shared>>
      tpu.enqueue_dma source(%dma_start3A_12 : memref<640x128xf32, #tpu.memory_space<vmem_shared>>) target(%dma_start3A_10 : memref<640x128xf32, #tpu.memory_space<hbm>>) target_semaphore(%run_scoped3A : memref<!tpu.dma_semaphore, #tpu.memory_space<semaphore_mem>>)
      %dma_wait3A = arith.constant 0 : i32
      %dma_wait3A_13 = tpu.memref_slice %arg6[%arg0, %mul3A_0, %dma_wait3A] : memref<2x10240x128xf32, #tpu.memory_space<hbm>> -> memref<1x640x128xf32, #tpu.memory_space<hbm>>
      %dma_wait3A_14 = tpu.memref_squeeze %dma_wait3A_13 : memref<1x640x128xf32, #tpu.memory_space<hbm>> -> memref<640x128xf32, #tpu.memory_space<hbm>>
      %dma_wait3A_15 = arith.constant 0 : i32
      %dma_wait3A_16 = tpu.memref_slice %arg11[%mul3A_0, %dma_wait3A_15] : memref<10240x128xf32, #tpu.memory_space<vmem_shared>> -> memref<640x128xf32, #tpu.memory_space<vmem_shared>>
      tpu.wait_dma2 semaphore(%run_scoped3A : memref<!tpu.dma_semaphore, #tpu.memory_space<semaphore_mem>>) src(%dma_wait3A_16 : memref<640x128xf32, #tpu.memory_space<vmem_shared>>) dst(%dma_wait3A_14 : memref<640x128xf32, #tpu.memory_space<hbm>>)
      tpu.yield
    }) : () -> ()
    return
  }
}

module attributes {stable_mosaic.version = 14 : i64} {
  func.func @_tc0_body(%arg0: i32, %arg1: memref<2x1024x8xf32, #tpu.memory_space<vmem>>, %arg2: memref<1024x128xf32, #tpu.memory_space<vmem>>, %arg3: memref<1024x128xf32, #tpu.memory_space<vmem>>) attributes {dimension_semantics = [#tpu.dimension_semantics<arbitrary>], iteration_bounds = array<i64: 10>, scalar_prefetch = 0 : i64, scratch_operands = 0 : i64, tpu.core_type = #tpu.core_type<tc>, window_params = [{transform_indices = @transform_0, window_bounds = array<i64: 2, 1024, 8>}, {transform_indices = @transform_1, window_bounds = array<i64: 1024, 128>}, {transform_indices = @transform_2, window_bounds = array<i64: 1024, 128>}]} {
    %get3A = arith.constant 0 : index
    %get3A_0 = arith.constant 0 : index
    %get3A_1 = arith.constant 0 : index
    %get3A_2 = vector.load %arg1[%get3A, %get3A_0, %get3A_1] : memref<2x1024x8xf32, #tpu.memory_space<vmem>>, vector<1x1024x1xf32>
    %get3A_3 = vector.shape_cast %get3A_2 : vector<1x1024x1xf32> to vector<1024x1xf32>
    %get3A_4 = arith.constant 1 : index
    %get3A_5 = arith.constant 0 : index
    %get3A_6 = arith.constant 0 : index
    %get3A_7 = vector.load %arg1[%get3A_4, %get3A_5, %get3A_6] : memref<2x1024x8xf32, #tpu.memory_space<vmem>>, vector<1x1024x1xf32>
    %get3A_8 = vector.shape_cast %get3A_7 : vector<1x1024x1xf32> to vector<1024x1xf32>
    %add3A = arith.addf %get3A_3, %get3A_8 : vector<1024x1xf32>
    %add3A_9 = arith.constant 1.000000e+00 : f32
    %add3A_10 = vector.broadcast %add3A_9 : f32 to vector<1024x1xf32>
    %add3A_11 = arith.addf %add3A, %add3A_10 : vector<1024x1xf32>
    %rsqrt3A = math.rsqrt %add3A_11 : vector<1024x1xf32>
    %get3A_12 = arith.constant 0 : index
    %get3A_13 = arith.constant 0 : index
    %get3A_14 = vector.load %arg2[%get3A_12, %get3A_13] : memref<1024x128xf32, #tpu.memory_space<vmem>>, vector<1024x128xf32>
    %mul3A = vector.broadcast %rsqrt3A : vector<1024x1xf32> to vector<1024x128xf32>
    %mul3A_15 = arith.mulf %get3A_14, %mul3A : vector<1024x128xf32>
    %swap3A = arith.constant 0 : index
    %swap3A_16 = arith.constant 0 : index
    %swap3A_17 = vector.load %arg3[%swap3A, %swap3A_16] : memref<1024x128xf32, #tpu.memory_space<vmem>>, vector<1024x128xf32>
    tpu.vector_store %arg3[%swap3A, %swap3A_16], %mul3A_15 {strides = array<i32>} : memref<1024x128xf32, #tpu.memory_space<vmem>>, vector<1024x128xf32>,
    return
  }
  func.func @transform_0(%arg0: i32) -> (i32, i32, i32) {
    %c0_i32 = arith.constant 0 : i32
    %c0_i32_0 = arith.constant 0 : i32
    %c0_i32_1 = arith.constant 0 : i32
    return %c0_i32, %arg0, %c0_i32_0 : i32, i32, i32
  }
  func.func @transform_1(%arg0: i32) -> (i32, i32) {
    %c0_i32 = arith.constant 0 : i32
    %c0_i32_0 = arith.constant 0 : i32
    return %arg0, %c0_i32 : i32, i32
  }
  func.func @transform_2(%arg0: i32) -> (i32, i32) {
    %c0_i32 = arith.constant 0 : i32
    %c0_i32_0 = arith.constant 0 : i32
    return %arg0, %c0_i32 : i32, i32
  }
}

module attributes {stable_mosaic.version = 14 : i64} {
  func.func @_tc1_body(%arg0: i32, %arg1: memref<2x1024x8xf32, #tpu.memory_space<vmem>>, %arg2: memref<2x1024x128xf32, #tpu.memory_space<vmem>>, %arg3: memref<1024x128xf32, #tpu.memory_space<vmem>>, %arg4: memref<128x256xf32, #tpu.memory_space<vmem>>, %arg5: memref<1x256xf32, #tpu.memory_space<vmem>>, %arg6: memref<256x256xf32, #tpu.memory_space<vmem>>, %arg7: memref<1024x256xf32, #tpu.memory_space<vmem>>, %arg8: memref<2x1024x128xf32, #tpu.memory_space<vmem>>) attributes {dimension_semantics = [#tpu.dimension_semantics<arbitrary>], iteration_bounds = array<i64: 10>, scalar_prefetch = 0 : i64, scratch_operands = 0 : i64, tpu.core_type = #tpu.core_type<tc>, window_params = [{transform_indices = @transform_0, window_bounds = array<i64: 2, 1024, 8>}, {transform_indices = @transform_1, window_bounds = array<i64: 2, 1024, 128>}, {transform_indices = @transform_2, window_bounds = array<i64: 1024, 128>}, {pipeline_mode = #tpu.pipeline_mode<synchronous>, transform_indices = @transform_3, window_bounds = array<i64: 128, 256>}, {pipeline_mode = #tpu.pipeline_mode<synchronous>, transform_indices = @transform_4, window_bounds = array<i64: 1, 256>}, {pipeline_mode = #tpu.pipeline_mode<synchronous>, transform_indices = @transform_5, window_bounds = array<i64: 256, 256>}, {transform_indices = @transform_6, window_bounds = array<i64: 1024, 256>}, {transform_indices = @transform_7, window_bounds = array<i64: 2, 1024, 128>}]} {
    %get3A = arith.constant 0 : index
    %get3A_0 = arith.constant 0 : index
    %get3A_1 = arith.constant 0 : index
    %get3A_2 = vector.load %arg1[%get3A, %get3A_0, %get3A_1] : memref<2x1024x8xf32, #tpu.memory_space<vmem>>, vector<1x1024x1xf32>
    %get3A_3 = vector.shape_cast %get3A_2 : vector<1x1024x1xf32> to vector<1024x1xf32>
    %get3A_4 = arith.constant 1 : index
    %get3A_5 = arith.constant 0 : index
    %get3A_6 = arith.constant 0 : index
    %get3A_7 = vector.load %arg1[%get3A_4, %get3A_5, %get3A_6] : memref<2x1024x8xf32, #tpu.memory_space<vmem>>, vector<1x1024x1xf32>
    %get3A_8 = vector.shape_cast %get3A_7 : vector<1x1024x1xf32> to vector<1024x1xf32>
    %add3A = arith.addf %get3A_3, %get3A_8 : vector<1024x1xf32>
    %add3A_9 = arith.constant 1.000000e+00 : f32
    %add3A_10 = vector.broadcast %add3A_9 : f32 to vector<1024x1xf32>
    %add3A_11 = arith.addf %add3A, %add3A_10 : vector<1024x1xf32>
    %rsqrt3A = math.rsqrt %add3A_11 : vector<1024x1xf32>
    %get3A_12 = arith.constant 0 : index
    %get3A_13 = arith.constant 0 : index
    %get3A_14 = arith.constant 0 : index
    %get3A_15 = vector.load %arg2[%get3A_12, %get3A_13, %get3A_14] : memref<2x1024x128xf32, #tpu.memory_space<vmem>>, vector<1x1024x128xf32>
    %get3A_16 = vector.shape_cast %get3A_15 : vector<1x1024x128xf32> to vector<1024x128xf32>
    %get3A_17 = arith.constant 1 : index
    %get3A_18 = arith.constant 0 : index
    %get3A_19 = arith.constant 0 : index
    %get3A_20 = vector.load %arg2[%get3A_17, %get3A_18, %get3A_19] : memref<2x1024x128xf32, #tpu.memory_space<vmem>>, vector<1x1024x128xf32>
    %get3A_21 = vector.shape_cast %get3A_20 : vector<1x1024x128xf32> to vector<1024x128xf32>
    %add3A_22 = arith.addf %get3A_16, %get3A_21 : vector<1024x128xf32>
    %get3A_23 = arith.constant 0 : index
    %get3A_24 = arith.constant 0 : index
    %get3A_25 = vector.load %arg3[%get3A_23, %get3A_24] : memref<1024x128xf32, #tpu.memory_space<vmem>>, vector<1024x128xf32>
    %add3A_26 = arith.addf %add3A_22, %get3A_25 : vector<1024x128xf32>
    %mul3A = vector.broadcast %rsqrt3A : vector<1024x1xf32> to vector<1024x128xf32>
    %mul3A_27 = arith.mulf %add3A_26, %mul3A : vector<1024x128xf32>
    %get3A_28 = arith.constant 0 : index
    %get3A_29 = arith.constant 0 : index
    %get3A_30 = vector.load %arg4[%get3A_28, %get3A_29] : memref<128x256xf32, #tpu.memory_space<vmem>>, vector<128x256xf32>
    %dot_general3A = arith.constant dense<0.000000e+00> : vector<1024x256xf32>
    %dot_general3A_31 = tpu.matmul %mul3A_27, %get3A_30, %dot_general3A {dimension_numbers = #tpu.dot_dimension_numbers<[1], [0], [0], [1], [0, 0, 1, 1], [], []>, transpose_lhs_hint = false} : vector<1024x128xf32>, vector<128x256xf32>, vector<1024x256xf32> -> vector<1024x256xf32>
    %get3A_32 = arith.constant 0 : index
    %get3A_33 = arith.constant 0 : index
    %get3A_34 = vector.load %arg5[%get3A_32, %get3A_33] : memref<1x256xf32, #tpu.memory_space<vmem>>, vector<1x256xf32>
    %add3A_35 = vector.broadcast %get3A_34 : vector<1x256xf32> to vector<1024x256xf32>
    %add3A_36 = arith.addf %dot_general3A_31, %add3A_35 : vector<1024x256xf32>
    %max3A = arith.constant 0.000000e+00 : f32
    %max3A_37 = vector.broadcast %max3A : f32 to vector<1024x256xf32>
    %max3A_38 = arith.maximumf %add3A_36, %max3A_37 : vector<1024x256xf32>
    %swap3A = arith.constant 0 : index
    %swap3A_39 = arith.constant 0 : index
    %swap3A_40 = vector.load %arg7[%swap3A, %swap3A_39] : memref<1024x256xf32, #tpu.memory_space<vmem>>, vector<1024x256xf32>
    tpu.vector_store %arg7[%swap3A, %swap3A_39], %max3A_38 {strides = array<i32>} : memref<1024x256xf32, #tpu.memory_space<vmem>>, vector<1024x256xf32>,
    %get3A_41 = arith.constant 0 : index
    %get3A_42 = arith.constant 0 : index
    %get3A_43 = vector.load %arg6[%get3A_41, %get3A_42] : memref<256x256xf32, #tpu.memory_space<vmem>>, vector<256x256xf32>
    %dot_general3A_44 = arith.constant dense<0.000000e+00> : vector<1024x256xf32>
    %dot_general3A_45 = tpu.matmul %max3A_38, %get3A_43, %dot_general3A_44 {dimension_numbers = #tpu.dot_dimension_numbers<[1], [0], [0], [1], [0, 0, 1, 1], [], []>, transpose_lhs_hint = false} : vector<1024x256xf32>, vector<256x256xf32>, vector<1024x256xf32> -> vector<1024x256xf32>
    %mul3A_46 = vector.broadcast %rsqrt3A : vector<1024x1xf32> to vector<1024x256xf32>
    %mul3A_47 = arith.mulf %dot_general3A_45, %mul3A_46 : vector<1024x256xf32>
    %slice3A = vector.extract_strided_slice %mul3A_47 {offsets = [0, 0], sizes = [1024, 128], strides = [1, 1]} : vector<1024x256xf32> to vector<1024x128xf32>
    %swap3A_48 = arith.constant 0 : index
    %swap3A_49 = arith.constant 0 : index
    %swap3A_50 = arith.constant 0 : index
    %swap3A_51 = vector.load %arg8[%swap3A_48, %swap3A_49, %swap3A_50] : memref<2x1024x128xf32, #tpu.memory_space<vmem>>, vector<1x1024x128xf32>
    %swap3A_52 = vector.shape_cast %swap3A_51 : vector<1x1024x128xf32> to vector<1024x128xf32>
    %swap3A_53 = vector.shape_cast %slice3A : vector<1024x128xf32> to vector<1x1024x128xf32>
    tpu.vector_store %arg8[%swap3A_48, %swap3A_49, %swap3A_50], %swap3A_53 {strides = array<i32>} : memref<2x1024x128xf32, #tpu.memory_space<vmem>>, vector<1x1024x128xf32>,
    %slice3A_54 = vector.extract_strided_slice %mul3A_47 {offsets = [0, 128], sizes = [1024, 128], strides = [1, 1]} : vector<1024x256xf32> to vector<1024x128xf32>
    %swap3A_55 = arith.constant 1 : index
    %swap3A_56 = arith.constant 0 : index
    %swap3A_57 = arith.constant 0 : index
    %swap3A_58 = vector.load %arg8[%swap3A_55, %swap3A_56, %swap3A_57] : memref<2x1024x128xf32, #tpu.memory_space<vmem>>, vector<1x1024x128xf32>
    %swap3A_59 = vector.shape_cast %swap3A_58 : vector<1x1024x128xf32> to vector<1024x128xf32>
    %swap3A_60 = vector.shape_cast %slice3A_54 : vector<1024x128xf32> to vector<1x1024x128xf32>
    tpu.vector_store %arg8[%swap3A_55, %swap3A_56, %swap3A_57], %swap3A_60 {strides = array<i32>} : memref<2x1024x128xf32, #tpu.memory_space<vmem>>, vector<1x1024x128xf32>,
    return
  }
  func.func @transform_0(%arg0: i32) -> (i32, i32, i32) {
    %c0_i32 = arith.constant 0 : i32
    %c0_i32_0 = arith.constant 0 : i32
    %c0_i32_1 = arith.constant 0 : i32
    return %c0_i32, %arg0, %c0_i32_0 : i32, i32, i32
  }
  func.func @transform_1(%arg0: i32) -> (i32, i32, i32) {
    %c0_i32 = arith.constant 0 : i32
    %c0_i32_0 = arith.constant 0 : i32
    %c0_i32_1 = arith.constant 0 : i32
    return %c0_i32, %arg0, %c0_i32_0 : i32, i32, i32
  }
  func.func @transform_2(%arg0: i32) -> (i32, i32) {
    %c0_i32 = arith.constant 0 : i32
    %c0_i32_0 = arith.constant 0 : i32
    return %arg0, %c0_i32 : i32, i32
  }
  func.func @transform_3(%arg0: i32) -> (i32, i32) {
    %c0_i32 = arith.constant 0 : i32
    %c0_i32_0 = arith.constant 0 : i32
    %c0_i32_1 = arith.constant 0 : i32
    return %c0_i32, %c0_i32_0 : i32, i32
  }
  func.func @transform_4(%arg0: i32) -> (i32, i32) {
    %c0_i32 = arith.constant 0 : i32
    %c0_i32_0 = arith.constant 0 : i32
    %c0_i32_1 = arith.constant 0 : i32
    return %c0_i32, %c0_i32_0 : i32, i32
  }
  func.func @transform_5(%arg0: i32) -> (i32, i32) {
    %c0_i32 = arith.constant 0 : i32
    %c0_i32_0 = arith.constant 0 : i32
    %c0_i32_1 = arith.constant 0 : i32
    return %c0_i32, %c0_i32_0 : i32, i32
  }
  func.func @transform_6(%arg0: i32) -> (i32, i32) {
    %c0_i32 = arith.constant 0 : i32
    %c0_i32_0 = arith.constant 0 : i32
    return %arg0, %c0_i32 : i32, i32
  }
  func.func @transform_7(%arg0: i32) -> (i32, i32, i32) {
    %c0_i32 = arith.constant 0 : i32
    %c0_i32_0 = arith.constant 0 : i32
    %c0_i32_1 = arith.constant 0 : i32
    return %c0_i32, %arg0, %c0_i32_0 : i32, i32, i32
  }
}

module attributes {stable_mosaic.version = 14 : i64} {
  func.func @_tc_mid_body(%arg0: i32, %arg1: memref<2x1024x8xf32, #tpu.memory_space<vmem>>, %arg2: memref<2x1024x128xf32, #tpu.memory_space<vmem>>, %arg3: memref<2x1024x128xf32, #tpu.memory_space<vmem>>, %arg4: memref<1x256xf32, #tpu.memory_space<vmem>>, %arg5: memref<256x256xf32, #tpu.memory_space<vmem>>, %arg6: memref<1024x256xf32, #tpu.memory_space<vmem>>, %arg7: memref<1024x256xf32, #tpu.memory_space<vmem>>, %arg8: memref<2x1024x128xf32, #tpu.memory_space<vmem>>) attributes {dimension_semantics = [#tpu.dimension_semantics<arbitrary>], iteration_bounds = array<i64: 10>, scalar_prefetch = 0 : i64, scratch_operands = 0 : i64, tpu.core_type = #tpu.core_type<tc>, window_params = [{transform_indices = @transform_0, window_bounds = array<i64: 2, 1024, 8>}, {transform_indices = @transform_1, window_bounds = array<i64: 2, 1024, 128>}, {transform_indices = @transform_2, window_bounds = array<i64: 2, 1024, 128>}, {pipeline_mode = #tpu.pipeline_mode<synchronous>, transform_indices = @transform_3, window_bounds = array<i64: 1, 256>}, {pipeline_mode = #tpu.pipeline_mode<synchronous>, transform_indices = @transform_4, window_bounds = array<i64: 256, 256>}, {transform_indices = @transform_5, window_bounds = array<i64: 1024, 256>}, {transform_indices = @transform_6, window_bounds = array<i64: 1024, 256>}, {transform_indices = @transform_7, window_bounds = array<i64: 2, 1024, 128>}]} {
    %get3A = arith.constant 0 : index
    %get3A_0 = arith.constant 0 : index
    %get3A_1 = arith.constant 0 : index
    %get3A_2 = vector.load %arg1[%get3A, %get3A_0, %get3A_1] : memref<2x1024x8xf32, #tpu.memory_space<vmem>>, vector<1x1024x1xf32>
    %get3A_3 = vector.shape_cast %get3A_2 : vector<1x1024x1xf32> to vector<1024x1xf32>
    %get3A_4 = arith.constant 1 : index
    %get3A_5 = arith.constant 0 : index
    %get3A_6 = arith.constant 0 : index
    %get3A_7 = vector.load %arg1[%get3A_4, %get3A_5, %get3A_6] : memref<2x1024x8xf32, #tpu.memory_space<vmem>>, vector<1x1024x1xf32>
    %get3A_8 = vector.shape_cast %get3A_7 : vector<1x1024x1xf32> to vector<1024x1xf32>
    %add3A = arith.addf %get3A_3, %get3A_8 : vector<1024x1xf32>
    %add3A_9 = arith.constant 1.000000e+00 : f32
    %add3A_10 = vector.broadcast %add3A_9 : f32 to vector<1024x1xf32>
    %add3A_11 = arith.addf %add3A, %add3A_10 : vector<1024x1xf32>
    %rsqrt3A = math.rsqrt %add3A_11 : vector<1024x1xf32>
    %get3A_12 = arith.constant 0 : index
    %get3A_13 = arith.constant 0 : index
    %get3A_14 = arith.constant 0 : index
    %get3A_15 = vector.load %arg2[%get3A_12, %get3A_13, %get3A_14] : memref<2x1024x128xf32, #tpu.memory_space<vmem>>, vector<1x1024x128xf32>
    %get3A_16 = vector.shape_cast %get3A_15 : vector<1x1024x128xf32> to vector<1024x128xf32>
    %get3A_17 = arith.constant 0 : index
    %get3A_18 = arith.constant 0 : index
    %get3A_19 = arith.constant 0 : index
    %get3A_20 = vector.load %arg3[%get3A_17, %get3A_18, %get3A_19] : memref<2x1024x128xf32, #tpu.memory_space<vmem>>, vector<1x1024x128xf32>
    %get3A_21 = vector.shape_cast %get3A_20 : vector<1x1024x128xf32> to vector<1024x128xf32>
    %add3A_22 = arith.addf %get3A_16, %get3A_21 : vector<1024x128xf32>
    %get3A_23 = arith.constant 1 : index
    %get3A_24 = arith.constant 0 : index
    %get3A_25 = arith.constant 0 : index
    %get3A_26 = vector.load %arg2[%get3A_23, %get3A_24, %get3A_25] : memref<2x1024x128xf32, #tpu.memory_space<vmem>>, vector<1x1024x128xf32>
    %get3A_27 = vector.shape_cast %get3A_26 : vector<1x1024x128xf32> to vector<1024x128xf32>
    %get3A_28 = arith.constant 1 : index
    %get3A_29 = arith.constant 0 : index
    %get3A_30 = arith.constant 0 : index
    %get3A_31 = vector.load %arg3[%get3A_28, %get3A_29, %get3A_30] : memref<2x1024x128xf32, #tpu.memory_space<vmem>>, vector<1x1024x128xf32>
    %get3A_32 = vector.shape_cast %get3A_31 : vector<1x1024x128xf32> to vector<1024x128xf32>
    %add3A_33 = arith.addf %get3A_27, %get3A_32 : vector<1024x128xf32>
    %concatenate3A = tpu.concatenate %add3A_22, %add3A_33 in 1 : vector<1024x128xf32>, vector<1024x128xf32> -> vector<1024x256xf32>
    %mul3A = vector.broadcast %rsqrt3A : vector<1024x1xf32> to vector<1024x256xf32>
    %mul3A_34 = arith.mulf %concatenate3A, %mul3A : vector<1024x256xf32>
    %get3A_35 = arith.constant 0 : index
    %get3A_36 = arith.constant 0 : index
    %get3A_37 = vector.load %arg4[%get3A_35, %get3A_36] : memref<1x256xf32, #tpu.memory_space<vmem>>, vector<1x256xf32>
    %add3A_38 = vector.broadcast %get3A_37 : vector<1x256xf32> to vector<1024x256xf32>
    %add3A_39 = arith.addf %mul3A_34, %add3A_38 : vector<1024x256xf32>
    %max3A = arith.constant 0.000000e+00 : f32
    %max3A_40 = vector.broadcast %max3A : f32 to vector<1024x256xf32>
    %max3A_41 = arith.maximumf %add3A_39, %max3A_40 : vector<1024x256xf32>
    %get3A_42 = arith.constant 0 : index
    %get3A_43 = arith.constant 0 : index
    %get3A_44 = vector.load %arg6[%get3A_42, %get3A_43] : memref<1024x256xf32, #tpu.memory_space<vmem>>, vector<1024x256xf32>
    %max3A_45 = arith.maximumf %get3A_44, %max3A_41 : vector<1024x256xf32>
    %swap3A = arith.constant 0 : index
    %swap3A_46 = arith.constant 0 : index
    %swap3A_47 = vector.load %arg7[%swap3A, %swap3A_46] : memref<1024x256xf32, #tpu.memory_space<vmem>>, vector<1024x256xf32>
    tpu.vector_store %arg7[%swap3A, %swap3A_46], %max3A_45 {strides = array<i32>} : memref<1024x256xf32, #tpu.memory_space<vmem>>, vector<1024x256xf32>,
    %get3A_48 = arith.constant 0 : index
    %get3A_49 = arith.constant 0 : index
    %get3A_50 = vector.load %arg5[%get3A_48, %get3A_49] : memref<256x256xf32, #tpu.memory_space<vmem>>, vector<256x256xf32>
    %dot_general3A = arith.constant dense<0.000000e+00> : vector<1024x256xf32>
    %dot_general3A_51 = tpu.matmul %max3A_41, %get3A_50, %dot_general3A {dimension_numbers = #tpu.dot_dimension_numbers<[1], [0], [0], [1], [0, 0, 1, 1], [], []>, transpose_lhs_hint = false} : vector<1024x256xf32>, vector<256x256xf32>, vector<1024x256xf32> -> vector<1024x256xf32>
    %mul3A_52 = vector.broadcast %rsqrt3A : vector<1024x1xf32> to vector<1024x256xf32>
    %mul3A_53 = arith.mulf %dot_general3A_51, %mul3A_52 : vector<1024x256xf32>
    %slice3A = vector.extract_strided_slice %mul3A_53 {offsets = [0, 0], sizes = [1024, 128], strides = [1, 1]} : vector<1024x256xf32> to vector<1024x128xf32>
    %swap3A_54 = arith.constant 0 : index
    %swap3A_55 = arith.constant 0 : index
    %swap3A_56 = arith.constant 0 : index
    %swap3A_57 = vector.load %arg8[%swap3A_54, %swap3A_55, %swap3A_56] : memref<2x1024x128xf32, #tpu.memory_space<vmem>>, vector<1x1024x128xf32>
    %swap3A_58 = vector.shape_cast %swap3A_57 : vector<1x1024x128xf32> to vector<1024x128xf32>
    %swap3A_59 = vector.shape_cast %slice3A : vector<1024x128xf32> to vector<1x1024x128xf32>
    tpu.vector_store %arg8[%swap3A_54, %swap3A_55, %swap3A_56], %swap3A_59 {strides = array<i32>} : memref<2x1024x128xf32, #tpu.memory_space<vmem>>, vector<1x1024x128xf32>,
    %slice3A_60 = vector.extract_strided_slice %mul3A_53 {offsets = [0, 128], sizes = [1024, 128], strides = [1, 1]} : vector<1024x256xf32> to vector<1024x128xf32>
    %swap3A_61 = arith.constant 1 : index
    %swap3A_62 = arith.constant 0 : index
    %swap3A_63 = arith.constant 0 : index
    %swap3A_64 = vector.load %arg8[%swap3A_61, %swap3A_62, %swap3A_63] : memref<2x1024x128xf32, #tpu.memory_space<vmem>>, vector<1x1024x128xf32>
    %swap3A_65 = vector.shape_cast %swap3A_64 : vector<1x1024x128xf32> to vector<1024x128xf32>
    %swap3A_66 = vector.shape_cast %slice3A_60 : vector<1024x128xf32> to vector<1x1024x128xf32>
    tpu.vector_store %arg8[%swap3A_61, %swap3A_62, %swap3A_63], %swap3A_66 {strides = array<i32>} : memref<2x1024x128xf32, #tpu.memory_space<vmem>>, vector<1x1024x128xf32>,
    return
  }
  func.func @transform_0(%arg0: i32) -> (i32, i32, i32) {
    %c0_i32 = arith.constant 0 : i32
    %c0_i32_0 = arith.constant 0 : i32
    %c0_i32_1 = arith.constant 0 : i32
    return %c0_i32, %arg0, %c0_i32_0 : i32, i32, i32
  }
  func.func @transform_1(%arg0: i32) -> (i32, i32, i32) {
    %c0_i32 = arith.constant 0 : i32
    %c0_i32_0 = arith.constant 0 : i32
    %c0_i32_1 = arith.constant 0 : i32
    return %c0_i32, %arg0, %c0_i32_0 : i32, i32, i32
  }
  func.func @transform_2(%arg0: i32) -> (i32, i32, i32) {
    %c0_i32 = arith.constant 0 : i32
    %c0_i32_0 = arith.constant 0 : i32
    %c0_i32_1 = arith.constant 0 : i32
    return %c0_i32, %arg0, %c0_i32_0 : i32, i32, i32
  }
  func.func @transform_3(%arg0: i32) -> (i32, i32) {
    %c0_i32 = arith.constant 0 : i32
    %c0_i32_0 = arith.constant 0 : i32
    %c0_i32_1 = arith.constant 0 : i32
    return %c0_i32, %c0_i32_0 : i32, i32
  }
  func.func @transform_4(%arg0: i32) -> (i32, i32) {
    %c0_i32 = arith.constant 0 : i32
    %c0_i32_0 = arith.constant 0 : i32
    %c0_i32_1 = arith.constant 0 : i32
    return %c0_i32, %c0_i32_0 : i32, i32
  }
  func.func @transform_5(%arg0: i32) -> (i32, i32) {
    %c0_i32 = arith.constant 0 : i32
    %c0_i32_0 = arith.constant 0 : i32
    return %arg0, %c0_i32 : i32, i32
  }
  func.func @transform_6(%arg0: i32) -> (i32, i32) {
    %c0_i32 = arith.constant 0 : i32
    %c0_i32_0 = arith.constant 0 : i32
    return %arg0, %c0_i32 : i32, i32
  }
  func.func @transform_7(%arg0: i32) -> (i32, i32, i32) {
    %c0_i32 = arith.constant 0 : i32
    %c0_i32_0 = arith.constant 0 : i32
    %c0_i32_1 = arith.constant 0 : i32
    return %c0_i32, %arg0, %c0_i32_0 : i32, i32, i32
  }
}

module attributes {stable_mosaic.version = 14 : i64} {
  func.func @_tc_last_body(%arg0: i32, %arg1: memref<2x1024x8xf32, #tpu.memory_space<vmem>>, %arg2: memref<2x1024x128xf32, #tpu.memory_space<vmem>>, %arg3: memref<2x1024x128xf32, #tpu.memory_space<vmem>>, %arg4: memref<1x256xf32, #tpu.memory_space<vmem>>, %arg5: memref<1024x256xf32, #tpu.memory_space<vmem>>, %arg6: memref<256x40xf32, #tpu.memory_space<vmem>>, %arg7: memref<1x40xf32, #tpu.memory_space<vmem>>, %arg8: memref<1024x40xf32, #tpu.memory_space<vmem>>) attributes {dimension_semantics = [#tpu.dimension_semantics<arbitrary>], iteration_bounds = array<i64: 10>, scalar_prefetch = 0 : i64, scratch_operands = 0 : i64, tpu.core_type = #tpu.core_type<tc>, window_params = [{transform_indices = @transform_0, window_bounds = array<i64: 2, 1024, 8>}, {transform_indices = @transform_1, window_bounds = array<i64: 2, 1024, 128>}, {transform_indices = @transform_2, window_bounds = array<i64: 2, 1024, 128>}, {pipeline_mode = #tpu.pipeline_mode<synchronous>, transform_indices = @transform_3, window_bounds = array<i64: 1, 256>}, {transform_indices = @transform_4, window_bounds = array<i64: 1024, 256>}, {pipeline_mode = #tpu.pipeline_mode<synchronous>, transform_indices = @transform_5, window_bounds = array<i64: 256, 40>}, {pipeline_mode = #tpu.pipeline_mode<synchronous>, transform_indices = @transform_6, window_bounds = array<i64: 1, 40>}, {transform_indices = @transform_7, window_bounds = array<i64: 1024, 40>}]} {
    %get3A = arith.constant 0 : index
    %get3A_0 = arith.constant 0 : index
    %get3A_1 = arith.constant 0 : index
    %get3A_2 = vector.load %arg1[%get3A, %get3A_0, %get3A_1] : memref<2x1024x8xf32, #tpu.memory_space<vmem>>, vector<1x1024x1xf32>
    %get3A_3 = vector.shape_cast %get3A_2 : vector<1x1024x1xf32> to vector<1024x1xf32>
    %get3A_4 = arith.constant 1 : index
    %get3A_5 = arith.constant 0 : index
    %get3A_6 = arith.constant 0 : index
    %get3A_7 = vector.load %arg1[%get3A_4, %get3A_5, %get3A_6] : memref<2x1024x8xf32, #tpu.memory_space<vmem>>, vector<1x1024x1xf32>
    %get3A_8 = vector.shape_cast %get3A_7 : vector<1x1024x1xf32> to vector<1024x1xf32>
    %add3A = arith.addf %get3A_3, %get3A_8 : vector<1024x1xf32>
    %add3A_9 = arith.constant 1.000000e+00 : f32
    %add3A_10 = vector.broadcast %add3A_9 : f32 to vector<1024x1xf32>
    %add3A_11 = arith.addf %add3A, %add3A_10 : vector<1024x1xf32>
    %rsqrt3A = math.rsqrt %add3A_11 : vector<1024x1xf32>
    %get3A_12 = arith.constant 0 : index
    %get3A_13 = arith.constant 0 : index
    %get3A_14 = arith.constant 0 : index
    %get3A_15 = vector.load %arg2[%get3A_12, %get3A_13, %get3A_14] : memref<2x1024x128xf32, #tpu.memory_space<vmem>>, vector<1x1024x128xf32>
    %get3A_16 = vector.shape_cast %get3A_15 : vector<1x1024x128xf32> to vector<1024x128xf32>
    %get3A_17 = arith.constant 0 : index
    %get3A_18 = arith.constant 0 : index
    %get3A_19 = arith.constant 0 : index
    %get3A_20 = vector.load %arg3[%get3A_17, %get3A_18, %get3A_19] : memref<2x1024x128xf32, #tpu.memory_space<vmem>>, vector<1x1024x128xf32>
    %get3A_21 = vector.shape_cast %get3A_20 : vector<1x1024x128xf32> to vector<1024x128xf32>
    %add3A_22 = arith.addf %get3A_16, %get3A_21 : vector<1024x128xf32>
    %get3A_23 = arith.constant 1 : index
    %get3A_24 = arith.constant 0 : index
    %get3A_25 = arith.constant 0 : index
    %get3A_26 = vector.load %arg2[%get3A_23, %get3A_24, %get3A_25] : memref<2x1024x128xf32, #tpu.memory_space<vmem>>, vector<1x1024x128xf32>
    %get3A_27 = vector.shape_cast %get3A_26 : vector<1x1024x128xf32> to vector<1024x128xf32>
    %get3A_28 = arith.constant 1 : index
    %get3A_29 = arith.constant 0 : index
    %get3A_30 = arith.constant 0 : index
    %get3A_31 = vector.load %arg3[%get3A_28, %get3A_29, %get3A_30] : memref<2x1024x128xf32, #tpu.memory_space<vmem>>, vector<1x1024x128xf32>
    %get3A_32 = vector.shape_cast %get3A_31 : vector<1x1024x128xf32> to vector<1024x128xf32>
    %add3A_33 = arith.addf %get3A_27, %get3A_32 : vector<1024x128xf32>
    %concatenate3A = tpu.concatenate %add3A_22, %add3A_33 in 1 : vector<1024x128xf32>, vector<1024x128xf32> -> vector<1024x256xf32>
    %mul3A = vector.broadcast %rsqrt3A : vector<1024x1xf32> to vector<1024x256xf32>
    %mul3A_34 = arith.mulf %concatenate3A, %mul3A : vector<1024x256xf32>
    %get3A_35 = arith.constant 0 : index
    %get3A_36 = arith.constant 0 : index
    %get3A_37 = vector.load %arg4[%get3A_35, %get3A_36] : memref<1x256xf32, #tpu.memory_space<vmem>>, vector<1x256xf32>
    %add3A_38 = vector.broadcast %get3A_37 : vector<1x256xf32> to vector<1024x256xf32>
    %add3A_39 = arith.addf %mul3A_34, %add3A_38 : vector<1024x256xf32>
    %max3A = arith.constant 0.000000e+00 : f32
    %max3A_40 = vector.broadcast %max3A : f32 to vector<1024x256xf32>
    %max3A_41 = arith.maximumf %add3A_39, %max3A_40 : vector<1024x256xf32>
    %get3A_42 = arith.constant 0 : index
    %get3A_43 = arith.constant 0 : index
    %get3A_44 = vector.load %arg5[%get3A_42, %get3A_43] : memref<1024x256xf32, #tpu.memory_space<vmem>>, vector<1024x256xf32>
    %max3A_45 = arith.maximumf %get3A_44, %max3A_41 : vector<1024x256xf32>
    %get3A_46 = arith.constant 0 : index
    %get3A_47 = arith.constant 0 : index
    %get3A_48 = vector.load %arg6[%get3A_46, %get3A_47] : memref<256x40xf32, #tpu.memory_space<vmem>>, vector<256x40xf32>
    %dot_general3A = arith.constant dense<0.000000e+00> : vector<1024x40xf32>
    %dot_general3A_49 = tpu.matmul %max3A_45, %get3A_48, %dot_general3A {dimension_numbers = #tpu.dot_dimension_numbers<[1], [0], [0], [1], [0, 0, 1, 1], [], []>, transpose_lhs_hint = false} : vector<1024x256xf32>, vector<256x40xf32>, vector<1024x40xf32> -> vector<1024x40xf32>
    %get3A_50 = arith.constant 0 : index
    %get3A_51 = arith.constant 0 : index
    %get3A_52 = vector.load %arg7[%get3A_50, %get3A_51] : memref<1x40xf32, #tpu.memory_space<vmem>>, vector<1x40xf32>
    %add3A_53 = vector.broadcast %get3A_52 : vector<1x40xf32> to vector<1024x40xf32>
    %add3A_54 = arith.addf %dot_general3A_49, %add3A_53 : vector<1024x40xf32>
    %swap3A = arith.constant 0 : index
    %swap3A_55 = arith.constant 0 : index
    %swap3A_56 = vector.load %arg8[%swap3A, %swap3A_55] : memref<1024x40xf32, #tpu.memory_space<vmem>>, vector<1024x40xf32>
    tpu.vector_store %arg8[%swap3A, %swap3A_55], %add3A_54 {strides = array<i32>} : memref<1024x40xf32, #tpu.memory_space<vmem>>, vector<1024x40xf32>,
    return
  }
  func.func @transform_0(%arg0: i32) -> (i32, i32, i32) {
    %c0_i32 = arith.constant 0 : i32
    %c0_i32_0 = arith.constant 0 : i32
    %c0_i32_1 = arith.constant 0 : i32
    return %c0_i32, %arg0, %c0_i32_0 : i32, i32, i32
  }
  func.func @transform_1(%arg0: i32) -> (i32, i32, i32) {
    %c0_i32 = arith.constant 0 : i32
    %c0_i32_0 = arith.constant 0 : i32
    %c0_i32_1 = arith.constant 0 : i32
    return %c0_i32, %arg0, %c0_i32_0 : i32, i32, i32
  }
  func.func @transform_2(%arg0: i32) -> (i32, i32, i32) {
    %c0_i32 = arith.constant 0 : i32
    %c0_i32_0 = arith.constant 0 : i32
    %c0_i32_1 = arith.constant 0 : i32
    return %c0_i32, %arg0, %c0_i32_0 : i32, i32, i32
  }
  func.func @transform_3(%arg0: i32) -> (i32, i32) {
    %c0_i32 = arith.constant 0 : i32
    %c0_i32_0 = arith.constant 0 : i32
    %c0_i32_1 = arith.constant 0 : i32
    return %c0_i32, %c0_i32_0 : i32, i32
  }
  func.func @transform_4(%arg0: i32) -> (i32, i32) {
    %c0_i32 = arith.constant 0 : i32
    %c0_i32_0 = arith.constant 0 : i32
    return %arg0, %c0_i32 : i32, i32
  }
  func.func @transform_5(%arg0: i32) -> (i32, i32) {
    %c0_i32 = arith.constant 0 : i32
    %c0_i32_0 = arith.constant 0 : i32
    %c0_i32_1 = arith.constant 0 : i32
    return %c0_i32, %c0_i32_0 : i32, i32
  }
  func.func @transform_6(%arg0: i32) -> (i32, i32) {
    %c0_i32 = arith.constant 0 : i32
    %c0_i32_0 = arith.constant 0 : i32
    %c0_i32_1 = arith.constant 0 : i32
    return %c0_i32, %c0_i32_0 : i32, i32
  }
  func.func @transform_7(%arg0: i32) -> (i32, i32) {
    %c0_i32 = arith.constant 0 : i32
    %c0_i32_0 = arith.constant 0 : i32
    return %arg0, %c0_i32 : i32, i32
  }
}

</mosaic_0001>

<sc_bundles>
// kernel: kernel.12.cloned.1.call-start
scs
__scs_entry_jumppad:
0x0: {  	(pc) =	sbr.rel $0x88, $3  }
0x1: {  	(tag) =	ssettag $0x0;
	lr =	simm.s32 $0x1  }
0x2: {  	[smem:$0x3F95] =	sst lr;
	_ =	strace $0xD0000000  }
0x3: {  	_ = 	snop  }
0x4: {  	_ = 	snop  }
0x5: {  	_ = 	snop  }
0x6: {  	_ = 	snop  }
0x7: {  	_ = 	snop  }
__scs_overlays_trampoline_lowered:
0x8: {  	[smem:$0x3FA4] =	sst s0  }
0x9: {  	[smem:$0x3FA5] =	sst s1  }
0xa: {  	[smem:$0x3FA6] =	sst s2  }
0xb: {  	[smem:$0x3FA7] =	sst s3  }
0xc: {  	[smem:$0x3FA8] =	sst s4  }
0xd: {  	[smem:$0x3FA9] =	sst s5  }
0xe: {  	[smem:$0x3FAA] =	sst s6  }
0xf: {  	[smem:$0x3FAB] =	sst s7  }
0x10: {  	[smem:$0x3FAC] =	sst s8  }
0x11: {  	[smem:$0x3FAD] =	sst s9;
	s0 =	simm.s32 @!p0 $0x0  }
0x12: {  	s1 =	sld [smem:$0x3F93];
	s0 =	simm.s32 @p0 $0x1  }
0x13: {  	[smem:$0x3FAE] =	sst s0;
	s0 =	simm.s32 @!p1 $0x0  }
0x14: {  	s2 =	sld [smem:$0x3F92];
	s0 =	simm.s32 @p1 $0x1  }
0x15: {  	[smem:$0x3FAF] =	sst s0;
	s0 =	simm.s32 @!p2 $0x0  }
0x16: {  	s3 =	sld [smem:$0x3FDB];
	s0 =	simm.s32 @p2 $0x1  }
0x17: {  	s4 =	simm.s32 $0x1BF5;
	[smem:$0x3FB1] =	sst s0  }
0x18: {  	s0 =	sld [smem:$0x3F94];
	_ =	swait.ge [sflag:s4], $0x0  }
0x19: {  	s7 =	sld [smem:$0x3F95]  }
0x1a: {  	s8 =	sadd.s32 $0xFFFFE003, lr  }
0x1b: {  	s9 =	sadd.s32 $0xFFFFFEF7, lr;
	s5 =	simm.s32 $0xFFFFFFFF;
	p2 =	slt.u32 s8, $0xFFFFF086  }
0x1c: {  	p1 =	slt.u32 s9, $0xF7A;
	s5 =	simm.s32 @!p2 $0x0  }
0x1d: {  	s5 =	simm.s32 @p1 $0x1;
	p0 =	seq.s32 s7, s2  }
0x1e: {  	s7 =	smul.u32 @!p0 $0xF7A, s2;
	p2 =	seq.s32 @!p0 s5, $0x0  }
0x1f: {  	s9 =	smul.u32 $0xF7A, s1;
	s8 =	simm.s32 @!p0 $0x1BF5;
	p2 =	por !p2, p0  }
0x20: {  	[sflag:s8] =	ssyncset.s32 @!p0 $0xFFFFF086;
	s6 =	sadd.s32 @!p0 s3, s7;
	s7 =	simm.s32 @!p0 $0x108  }
0x21: {  	s3 =	sadd.s32 s3, s9;
	s6 =	sadd.s32 @!p0 $0x88, s6;
	s7 =	simm.s32 @p2 $0x1082  }
0x22: {  	[simem:s7], [sflag:s8] =	dma.local @!p0 [hbm:s6], $0xF7A  }
0x23: {  	s9 =	sor.u32 $0xD0000000, s2;
	s6 =	simm.s32 $0x108;
	_ =	swait.ge @!p0 [sflag:s8], $0x0  }
0x24: {  	s3 =	sadd.s32 $0x88, s3;
	s6 =	simm.s32 @!p1 $0x1082;
	[sflag:s4] =	ssyncset.s32 $0xFFFFF086  }
0x25: {  	[simem:s6], [sflag:s4] =	dma.local [hbm:s3], $0xF7A  }
0x26: {  	[smem:$0x3F95] =	sst s1;
	(tag) =	ssettag s2;
	_ =	strace s9  }
0x27: {  	s1 =	sld [smem:$0x3FA5]  }
0x28: {  	s2 =	sld [smem:$0x3FA6]  }
0x29: {  	s4 =	sld [smem:$0x3FA8]  }
0x2a: {  	p0 =	seq.s32 s5, $0x0;
	s5 =	sld [smem:$0x3FA9]  }
0x2b: {  	s6 =	sld [smem:$0x3FAA]  }
0x2c: {  	s7 =	sld [smem:$0x3FAB]  }
0x2d: {  	s3 =	simm.s32 $0x108;
	s8 =	sld [smem:$0x3FAC]  }
0x2e: {  	s3 =	simm.s32 @!p0 $0x1082;
	s9 =	sld [smem:$0x3FAD]  }
0x2f: {  	lr =	sadd.s32 s0, s3;
	s0 =	sld [smem:$0x3FA4]  }
0x30: {  	s3 =	sld [smem:$0x3FA7]  }
0x31: {  	[smem:$0x3FB0] =	sst s10  }
0x32: {  	s10 =	sld [smem:$0x3FAE];
	_ =	sdelay $0x3  }
0x33: {  	p0 =	seq.s32 s10, $0x1;
	s10 =	sld [smem:$0x3FB0];
	_ =	sdelay $0x3  }
0x34: {  	[smem:$0x3FB0] =	sst s10  }
0x35: {  	s10 =	sld [smem:$0x3FAF];
	_ =	sdelay $0x3  }
0x36: {  	p1 =	seq.s32 s10, $0x1;
	s10 =	sld [smem:$0x3FB0];
	_ =	sdelay $0x3  }
0x37: {  	[smem:$0x3FB0] =	sst s10  }
0x38: {  	s10 =	sld [smem:$0x3FB1]  }
0x39: {  	_ = 	snop;
	(pc) =	sbr.ind lr, $3  }
0x3a: {  	_ = 	snop  }
0x3b: {  	_ = 	snop  }
0x3c: {  	p2 =	seq.s32 s10, $0x1;
	s10 =	sld [smem:$0x3FB0]  }
0x3d: {  	_ =	shalt  }
0x3e: {  	_ =	shalt  }
0x3f: {  	_ =	shalt  }
0x40: {  	_ =	shalt  }
0x41: {  	_ =	shalt  }
0x42: {  	_ =	shalt  }
0x43: {  	_ =	shalt  }
0x44: {  	_ =	shalt  }
0x45: {  	_ =	shalt  }
0x46: {  	_ =	shalt  }
0x47: {  	_ =	shalt  }
0x48: {  	_ =	shalt  }
0x49: {  	_ =	shalt  }
0x4a: {  	_ =	shalt  }
0x4b: {  	_ =	shalt  }
0x4c: {  	_ =	shalt  }
0x4d: {  	_ =	shalt  }
0x4e: {  	_ =	shalt  }
0x4f: {  	_ =	shalt  }
0x50: {  	_ =	shalt  }
0x51: {  	_ =	shalt  }
0x52: {  	_ =	shalt  }
0x53: {  	_ =	shalt  }
0x54: {  	_ =	shalt  }
0x55: {  	_ =	shalt  }
0x56: {  	_ =	shalt  }
0x57: {  	_ =	shalt  }
0x58: {  	_ =	shalt  }
0x59: {  	_ =	shalt  }
0x5a: {  	_ =	shalt  }
0x5b: {  	_ =	shalt  }
0x5c: {  	_ =	shalt  }
0x5d: {  	_ =	shalt  }
0x5e: {  	_ =	shalt  }
0x5f: {  	_ =	shalt  }
0x60: {  	_ =	shalt  }
0x61: {  	_ =	shalt  }
0x62: {  	_ =	shalt  }
0x63: {  	_ =	shalt  }
0x64: {  	_ =	shalt  }
0x65: {  	_ =	shalt  }
0x66: {  	_ =	shalt  }
0x67: {  	_ =	shalt  }
0x68: {  	_ =	shalt  }
0x69: {  	_ =	shalt  }
0x6a: {  	_ =	shalt  }
0x6b: {  	_ =	shalt  }
0x6c: {  	_ =	shalt  }
0x6d: {  	_ =	shalt  }
0x6e: {  	_ =	shalt  }
0x6f: {  	_ =	shalt  }
0x70: {  	_ =	shalt  }
0x71: {  	_ =	shalt  }
0x72: {  	_ =	shalt  }
0x73: {  	_ =	shalt  }
0x74: {  	_ =	shalt  }
0x75: {  	_ =	shalt  }
0x76: {  	_ =	shalt  }
0x77: {  	_ =	shalt  }
0x78: {  	_ =	shalt  }
0x79: {  	_ =	shalt  }
0x7a: {  	_ =	shalt  }
0x7b: {  	_ =	shalt  }
0x7c: {  	_ =	shalt  }
0x7d: {  	_ =	shalt  }
0x7e: {  	_ =	shalt  }
0x7f: {  	_ =	shalt  }
0x80: {  	_ =	shalt  }
0x81: {  	_ =	shalt  }
0x82: {  	_ =	shalt  }
0x83: {  	_ =	shalt  }
0x84: {  	_ =	shalt  }
0x85: {  	_ =	shalt  }
0x86: {  	_ =	shalt  }
0x87: {  	_ =	shalt  }
.Lfunc_end0:
.L_simem_size_0:
called_computation_lowered:
.L_overlay_start_0:
0x88: {  	s2 =	sld [smem:$0x3FD9]  }
0x89: {  	s3 =	sld [smem:$0x3FFE];
	_ =	sdelay $0x1  }
0x8a: {  	s1 =	srdreg.scid  }
0x8b: {  	s0 =	sand.u32 $0x1, s1  }
0x8c: {  	s17 =	sshll.u32 s0, $0xA;
	s2 =	sadd.s32 s3, s2  }
0x8d: {  	s2 =	sadd.s32 s2, s17  }
0x8e: {  	[smem:$0x3FBC] =	sst s2  }
0x8f: {  	_ = 	snop  }
0x90: {  	s2 =	sld [smem:$0x3FD0];
	(tm) =	ssettm $0x1  }
0x91: {  	s18 =	sld [smem:$0x3FFB];
	_ =	sdelay $0x3  }
0x92: {  	_ =	strace s18  }
0x93: {  	s3 =	sld [smem:$0x3FFC];
	_ =	sdelay $0x3  }
0x94: {  	_ =	strace s3  }
0x95: {  	s3 =	sld [smem:$0x3FFD];
	_ =	sdelay $0x3  }
0x96: {  	_ =	strace s3  }
0x97: {  	_ =	strace $0x8FFFFFFF  }
0x98: {  	s19 =	sld [smem:$0x3FDB];
	_ =	sdelay $0x1  }
0x99: {  	s4 =	simm.s32 $_scs_section_size  }
0x9a: {  	s5 =	simm.s32 $_size__tile_overlayer_lowered;
	s6 =	simm.s32 $_tile_overlayer_lowered  }
0x9b: {  	s22 =	simm.s32 $0x1BFF;
	s21 =	sshll.u32 s6, $0x1;
	s3 =	sadd.s32 s4, s19  }
0x9c: {  	s7 =	simm.s32 $0x0;
	s20 =	sshll.u32 s5, $0x1;
	s5 =	sadd.s32 s21, s3  }
0x9d: {  	[timem:s7], [sflag:s22] =	dma.local [hbm:s5], s20  }
0x9e: {  	_ =	swait.ge [sflag:s22], s20  }
0x9f: {  	s4 =	ssub.s32 $0x0, s20;
	[sflag:s22] =	ssyncset.done $0x0  }
0xa0: {  	[sflag:s22] =	ssyncadd.s32 s4;
	_ =	sdelay $0x1  }
0xa1: {  	s23 =	simm.s32 $0x1B8B  }
0xa2: {  	_ =	swait.ge [sflag:s23], $0x1  }
0xa3: {  	[sflag:s23] =	ssyncset.done $0x0  }
0xa4: {  	s25 =	simm.s32 $0x1B8E;
	s24 =	sld [smem:$0x3FFE];
	[sflag:s23] =	ssyncadd.s32 $0xFFFFFFFF  }
0xa5: {  	s26 =	simm.s32 $execute0_lowered;
	[smem:$0x3FD2] =	sst s25  }
0xa6: {  	s5 =	sshll.u32 s26, $0x1;
	_ =	strace $0x80000046;
	[dreg:$0x1] =	wrdreg $0xFFFFFFFF  }
0xa7: {  	s28 =	simm.s32 $_size_execute0_lowered;
	s3 =	sadd.s32 s3, s5;
	[dreg:$0x0] =	wrdreg $0x0  }
0xa8: {  	s5 =	sshll.u32 s28, $0x1;
	[dreg:$0x2] =	wrdreg s3  }
0xa9: {  	[dreg:$0x3] =	wrdreg s5  }
0xaa: {  	[dreg:$0x4] =	wrdreg $0xC0  }
0xab: {  	_ =	task [dreg:s7], $0x5FFFF  }
0xac: {  	[dreg:$0x1] =	wrdreg $0xFFFFFFFF  }
0xad: {  	[dreg:$0x0] =	wrdreg $0x60  }
0xae: {  	[dreg:$0x2] =	wrdreg s2  }
0xaf: {  	[dreg:$0x3] =	wrdreg s24  }
0xb0: {  	[dreg:$0x4] =	wrdreg $0x68000  }
0xb1: {  	[dreg:$0x5] =	wrdreg $0x9  }
0xb2: {  	_ =	task.clear_ibuf [dreg:s7], $0x6FFFF;
	_ =	strace $0x90000046  }
0xb3: {  	s29 =	simm.s32 $0x9;
	_ =	strace $0x80000048  }
0xb4: {  	_ =	swait.ge [sflag:s29], $0x1  }
0xb5: {  	[sflag:s29] =	ssyncadd.s32 $0xFFFFFFFF  }
0xb6: {  	_ =	strace $0x90000048  }
0xb7: {  	_ =	sfence  }
0xb8: {  	s30 =	sld [smem:$0x0];
	_ =	sdelay $0x2  }
0xb9: {  	s31 =	sshll.u32 s1, $0xD;
	s1 =	sshrl.u32 s1, $0x2  }
0xba: {  	s3 =	sand.u32 $0x4000, s31;
	s1 =	sadd.s32 s1, s30  }
0xbb: {  	s0 =	sor.u32 s3, s0;
	s1 =	sshll.u32 s1, $0x11  }
0xbc: {  	s0 =	sor.u32 s1, s0  }
0xbd: {  	s0 =	sadd.s32 $0x8F2B, s0  }
0xbe: {  	[sflag:s0] =	ssyncadd.remote.s32 $0x1  }
0xbf: {  	_ =	sfence.sel $0xFFFF  }
0xc0: {  	[dreg:$0x0] =	wrdreg $0xFFFFFFFF;
	(pc) =	sbr.abs _section_cstart, $3  }
0xc1: {  	[dreg:$0x1] =	wrdreg $0xFFFFFFFF  }
0xc2: {  	_ =	task.clear_ibuf [dreg:s7], $0x2FFFF;
	_ =	strace $0x9FFFFFFF  }
0xc3: {  	(tm) =	ssettm $0x7FFFFFFF  }
tec
execute0_lowered:
.L_overlay_start_1:
0x0: {  	(tag) =	ssettag $0x1  }
0x1: {  	s5 =	rddreg [dreg:$0x0]  }
0x2: {  	s6 =	rddreg [dreg:$0x1]  }
0x3: {  	s2 =	rddreg [dreg:$0x2]  }
0x4: {  	s0 =	rddreg [dreg:$0x3]  }
0x5: {  	s1 =	stileid.u32;
	s4 =	srdreg.scid  }
0x6: {  	s3 =	simm.s32 $0x0;
	s13 =	simm.s32 $0x80;
	s14 =	simm.s32 $0x1  }
0x7: {  	s15 =	simm.s32 $0x0;
	s7 =	smul.u32 $0x14000, s1;
	s8 =	sand.u32 $0x1, s4  }
0x8: {  	[smem:$0x7FF] =	sst s3;
	s4 =	sadd.s32 $0x2CA00, s6;
	s28 =	smul.u32 $0x50000, s1  }
0x9: {  	s31 =	sshll.u32 s1, $0x6;
	s9 =	smul.u32 $0x140000, s8;
	s10 =	sshll.u32 s8, $0x4  }
0xa: {  	_ =	strace $0x80000047;
	s8 =	ssub.s32 $0x2, s8;
	s10 =	sor.u32 s1, s10  }
0xb: {  	s11 =	sshrl.u32 s7, $0x3;
	s29 =	sshrl.u32 s8, $0x1;
	s30 =	sshrl.u32 s28, $0x2  }
0xc: {  	s7 =	sadd.s32 s7, s9;
	s26 =	smul.u32 $0x500, s10;
	s11 =	sadd.s32 s11, s6  }
0xd: {  	s8 =	ssub.s32 s8, s29;
	s12 =	sadd.s32 s30, s2;
	s9 =	simm.s32 $0x2  }
0xe: {  	s10 =	simm.s32 $0x2800;
	s7 =	sshrl.u32 s7, $0x3;
	s8 =	smax.u32 s8, $0x1  }
0xf: {  	s12 =	sshrl.u32 s12, $0x3;
	s7 =	sadd.s32 s7, s6;
	s5 =	sadd.s32 s5, s26  }
0x10: {  	s6 =	sadd.s32 $0x4A00, s11;
	s11 =	sor.u32 $0x1C02, s31;
	s7 =	sadd.s32 $0x2D200, s7  }
.LBB2_1:
0x11: {  	[tilespmem:s3], [sflag:$0x2] =	stream.linear.gather [hbm4b:s5+s3], $0x2800, $0x38;
	[tilespmem:$0x7C00] =	vst v63  }
0x12: {  	_ =	swait.ge [sflag:s9], $0x2800  }
0x13: {  	[sflag:s9] =	ssyncset.done $0x0  }
0x14: {  	[sflag:s9] =	ssyncadd.s32 $0xFFFFD800  }
0x15: {  	[tilespmem:s10], [sflag:$0x2] =	stream.linear.gather [hbm4b:s4+s3], $0x4000, $0x38;
	[tilespmem:$0x7C00] =	vst v63  }
0x16: {  	_ =	swait.ge [sflag:s9], $0x4000  }
0x17: {  	[sflag:s9] =	ssyncset.done $0x0  }
0x18: {  	[sflag:s9] =	ssyncadd.s32 $0xFFFFC000  }
0x19: {  	[spmem:s12], [sflag:s11] =	dma.local [hbm:s6], $0x2800  }
0x1a: {  	_ =	swait.ge [sflag:s9], $0x2800  }
0x1b: {  	[sflag:s9] =	ssyncset.done $0x0  }
0x1c: {  	[sflag:s9] =	ssyncadd.s32 $0xFFFFD800  }
0x1d: {  	s16 =	simm.s32 $0x0;
	[bflag:$0x0] =	sbarrier.arrive $0xFFFF  }
0x1e: {  	[spmem:s2] =	stream.indirect.scatter.add.f32 [tilespmem:s10], [sflag:$0x1], $0x8, s16, s13, $0xb8;
	[tilespmem:$0x7C00] =	vst v63  }
0x1f: {  	_ =	swait.ge [sflag:s14], $0x400  }
0x20: {  	s16 =	simm.s32 $0x200;
	[sflag:s14] =	ssyncset.done $0x0  }
.LBB2_2:
0x21: {  	s17 =	sshra.s32 s16, $0x2;
	[sflag:s14] =	ssyncadd.s32 $0xFFFFFC00;
	p0 =	sne.s32 s16, $0x9E00  }
0x22: {  	[spmem:s2] =	stream.indirect.scatter.add.f32 [tilespmem:s10], [sflag:$0x1], $0x8, s17, s13, $0xb8;
	[tilespmem:$0x7C00] =	vst v63  }
.Ltmp0:
0x23: {  	_ = 	snop;
	(pc) =	sbr.rel @p0 .LBB2_2-.Ltmp0, $4  }
0x24: {  	_ = 	snop  }
0x25: {  	s16 =	sadd.s32 $0x200, s16  }
0x26: {  	_ =	swait.ge [sflag:s14], $0x400  }
0x27: {  	[sflag:s14] =	ssyncset.done $0x0  }
0x28: {  	s15 =	sadd.s32 $0x1, s15  }
0x29: {  	[sflag:s14] =	ssyncadd.s32 $0xFFFFFC00;
	p0 =	sne.s32 s15, s8  }
.Ltmp1:
0x2a: {  	[bflag:$0x0] =	sbarrier.arrive $0xFFFF;
	(pc) =	sbr.rel @p0 .LBB2_1-.Ltmp1, $4  }
0x2b: {  	[hbm:s7], [sflag:s11] =	dma.local [spmem:s12], $0x2800  }
0x2c: {  	_ =	swait.ge [sflag:s9], $0x2800  }
0x2d: {  	[sflag:s9] =	ssyncset.done $0x0  }
0x2e: {  	[sflag:s9] =	ssyncadd.s32 $0xFFFFD800  }
0x2f: {  	_ =	sfence.sel $0x180000  }
0x30: {  	[bflag:$0x0] =	sbarrier.arrive $0xFFFF  }
0x31: {  	p0 =	sne.s32 s1, $0x0;
	_ =	strace $0x90000047  }
0x32: {  	s0 =	sadd.s32 @!p0 $0x100000, s0;
	[bflag:$0x2] =	sbarrier.arrive $0xFFFF  }
0x33: {  	[sflag:s0] =	ssyncadd.tile.s32 @!p0 $0x1;
	_ =	shalt  }
.Lfunc_end2:
_tile_overlayer_lowered:
.L_overlay_start_2:
0x34: {  	(tag) =	ssettag $0x2  }
0x35: {  	s0 =	rddreg [dreg:$0x0];
	s2 =	stileid.u32  }
0x36: {  	s1 =	rddreg [dreg:$0x1];
	p0 =	sne.s32 s2, $0x0  }
0x37: {  	s3 =	rddreg [dreg:$0x2];
	[bflag:$0x3] =	sbarrier.arrive $0xFFFF;
	s2 =	simm.s32 @!p0 $0x1C02  }
0x38: {  	[timem:s3], [sflag:s2] =	dma.local @!p0 [hbm:s0], s1  }
0x39: {  	s0 =	simm.s32 @!p0 $0x2  }
0x3a: {  	_ =	swait.ge @!p0 [sflag:s0], s1  }
0x3b: {  	s1 =	ssub.s32 @!p0 $0x0, s1;
	[sflag:s0] =	ssyncset.done @!p0 $0x0  }
0x3c: {  	[sflag:s0] =	ssyncadd.s32 @!p0 s1  }
0x3d: {  	[bflag:$0x3] =	sbarrier.arrive $0xFFFF  }
0x3e: {  	_ =	shalt  }

// kernel: kernel.15.cloned.1.call-start
scs
__scs_entry_jumppad:
0x0: {  	(pc) =	sbr.rel $0x88, $3  }
0x1: {  	(tag) =	ssettag $0x0;
	lr =	simm.s32 $0x1  }
0x2: {  	[smem:$0x3F95] =	sst lr;
	_ =	strace $0xD0000000  }
0x3: {  	_ = 	snop  }
0x4: {  	_ = 	snop  }
0x5: {  	_ = 	snop  }
0x6: {  	_ = 	snop  }
0x7: {  	_ = 	snop  }
__scs_overlays_trampoline_lowered:
0x8: {  	[smem:$0x3FA4] =	sst s0  }
0x9: {  	[smem:$0x3FA5] =	sst s1  }
0xa: {  	[smem:$0x3FA6] =	sst s2  }
0xb: {  	[smem:$0x3FA7] =	sst s3  }
0xc: {  	[smem:$0x3FA8] =	sst s4  }
0xd: {  	[smem:$0x3FA9] =	sst s5  }
0xe: {  	[smem:$0x3FAA] =	sst s6  }
0xf: {  	[smem:$0x3FAB] =	sst s7  }
0x10: {  	[smem:$0x3FAC] =	sst s8  }
0x11: {  	[smem:$0x3FAD] =	sst s9;
	s0 =	simm.s32 @!p0 $0x0  }
0x12: {  	s1 =	sld [smem:$0x3F93];
	s0 =	simm.s32 @p0 $0x1  }
0x13: {  	[smem:$0x3FAE] =	sst s0;
	s0 =	simm.s32 @!p1 $0x0  }
0x14: {  	s2 =	sld [smem:$0x3F92];
	s0 =	simm.s32 @p1 $0x1  }
0x15: {  	[smem:$0x3FAF] =	sst s0;
	s0 =	simm.s32 @!p2 $0x0  }
0x16: {  	s3 =	sld [smem:$0x3FDB];
	s0 =	simm.s32 @p2 $0x1  }
0x17: {  	s4 =	simm.s32 $0x1BF5;
	[smem:$0x3FB1] =	sst s0  }
0x18: {  	s0 =	sld [smem:$0x3F94];
	_ =	swait.ge [sflag:s4], $0x0  }
0x19: {  	s7 =	sld [smem:$0x3F95]  }
0x1a: {  	s8 =	sadd.s32 $0xFFFFE003, lr  }
0x1b: {  	s9 =	sadd.s32 $0xFFFFFEF7, lr;
	s5 =	simm.s32 $0xFFFFFFFF;
	p2 =	slt.u32 s8, $0xFFFFF086  }
0x1c: {  	p1 =	slt.u32 s9, $0xF7A;
	s5 =	simm.s32 @!p2 $0x0  }
0x1d: {  	s5 =	simm.s32 @p1 $0x1;
	p0 =	seq.s32 s7, s2  }
0x1e: {  	s7 =	smul.u32 @!p0 $0xF7A, s2;
	p2 =	seq.s32 @!p0 s5, $0x0  }
0x1f: {  	s9 =	smul.u32 $0xF7A, s1;
	s8 =	simm.s32 @!p0 $0x1BF5;
	p2 =	por !p2, p0  }
0x20: {  	[sflag:s8] =	ssyncset.s32 @!p0 $0xFFFFF086;
	s6 =	sadd.s32 @!p0 s3, s7;
	s7 =	simm.s32 @!p0 $0x108  }
0x21: {  	s3 =	sadd.s32 s3, s9;
	s6 =	sadd.s32 @!p0 $0x88, s6;
	s7 =	simm.s32 @p2 $0x1082  }
0x22: {  	[simem:s7], [sflag:s8] =	dma.local @!p0 [hbm:s6], $0xF7A  }
0x23: {  	s9 =	sor.u32 $0xD0000000, s2;
	s6 =	simm.s32 $0x108;
	_ =	swait.ge @!p0 [sflag:s8], $0x0  }
0x24: {  	s3 =	sadd.s32 $0x88, s3;
	s6 =	simm.s32 @!p1 $0x1082;
	[sflag:s4] =	ssyncset.s32 $0xFFFFF086  }
0x25: {  	[simem:s6], [sflag:s4] =	dma.local [hbm:s3], $0xF7A  }
0x26: {  	[smem:$0x3F95] =	sst s1;
	(tag) =	ssettag s2;
	_ =	strace s9  }
0x27: {  	s1 =	sld [smem:$0x3FA5]  }
0x28: {  	s2 =	sld [smem:$0x3FA6]  }
0x29: {  	s4 =	sld [smem:$0x3FA8]  }
0x2a: {  	p0 =	seq.s32 s5, $0x0;
	s5 =	sld [smem:$0x3FA9]  }
0x2b: {  	s6 =	sld [smem:$0x3FAA]  }
0x2c: {  	s7 =	sld [smem:$0x3FAB]  }
0x2d: {  	s3 =	simm.s32 $0x108;
	s8 =	sld [smem:$0x3FAC]  }
0x2e: {  	s3 =	simm.s32 @!p0 $0x1082;
	s9 =	sld [smem:$0x3FAD]  }
0x2f: {  	lr =	sadd.s32 s0, s3;
	s0 =	sld [smem:$0x3FA4]  }
0x30: {  	s3 =	sld [smem:$0x3FA7]  }
0x31: {  	[smem:$0x3FB0] =	sst s10  }
0x32: {  	s10 =	sld [smem:$0x3FAE];
	_ =	sdelay $0x3  }
0x33: {  	p0 =	seq.s32 s10, $0x1;
	s10 =	sld [smem:$0x3FB0];
	_ =	sdelay $0x3  }
0x34: {  	[smem:$0x3FB0] =	sst s10  }
0x35: {  	s10 =	sld [smem:$0x3FAF];
	_ =	sdelay $0x3  }
0x36: {  	p1 =	seq.s32 s10, $0x1;
	s10 =	sld [smem:$0x3FB0];
	_ =	sdelay $0x3  }
0x37: {  	[smem:$0x3FB0] =	sst s10  }
0x38: {  	s10 =	sld [smem:$0x3FB1]  }
0x39: {  	_ = 	snop;
	(pc) =	sbr.ind lr, $3  }
0x3a: {  	_ = 	snop  }
0x3b: {  	_ = 	snop  }
0x3c: {  	p2 =	seq.s32 s10, $0x1;
	s10 =	sld [smem:$0x3FB0]  }
0x3d: {  	_ =	shalt  }
0x3e: {  	_ =	shalt  }
0x3f: {  	_ =	shalt  }
0x40: {  	_ =	shalt  }
0x41: {  	_ =	shalt  }
0x42: {  	_ =	shalt  }
0x43: {  	_ =	shalt  }
0x44: {  	_ =	shalt  }
0x45: {  	_ =	shalt  }
0x46: {  	_ =	shalt  }
0x47: {  	_ =	shalt  }
0x48: {  	_ =	shalt  }
0x49: {  	_ =	shalt  }
0x4a: {  	_ =	shalt  }
0x4b: {  	_ =	shalt  }
0x4c: {  	_ =	shalt  }
0x4d: {  	_ =	shalt  }
0x4e: {  	_ =	shalt  }
0x4f: {  	_ =	shalt  }
0x50: {  	_ =	shalt  }
0x51: {  	_ =	shalt  }
0x52: {  	_ =	shalt  }
0x53: {  	_ =	shalt  }
0x54: {  	_ =	shalt  }
0x55: {  	_ =	shalt  }
0x56: {  	_ =	shalt  }
0x57: {  	_ =	shalt  }
0x58: {  	_ =	shalt  }
0x59: {  	_ =	shalt  }
0x5a: {  	_ =	shalt  }
0x5b: {  	_ =	shalt  }
0x5c: {  	_ =	shalt  }
0x5d: {  	_ =	shalt  }
0x5e: {  	_ =	shalt  }
0x5f: {  	_ =	shalt  }
0x60: {  	_ =	shalt  }
0x61: {  	_ =	shalt  }
0x62: {  	_ =	shalt  }
0x63: {  	_ =	shalt  }
0x64: {  	_ =	shalt  }
0x65: {  	_ =	shalt  }
0x66: {  	_ =	shalt  }
0x67: {  	_ =	shalt  }
0x68: {  	_ =	shalt  }
0x69: {  	_ =	shalt  }
0x6a: {  	_ =	shalt  }
0x6b: {  	_ =	shalt  }
0x6c: {  	_ =	shalt  }
0x6d: {  	_ =	shalt  }
0x6e: {  	_ =	shalt  }
0x6f: {  	_ =	shalt  }
0x70: {  	_ =	shalt  }
0x71: {  	_ =	shalt  }
0x72: {  	_ =	shalt  }
0x73: {  	_ =	shalt  }
0x74: {  	_ =	shalt  }
0x75: {  	_ =	shalt  }
0x76: {  	_ =	shalt  }
0x77: {  	_ =	shalt  }
0x78: {  	_ =	shalt  }
0x79: {  	_ =	shalt  }
0x7a: {  	_ =	shalt  }
0x7b: {  	_ =	shalt  }
0x7c: {  	_ =	shalt  }
0x7d: {  	_ =	shalt  }
0x7e: {  	_ =	shalt  }
0x7f: {  	_ =	shalt  }
0x80: {  	_ =	shalt  }
0x81: {  	_ =	shalt  }
0x82: {  	_ =	shalt  }
0x83: {  	_ =	shalt  }
0x84: {  	_ =	shalt  }
0x85: {  	_ =	shalt  }
0x86: {  	_ =	shalt  }
0x87: {  	_ =	shalt  }
.Lfunc_end0:
.L_simem_size_0:
called_computation.1_lowered:
.L_overlay_start_0:
0x88: {  	s2 =	sld [smem:$0x3FD9]  }
0x89: {  	s3 =	sld [smem:$0x3FFE];
	_ =	sdelay $0x1  }
0x8a: {  	s1 =	srdreg.scid  }
0x8b: {  	s0 =	sand.u32 $0x1, s1  }
0x8c: {  	s17 =	sshll.u32 s0, $0xA;
	s2 =	sadd.s32 s3, s2  }
0x8d: {  	s2 =	sadd.s32 s2, s17  }
0x8e: {  	[smem:$0x3FBC] =	sst s2  }
0x8f: {  	_ = 	snop  }
0x90: {  	s2 =	sld [smem:$0x3FD0];
	(tm) =	ssettm $0x1  }
0x91: {  	s18 =	sld [smem:$0x3FFB];
	_ =	sdelay $0x3  }
0x92: {  	_ =	strace s18  }
0x93: {  	s3 =	sld [smem:$0x3FFC];
	_ =	sdelay $0x3  }
0x94: {  	_ =	strace s3  }
0x95: {  	s3 =	sld [smem:$0x3FFD];
	_ =	sdelay $0x3  }
0x96: {  	_ =	strace s3  }
0x97: {  	_ =	strace $0x8FFFFFFF  }
0x98: {  	s19 =	sld [smem:$0x3FDB];
	_ =	sdelay $0x1  }
0x99: {  	s4 =	simm.s32 $_scs_section_size  }
0x9a: {  	s5 =	simm.s32 $_size__tile_overlayer_lowered;
	s6 =	simm.s32 $_tile_overlayer_lowered  }
0x9b: {  	s22 =	simm.s32 $0x1BFF;
	s21 =	sshll.u32 s6, $0x1;
	s3 =	sadd.s32 s4, s19  }
0x9c: {  	s7 =	simm.s32 $0x0;
	s20 =	sshll.u32 s5, $0x1;
	s5 =	sadd.s32 s21, s3  }
0x9d: {  	[timem:s7], [sflag:s22] =	dma.local [hbm:s5], s20  }
0x9e: {  	_ =	swait.ge [sflag:s22], s20  }
0x9f: {  	s4 =	ssub.s32 $0x0, s20;
	[sflag:s22] =	ssyncset.done $0x0  }
0xa0: {  	[sflag:s22] =	ssyncadd.s32 s4;
	_ =	sdelay $0x1  }
0xa1: {  	s23 =	simm.s32 $0x1B8B  }
0xa2: {  	_ =	swait.ge [sflag:s23], $0x1  }
0xa3: {  	[sflag:s23] =	ssyncset.done $0x0  }
0xa4: {  	s25 =	simm.s32 $0x1B8E;
	s24 =	sld [smem:$0x3FFE];
	[sflag:s23] =	ssyncadd.s32 $0xFFFFFFFF  }
0xa5: {  	s26 =	simm.s32 $execute0_lowered;
	[smem:$0x3FD2] =	sst s25  }
0xa6: {  	s5 =	sshll.u32 s26, $0x1;
	_ =	strace $0x80000049;
	[dreg:$0x1] =	wrdreg $0xFFFFFFFF  }
0xa7: {  	s28 =	simm.s32 $_size_execute0_lowered;
	s3 =	sadd.s32 s3, s5;
	[dreg:$0x0] =	wrdreg $0x0  }
0xa8: {  	s5 =	sshll.u32 s28, $0x1;
	[dreg:$0x2] =	wrdreg s3  }
0xa9: {  	[dreg:$0x3] =	wrdreg s5  }
0xaa: {  	[dreg:$0x4] =	wrdreg $0xC0  }
0xab: {  	_ =	task [dreg:s7], $0x5FFFF  }
0xac: {  	[dreg:$0x1] =	wrdreg $0xFFFFFFFF  }
0xad: {  	[dreg:$0x0] =	wrdreg $0x60  }
0xae: {  	[dreg:$0x2] =	wrdreg s24  }
0xaf: {  	[dreg:$0x3] =	wrdreg s2  }
0xb0: {  	[dreg:$0x4] =	wrdreg $0xA8000  }
0xb1: {  	[dreg:$0x5] =	wrdreg $0x9  }
0xb2: {  	_ =	task.clear_ibuf [dreg:s7], $0x6FFFF;
	_ =	strace $0x90000049  }
0xb3: {  	s29 =	simm.s32 $0x9;
	_ =	strace $0x8000004B  }
0xb4: {  	_ =	swait.ge [sflag:s29], $0x1  }
0xb5: {  	[sflag:s29] =	ssyncadd.s32 $0xFFFFFFFF  }
0xb6: {  	_ =	strace $0x9000004B  }
0xb7: {  	_ =	sfence  }
0xb8: {  	s30 =	sld [smem:$0x0];
	_ =	sdelay $0x2  }
0xb9: {  	s31 =	sshll.u32 s1, $0xD;
	s1 =	sshrl.u32 s1, $0x2  }
0xba: {  	s3 =	sand.u32 $0x4000, s31;
	s1 =	sadd.s32 s1, s30  }
0xbb: {  	s0 =	sor.u32 s3, s0;
	s1 =	sshll.u32 s1, $0x11  }
0xbc: {  	s0 =	sor.u32 s1, s0  }
0xbd: {  	s0 =	sadd.s32 $0x8F2B, s0  }
0xbe: {  	[sflag:s0] =	ssyncadd.remote.s32 $0x1  }
0xbf: {  	_ =	sfence.sel $0xFFFF  }
0xc0: {  	[dreg:$0x0] =	wrdreg $0xFFFFFFFF;
	(pc) =	sbr.abs _section_cstart, $3  }
0xc1: {  	[dreg:$0x1] =	wrdreg $0xFFFFFFFF  }
0xc2: {  	_ =	task.clear_ibuf [dreg:s7], $0x2FFFF;
	_ =	strace $0x9FFFFFFF  }
0xc3: {  	(tm) =	ssettm $0x7FFFFFFF  }
tec
execute0_lowered:
.L_overlay_start_1:
0x0: {  	(tag) =	ssettag $0x1  }
0x1: {  	s5 =	rddreg [dreg:$0x0]  }
0x2: {  	s12 =	rddreg [dreg:$0x1]  }
0x3: {  	s2 =	rddreg [dreg:$0x2]  }
0x4: {  	s0 =	rddreg [dreg:$0x3];
	s1 =	stileid.u32  }
0x5: {  	s4 =	srdreg.scid;
	s3 =	simm.s32 $0x0;
	s16 =	simm.s32 $0x80  }
0x6: {  	s17 =	simm.s32 $0x2800;
	s18 =	simm.s32 $0x1;
	s19 =	simm.s32 $0x6800  }
0x7: {  	s20 =	simm.s32 $0x2;
	s21 =	simm.s32 $0x3;
	s22 =	simm.s32 $0x4  }
0x8: {  	s23 =	simm.s32 $0x2700;
	s6 =	smul.u32 $0x14000, s1;
	s7 =	sand.u32 $0x1, s4  }
0x9: {  	[smem:$0x7FF] =	sst s3;
	s4 =	sadd.s32 $0x4A00, s5;
	s10 =	smul.u32 $0x50000, s1  }
0xa: {  	s11 =	sadd.s32 $0x7D200, s5;
	s30 =	sshll.u32 s1, $0x6;
	s8 =	smul.u32 $0x140000, s7  }
0xb: {  	_ =	strace $0x8000004A;
	s24 =	sshll.u32 s7, $0x4;
	s25 =	ssub.s32 $0x2, s7  }
0xc: {  	s9 =	sshrl.u32 s6, $0x3;
	s26 =	sor.u32 s1, s24;
	s7 =	sshrl.u32 s25, $0x1  }
0xd: {  	s28 =	sshrl.u32 s10, $0x2;
	s24 =	simm.s32 $0x1380;
	s9 =	sadd.s32 s9, s5  }
0xe: {  	s6 =	sadd.s32 s6, s8;
	s29 =	smul.u32 $0x2800, s26;
	s14 =	ssub.s32 s25, s7  }
0xf: {  	s15 =	sadd.s32 s28, s2;
	s25 =	simm.s32 $0x2780;
	s26 =	simm.s32 $0x0  }
0x10: {  	s6 =	sshrl.u32 s6, $0x3;
	s8 =	smax.u32 s14, $0x1;
	s14 =	simm.s32 $0x5  }
0x11: {  	s13 =	sadd.s32 s6, s5;
	s5 =	sadd.s32 $0x87200, s9;
	s10 =	sshrl.u32 s29, $0x3  }
0x12: {  	s6 =	sor.u32 $0x1C05, s30;
	s7 =	sadd.s32 $0xAF200, s13;
	s31 =	sadd.s32 $0x280, s10  }
0x13: {  	s9 =	sadd.s32 s11, s10;
	s10 =	sadd.s32 s12, s10;
	s13 =	sshrl.u32 s15, $0x3  }
0x14: {  	s15 =	simm.s32 $0x1400;
	s11 =	sadd.s32 s11, s31;
	s12 =	sadd.s32 s12, s31  }
.LBB2_1:
0x15: {  	[spmem:s13], [sflag:s6] =	dma.local [hbm:s5], $0x2800  }
0x16: {  	_ =	swait.ge [sflag:s14], $0x2800  }
0x17: {  	[sflag:s14] =	ssyncset.done $0x0  }
0x18: {  	[sflag:s14] =	ssyncadd.s32 $0xFFFFD800  }
0x19: {  	[bflag:$0x0] =	sbarrier.arrive $0xFFFF  }
0x1a: {  	[tilespmem:s3], [sflag:$0x5] =	stream.linear.gather [hbm4b:s9+s3], $0x1400, $0x38;
	[tilespmem:$0x1E800] =	vst v63  }
0x1b: {  	_ =	swait.ge [sflag:s14], $0x1400  }
0x1c: {  	[sflag:s14] =	ssyncset.done $0x0  }
0x1d: {  	[sflag:s14] =	ssyncadd.s32 $0xFFFFEC00  }
0x1e: {  	[tilespmem:s15], [sflag:$0x5] =	stream.linear.gather [hbm4b:s10+s3], $0x1400, $0x38;
	[tilespmem:$0x1E800] =	vst v63  }
0x1f: {  	_ =	swait.ge [sflag:s14], $0x1400  }
0x20: {  	[sflag:s14] =	ssyncset.done $0x0  }
0x21: {  	[sflag:s14] =	ssyncadd.s32 $0xFFFFEC00  }
0x22: {  	[tilespmem:s17], [sflag:$0x1] =	stream.indirect.gather [hbm4b:s4+s16], $0x80, s3, s16, $0xb8;
	[tilespmem:$0x1E800] =	vst v63  }
0x23: {  	_ =	swait.ge [sflag:s18], $0x4000  }
0x24: {  	[sflag:s18] =	ssyncset.done $0x0  }
0x25: {  	s28 =	simm.s32 $0x1400;
	[sflag:s18] =	ssyncadd.s32 $0xFFFFC000  }
0x26: {  	[spmem:s2] =	stream.indirect.scatter.add.f32 [tilespmem:s17], [sflag:$0x3], $0x80, s28, s16, $0xb8;
	[tilespmem:$0x1E800] =	vst v63  }
0x27: {  	s28 =	simm.s32 $0x80  }
0x28: {  	[tilespmem:s19], [sflag:$0x2] =	stream.indirect.gather [hbm4b:s4+s16], $0x80, s28, s16, $0xb8;
	[tilespmem:$0x1E800] =	vst v63  }
0x29: {  	_ =	swait.ge [sflag:s20], $0x4000  }
0x2a: {  	[sflag:s20] =	ssyncset.done $0x0  }
0x2b: {  	s28 =	simm.s32 $0x1480;
	[sflag:s20] =	ssyncadd.s32 $0xFFFFC000  }
0x2c: {  	[spmem:s2] =	stream.indirect.scatter.add.f32 [tilespmem:s19], [sflag:$0x4], $0x80, s28, s16, $0xb8;
	[tilespmem:$0x1E800] =	vst v63  }
0x2d: {  	_ =	swait.ge [sflag:s21], $0x4000  }
0x2e: {  	[sflag:s21] =	ssyncset.done $0x0  }
0x2f: {  	s28 =	simm.s32 $0x100;
	[sflag:s21] =	ssyncadd.s32 $0xFFFFC000  }
0x30: {  	[tilespmem:s17], [sflag:$0x1] =	stream.indirect.gather [hbm4b:s4+s16], $0x80, s28, s16, $0xb8;
	[tilespmem:$0x1E800] =	vst v63  }
0x31: {  	_ =	swait.ge [sflag:s22], $0x4000  }
0x32: {  	s28 =	simm.s32 $0x400;
	[sflag:s22] =	ssyncset.done $0x0  }
.LBB2_2:
0x33: {  	p0 =	sne.s32 s28, $0x4800  }
0x34: {  	[sflag:s22] =	ssyncadd.s32 $0xFFFFC000;
	s29 =	smov.u32 s28;
	s28 =	sadd.s32 $0x400, s28  }
0x35: {  	_ =	swait.ge [sflag:s18], $0x4000  }
0x36: {  	s29 =	sshra.s32 s29, $0x2;
	[sflag:s18] =	ssyncset.done $0x0  }
0x37: {  	s30 =	sadd.s32 $0x1400, s29;
	[sflag:s18] =	ssyncadd.s32 $0xFFFFC000  }
0x38: {  	[spmem:s2] =	stream.indirect.scatter.add.f32 [tilespmem:s17], [sflag:$0x3], $0x80, s30, s16, $0xb8;
	[tilespmem:$0x1E800] =	vst v63  }
0x39: {  	s30 =	sadd.s32 $0x80, s29  }
0x3a: {  	[tilespmem:s19], [sflag:$0x2] =	stream.indirect.gather [hbm4b:s4+s16], $0x80, s30, s16, $0xb8;
	[tilespmem:$0x1E800] =	vst v63  }
0x3b: {  	_ =	swait.ge [sflag:s20], $0x4000  }
0x3c: {  	[sflag:s20] =	ssyncset.done $0x0  }
0x3d: {  	s30 =	sadd.s32 $0x1480, s29;
	[sflag:s20] =	ssyncadd.s32 $0xFFFFC000  }
0x3e: {  	[spmem:s2] =	stream.indirect.scatter.add.f32 [tilespmem:s19], [sflag:$0x4], $0x80, s30, s16, $0xb8;
	[tilespmem:$0x1E800] =	vst v63  }
0x3f: {  	_ =	swait.ge [sflag:s21], $0x4000  }
.Ltmp0:
0x40: {  	[sflag:s21] =	ssyncset.done $0x0;
	(pc) =	sbr.rel @p0 .LBB2_2-.Ltmp0, $4  }
0x41: {  	s29 =	sadd.s32 $0x100, s29;
	[sflag:s21] =	ssyncadd.s32 $0xFFFFC000  }
0x42: {  	[tilespmem:s17], [sflag:$0x1] =	stream.indirect.gather [hbm4b:s4+s16], $0x80, s29, s16, $0xb8;
	[tilespmem:$0x1E800] =	vst v63  }
0x43: {  	_ =	swait.ge [sflag:s22], $0x4000  }
0x44: {  	[sflag:s22] =	ssyncset.done $0x0  }
0x45: {  	[sflag:s22] =	ssyncadd.s32 $0xFFFFC000  }
0x46: {  	_ =	swait.ge [sflag:s18], $0x4000  }
0x47: {  	[sflag:s18] =	ssyncset.done $0x0  }
0x48: {  	[sflag:s18] =	ssyncadd.s32 $0xFFFFC000  }
0x49: {  	[spmem:s2] =	stream.indirect.scatter.add.f32 [tilespmem:s17], [sflag:$0x3], $0x80, s23, s16, $0xb8;
	[tilespmem:$0x1E800] =	vst v63  }
0x4a: {  	_ = 	snop  }
0x4b: {  	[tilespmem:s19], [sflag:$0x2] =	stream.indirect.gather [hbm4b:s4+s16], $0x80, s24, s16, $0xb8;
	[tilespmem:$0x1E800] =	vst v63  }
0x4c: {  	_ =	swait.ge [sflag:s20], $0x4000  }
0x4d: {  	[sflag:s20] =	ssyncset.done $0x0  }
0x4e: {  	[sflag:s20] =	ssyncadd.s32 $0xFFFFC000  }
0x4f: {  	[spmem:s2] =	stream.indirect.scatter.add.f32 [tilespmem:s19], [sflag:$0x4], $0x80, s25, s16, $0xb8;
	[tilespmem:$0x1E800] =	vst v63  }
0x50: {  	_ =	swait.ge [sflag:s21], $0x4000  }
0x51: {  	[sflag:s21] =	ssyncset.done $0x0  }
0x52: {  	[sflag:s21] =	ssyncadd.s32 $0xFFFFC000  }
0x53: {  	_ =	swait.ge [sflag:s22], $0x4000  }
0x54: {  	[sflag:s22] =	ssyncset.done $0x0  }
0x55: {  	s28 =	simm.s32 $0x0;
	[sflag:s22] =	ssyncadd.s32 $0xFFFFC000  }
0x56: {  	[tilespmem:s28], [sflag:$0x5] =	stream.linear.gather [hbm4b:s11+s28], $0x1400, $0x38;
	[tilespmem:$0x1E800] =	vst v63  }
0x57: {  	_ =	swait.ge [sflag:s14], $0x1400  }
0x58: {  	[sflag:s14] =	ssyncset.done $0x0  }
0x59: {  	[sflag:s14] =	ssyncadd.s32 $0xFFFFEC00  }
0x5a: {  	[tilespmem:s15], [sflag:$0x5] =	stream.linear.gather [hbm4b:s12+s28], $0x1400, $0x38;
	[tilespmem:$0x1E800] =	vst v63  }
0x5b: {  	_ =	swait.ge [sflag:s14], $0x1400  }
0x5c: {  	[sflag:s14] =	ssyncset.done $0x0  }
0x5d: {  	[sflag:s14] =	ssyncadd.s32 $0xFFFFEC00  }
0x5e: {  	[tilespmem:s17], [sflag:$0x1] =	stream.indirect.gather [hbm4b:s4+s16], $0x80, s28, s16, $0xb8;
	[tilespmem:$0x1E800] =	vst v63  }
0x5f: {  	_ =	swait.ge [sflag:s18], $0x4000  }
0x60: {  	[sflag:s18] =	ssyncset.done $0x0  }
0x61: {  	s28 =	simm.s32 $0x1400;
	[sflag:s18] =	ssyncadd.s32 $0xFFFFC000  }
0x62: {  	[spmem:s2] =	stream.indirect.scatter.add.f32 [tilespmem:s17], [sflag:$0x3], $0x80, s28, s16, $0xb8;
	[tilespmem:$0x1E800] =	vst v63  }
0x63: {  	s28 =	simm.s32 $0x80  }
0x64: {  	[tilespmem:s19], [sflag:$0x2] =	stream.indirect.gather [hbm4b:s4+s16], $0x80, s28, s16, $0xb8;
	[tilespmem:$0x1E800] =	vst v63  }
0x65: {  	_ =	swait.ge [sflag:s20], $0x4000  }
0x66: {  	[sflag:s20] =	ssyncset.done $0x0  }
0x67: {  	s28 =	simm.s32 $0x1480;
	[sflag:s20] =	ssyncadd.s32 $0xFFFFC000  }
0x68: {  	[spmem:s2] =	stream.indirect.scatter.add.f32 [tilespmem:s19], [sflag:$0x4], $0x80, s28, s16, $0xb8;
	[tilespmem:$0x1E800] =	vst v63  }
0x69: {  	_ =	swait.ge [sflag:s21], $0x4000  }
0x6a: {  	[sflag:s21] =	ssyncset.done $0x0  }
0x6b: {  	s28 =	simm.s32 $0x100;
	[sflag:s21] =	ssyncadd.s32 $0xFFFFC000  }
0x6c: {  	[tilespmem:s17], [sflag:$0x1] =	stream.indirect.gather [hbm4b:s4+s16], $0x80, s28, s16, $0xb8;
	[tilespmem:$0x1E800] =	vst v63  }
0x6d: {  	_ =	swait.ge [sflag:s22], $0x4000  }
0x6e: {  	s28 =	simm.s32 $0x400;
	[sflag:s22] =	ssyncset.done $0x0  }
.LBB2_4:
0x6f: {  	p0 =	sne.s32 s28, $0x4800  }
0x70: {  	[sflag:s22] =	ssyncadd.s32 $0xFFFFC000;
	s29 =	smov.u32 s28;
	s28 =	sadd.s32 $0x400, s28  }
0x71: {  	_ =	swait.ge [sflag:s18], $0x4000  }
0x72: {  	s29 =	sshra.s32 s29, $0x2;
	[sflag:s18] =	ssyncset.done $0x0  }
0x73: {  	s30 =	sadd.s32 $0x1400, s29;
	[sflag:s18] =	ssyncadd.s32 $0xFFFFC000  }
0x74: {  	[spmem:s2] =	stream.indirect.scatter.add.f32 [tilespmem:s17], [sflag:$0x3], $0x80, s30, s16, $0xb8;
	[tilespmem:$0x1E800] =	vst v63  }
0x75: {  	s30 =	sadd.s32 $0x80, s29  }
0x76: {  	[tilespmem:s19], [sflag:$0x2] =	stream.indirect.gather [hbm4b:s4+s16], $0x80, s30, s16, $0xb8;
	[tilespmem:$0x1E800] =	vst v63  }
0x77: {  	_ =	swait.ge [sflag:s20], $0x4000  }
0x78: {  	[sflag:s20] =	ssyncset.done $0x0  }
0x79: {  	s30 =	sadd.s32 $0x1480, s29;
	[sflag:s20] =	ssyncadd.s32 $0xFFFFC000  }
0x7a: {  	[spmem:s2] =	stream.indirect.scatter.add.f32 [tilespmem:s19], [sflag:$0x4], $0x80, s30, s16, $0xb8;
	[tilespmem:$0x1E800] =	vst v63  }
0x7b: {  	_ =	swait.ge [sflag:s21], $0x4000  }
.Ltmp1:
0x7c: {  	[sflag:s21] =	ssyncset.done $0x0;
	(pc) =	sbr.rel @p0 .LBB2_4-.Ltmp1, $4  }
0x7d: {  	s29 =	sadd.s32 $0x100, s29;
	[sflag:s21] =	ssyncadd.s32 $0xFFFFC000  }
0x7e: {  	[tilespmem:s17], [sflag:$0x1] =	stream.indirect.gather [hbm4b:s4+s16], $0x80, s29, s16, $0xb8;
	[tilespmem:$0x1E800] =	vst v63  }
0x7f: {  	_ =	swait.ge [sflag:s22], $0x4000  }
0x80: {  	[sflag:s22] =	ssyncset.done $0x0  }
0x81: {  	[sflag:s22] =	ssyncadd.s32 $0xFFFFC000  }
0x82: {  	_ =	swait.ge [sflag:s18], $0x4000  }
0x83: {  	[sflag:s18] =	ssyncset.done $0x0  }
0x84: {  	[sflag:s18] =	ssyncadd.s32 $0xFFFFC000  }
0x85: {  	[spmem:s2] =	stream.indirect.scatter.add.f32 [tilespmem:s17], [sflag:$0x3], $0x80, s23, s16, $0xb8;
	[tilespmem:$0x1E800] =	vst v63  }
0x86: {  	_ = 	snop  }
0x87: {  	[tilespmem:s19], [sflag:$0x2] =	stream.indirect.gather [hbm4b:s4+s16], $0x80, s24, s16, $0xb8;
	[tilespmem:$0x1E800] =	vst v63  }
0x88: {  	_ =	swait.ge [sflag:s20], $0x4000  }
0x89: {  	[sflag:s20] =	ssyncset.done $0x0  }
0x8a: {  	[sflag:s20] =	ssyncadd.s32 $0xFFFFC000  }
0x8b: {  	[spmem:s2] =	stream.indirect.scatter.add.f32 [tilespmem:s19], [sflag:$0x4], $0x80, s25, s16, $0xb8;
	[tilespmem:$0x1E800] =	vst v63  }
0x8c: {  	_ =	swait.ge [sflag:s21], $0x4000  }
0x8d: {  	[sflag:s21] =	ssyncset.done $0x0  }
0x8e: {  	[sflag:s21] =	ssyncadd.s32 $0xFFFFC000  }
0x8f: {  	_ =	swait.ge [sflag:s22], $0x4000  }
0x90: {  	s26 =	sadd.s32 $0x1, s26;
	[sflag:s22] =	ssyncset.done $0x0  }
0x91: {  	p0 =	sne.s32 s26, s8;
	[sflag:s22] =	ssyncadd.s32 $0xFFFFC000  }
.Ltmp2:
0x92: {  	[bflag:$0x0] =	sbarrier.arrive $0xFFFF;
	(pc) =	sbr.rel @p0 .LBB2_1-.Ltmp2, $4  }
0x93: {  	[hbm:s7], [sflag:s6] =	dma.local [spmem:s13], $0x2800  }
0x94: {  	_ =	swait.ge [sflag:s14], $0x2800  }
0x95: {  	[sflag:s14] =	ssyncset.done $0x0  }
0x96: {  	[sflag:s14] =	ssyncadd.s32 $0xFFFFD800  }
0x97: {  	_ =	sfence.sel $0x180000  }
0x98: {  	[bflag:$0x0] =	sbarrier.arrive $0xFFFF  }
0x99: {  	p0 =	sne.s32 s1, $0x0;
	_ =	strace $0x9000004A  }
0x9a: {  	s0 =	sadd.s32 @!p0 $0x100000, s0;
	[bflag:$0x2] =	sbarrier.arrive $0xFFFF  }
0x9b: {  	[sflag:s0] =	ssyncadd.tile.s32 @!p0 $0x1;
	_ =	shalt  }
.Lfunc_end2:
_tile_overlayer_lowered:
.L_overlay_start_2:
0x9c: {  	(tag) =	ssettag $0x2  }
0x9d: {  	s0 =	rddreg [dreg:$0x0];
	s2 =	stileid.u32  }
0x9e: {  	s1 =	rddreg [dreg:$0x1];
	p0 =	sne.s32 s2, $0x0  }
0x9f: {  	s3 =	rddreg [dreg:$0x2];
	[bflag:$0x3] =	sbarrier.arrive $0xFFFF;
	s2 =	simm.s32 @!p0 $0x1C05  }
0xa0: {  	[timem:s3], [sflag:s2] =	dma.local @!p0 [hbm:s0], s1  }
0xa1: {  	s0 =	simm.s32 @!p0 $0x5  }
0xa2: {  	_ =	swait.ge @!p0 [sflag:s0], s1  }
0xa3: {  	s1 =	ssub.s32 @!p0 $0x0, s1;
	[sflag:s0] =	ssyncset.done @!p0 $0x0  }
0xa4: {  	[sflag:s0] =	ssyncadd.s32 @!p0 s1  }
0xa5: {  	[bflag:$0x3] =	sbarrier.arrive $0xFFFF  }
0xa6: {  	_ =	shalt  }

// kernel: kernel.18.cloned.1.call-start
scs
__scs_entry_jumppad:
0x0: {  	(pc) =	sbr.rel $0x88, $3  }
0x1: {  	(tag) =	ssettag $0x0;
	lr =	simm.s32 $0x1  }
0x2: {  	[smem:$0x3F95] =	sst lr;
	_ =	strace $0xD0000000  }
0x3: {  	_ = 	snop  }
0x4: {  	_ = 	snop  }
0x5: {  	_ = 	snop  }
0x6: {  	_ = 	snop  }
0x7: {  	_ = 	snop  }
__scs_overlays_trampoline_lowered:
0x8: {  	[smem:$0x3FA4] =	sst s0  }
0x9: {  	[smem:$0x3FA5] =	sst s1  }
0xa: {  	[smem:$0x3FA6] =	sst s2  }
0xb: {  	[smem:$0x3FA7] =	sst s3  }
0xc: {  	[smem:$0x3FA8] =	sst s4  }
0xd: {  	[smem:$0x3FA9] =	sst s5  }
0xe: {  	[smem:$0x3FAA] =	sst s6  }
0xf: {  	[smem:$0x3FAB] =	sst s7  }
0x10: {  	[smem:$0x3FAC] =	sst s8  }
0x11: {  	[smem:$0x3FAD] =	sst s9;
	s0 =	simm.s32 @!p0 $0x0  }
0x12: {  	s1 =	sld [smem:$0x3F93];
	s0 =	simm.s32 @p0 $0x1  }
0x13: {  	[smem:$0x3FAE] =	sst s0;
	s0 =	simm.s32 @!p1 $0x0  }
0x14: {  	s2 =	sld [smem:$0x3F92];
	s0 =	simm.s32 @p1 $0x1  }
0x15: {  	[smem:$0x3FAF] =	sst s0;
	s0 =	simm.s32 @!p2 $0x0  }
0x16: {  	s3 =	sld [smem:$0x3FDB];
	s0 =	simm.s32 @p2 $0x1  }
0x17: {  	s4 =	simm.s32 $0x1BF5;
	[smem:$0x3FB1] =	sst s0  }
0x18: {  	s0 =	sld [smem:$0x3F94];
	_ =	swait.ge [sflag:s4], $0x0  }
0x19: {  	s7 =	sld [smem:$0x3F95]  }
0x1a: {  	s8 =	sadd.s32 $0xFFFFE003, lr  }
0x1b: {  	s9 =	sadd.s32 $0xFFFFFEF7, lr;
	s5 =	simm.s32 $0xFFFFFFFF;
	p2 =	slt.u32 s8, $0xFFFFF086  }
0x1c: {  	p1 =	slt.u32 s9, $0xF7A;
	s5 =	simm.s32 @!p2 $0x0  }
0x1d: {  	s5 =	simm.s32 @p1 $0x1;
	p0 =	seq.s32 s7, s2  }
0x1e: {  	s7 =	smul.u32 @!p0 $0xF7A, s2;
	p2 =	seq.s32 @!p0 s5, $0x0  }
0x1f: {  	s9 =	smul.u32 $0xF7A, s1;
	s8 =	simm.s32 @!p0 $0x1BF5;
	p2 =	por !p2, p0  }
0x20: {  	[sflag:s8] =	ssyncset.s32 @!p0 $0xFFFFF086;
	s6 =	sadd.s32 @!p0 s3, s7;
	s7 =	simm.s32 @!p0 $0x108  }
0x21: {  	s3 =	sadd.s32 s3, s9;
	s6 =	sadd.s32 @!p0 $0x88, s6;
	s7 =	simm.s32 @p2 $0x1082  }
0x22: {  	[simem:s7], [sflag:s8] =	dma.local @!p0 [hbm:s6], $0xF7A  }
0x23: {  	s9 =	sor.u32 $0xD0000000, s2;
	s6 =	simm.s32 $0x108;
	_ =	swait.ge @!p0 [sflag:s8], $0x0  }
0x24: {  	s3 =	sadd.s32 $0x88, s3;
	s6 =	simm.s32 @!p1 $0x1082;
	[sflag:s4] =	ssyncset.s32 $0xFFFFF086  }
0x25: {  	[simem:s6], [sflag:s4] =	dma.local [hbm:s3], $0xF7A  }
0x26: {  	[smem:$0x3F95] =	sst s1;
	(tag) =	ssettag s2;
	_ =	strace s9  }
0x27: {  	s1 =	sld [smem:$0x3FA5]  }
0x28: {  	s2 =	sld [smem:$0x3FA6]  }
0x29: {  	s4 =	sld [smem:$0x3FA8]  }
0x2a: {  	p0 =	seq.s32 s5, $0x0;
	s5 =	sld [smem:$0x3FA9]  }
0x2b: {  	s6 =	sld [smem:$0x3FAA]  }
0x2c: {  	s7 =	sld [smem:$0x3FAB]  }
0x2d: {  	s3 =	simm.s32 $0x108;
	s8 =	sld [smem:$0x3FAC]  }
0x2e: {  	s3 =	simm.s32 @!p0 $0x1082;
	s9 =	sld [smem:$0x3FAD]  }
0x2f: {  	lr =	sadd.s32 s0, s3;
	s0 =	sld [smem:$0x3FA4]  }
0x30: {  	s3 =	sld [smem:$0x3FA7]  }
0x31: {  	[smem:$0x3FB0] =	sst s10  }
0x32: {  	s10 =	sld [smem:$0x3FAE];
	_ =	sdelay $0x3  }
0x33: {  	p0 =	seq.s32 s10, $0x1;
	s10 =	sld [smem:$0x3FB0];
	_ =	sdelay $0x3  }
0x34: {  	[smem:$0x3FB0] =	sst s10  }
0x35: {  	s10 =	sld [smem:$0x3FAF];
	_ =	sdelay $0x3  }
0x36: {  	p1 =	seq.s32 s10, $0x1;
	s10 =	sld [smem:$0x3FB0];
	_ =	sdelay $0x3  }
0x37: {  	[smem:$0x3FB0] =	sst s10  }
0x38: {  	s10 =	sld [smem:$0x3FB1]  }
0x39: {  	_ = 	snop;
	(pc) =	sbr.ind lr, $3  }
0x3a: {  	_ = 	snop  }
0x3b: {  	_ = 	snop  }
0x3c: {  	p2 =	seq.s32 s10, $0x1;
	s10 =	sld [smem:$0x3FB0]  }
0x3d: {  	_ =	shalt  }
0x3e: {  	_ =	shalt  }
0x3f: {  	_ =	shalt  }
0x40: {  	_ =	shalt  }
0x41: {  	_ =	shalt  }
0x42: {  	_ =	shalt  }
0x43: {  	_ =	shalt  }
0x44: {  	_ =	shalt  }
0x45: {  	_ =	shalt  }
0x46: {  	_ =	shalt  }
0x47: {  	_ =	shalt  }
0x48: {  	_ =	shalt  }
0x49: {  	_ =	shalt  }
0x4a: {  	_ =	shalt  }
0x4b: {  	_ =	shalt  }
0x4c: {  	_ =	shalt  }
0x4d: {  	_ =	shalt  }
0x4e: {  	_ =	shalt  }
0x4f: {  	_ =	shalt  }
0x50: {  	_ =	shalt  }
0x51: {  	_ =	shalt  }
0x52: {  	_ =	shalt  }
0x53: {  	_ =	shalt  }
0x54: {  	_ =	shalt  }
0x55: {  	_ =	shalt  }
0x56: {  	_ =	shalt  }
0x57: {  	_ =	shalt  }
0x58: {  	_ =	shalt  }
0x59: {  	_ =	shalt  }
0x5a: {  	_ =	shalt  }
0x5b: {  	_ =	shalt  }
0x5c: {  	_ =	shalt  }
0x5d: {  	_ =	shalt  }
0x5e: {  	_ =	shalt  }
0x5f: {  	_ =	shalt  }
0x60: {  	_ =	shalt  }
0x61: {  	_ =	shalt  }
0x62: {  	_ =	shalt  }
0x63: {  	_ =	shalt  }
0x64: {  	_ =	shalt  }
0x65: {  	_ =	shalt  }
0x66: {  	_ =	shalt  }
0x67: {  	_ =	shalt  }
0x68: {  	_ =	shalt  }
0x69: {  	_ =	shalt  }
0x6a: {  	_ =	shalt  }
0x6b: {  	_ =	shalt  }
0x6c: {  	_ =	shalt  }
0x6d: {  	_ =	shalt  }
0x6e: {  	_ =	shalt  }
0x6f: {  	_ =	shalt  }
0x70: {  	_ =	shalt  }
0x71: {  	_ =	shalt  }
0x72: {  	_ =	shalt  }
0x73: {  	_ =	shalt  }
0x74: {  	_ =	shalt  }
0x75: {  	_ =	shalt  }
0x76: {  	_ =	shalt  }
0x77: {  	_ =	shalt  }
0x78: {  	_ =	shalt  }
0x79: {  	_ =	shalt  }
0x7a: {  	_ =	shalt  }
0x7b: {  	_ =	shalt  }
0x7c: {  	_ =	shalt  }
0x7d: {  	_ =	shalt  }
0x7e: {  	_ =	shalt  }
0x7f: {  	_ =	shalt  }
0x80: {  	_ =	shalt  }
0x81: {  	_ =	shalt  }
0x82: {  	_ =	shalt  }
0x83: {  	_ =	shalt  }
0x84: {  	_ =	shalt  }
0x85: {  	_ =	shalt  }
0x86: {  	_ =	shalt  }
0x87: {  	_ =	shalt  }
.Lfunc_end0:
.L_simem_size_0:
called_computation.2_lowered:
.L_overlay_start_0:
0x88: {  	s2 =	sld [smem:$0x3FD9]  }
0x89: {  	s3 =	sld [smem:$0x3FFE];
	_ =	sdelay $0x1  }
0x8a: {  	s1 =	srdreg.scid  }
0x8b: {  	s0 =	sand.u32 $0x1, s1  }
0x8c: {  	s17 =	sshll.u32 s0, $0xA;
	s2 =	sadd.s32 s3, s2  }
0x8d: {  	s2 =	sadd.s32 s2, s17  }
0x8e: {  	[smem:$0x3FBC] =	sst s2  }
0x8f: {  	_ = 	snop  }
0x90: {  	s2 =	sld [smem:$0x3FD0];
	(tm) =	ssettm $0x1  }
0x91: {  	s18 =	sld [smem:$0x3FFB];
	_ =	sdelay $0x3  }
0x92: {  	_ =	strace s18  }
0x93: {  	s3 =	sld [smem:$0x3FFC];
	_ =	sdelay $0x3  }
0x94: {  	_ =	strace s3  }
0x95: {  	s3 =	sld [smem:$0x3FFD];
	_ =	sdelay $0x3  }
0x96: {  	_ =	strace s3  }
0x97: {  	_ =	strace $0x8FFFFFFF  }
0x98: {  	s19 =	sld [smem:$0x3FDB];
	_ =	sdelay $0x1  }
0x99: {  	s4 =	simm.s32 $_scs_section_size  }
0x9a: {  	s5 =	simm.s32 $_size__tile_overlayer_lowered;
	s6 =	simm.s32 $_tile_overlayer_lowered  }
0x9b: {  	s22 =	simm.s32 $0x1BFF;
	s21 =	sshll.u32 s6, $0x1;
	s3 =	sadd.s32 s4, s19  }
0x9c: {  	s7 =	simm.s32 $0x0;
	s20 =	sshll.u32 s5, $0x1;
	s5 =	sadd.s32 s21, s3  }
0x9d: {  	[timem:s7], [sflag:s22] =	dma.local [hbm:s5], s20  }
0x9e: {  	_ =	swait.ge [sflag:s22], s20  }
0x9f: {  	s4 =	ssub.s32 $0x0, s20;
	[sflag:s22] =	ssyncset.done $0x0  }
0xa0: {  	[sflag:s22] =	ssyncadd.s32 s4;
	_ =	sdelay $0x1  }
0xa1: {  	s23 =	simm.s32 $0x1B8B  }
0xa2: {  	_ =	swait.ge [sflag:s23], $0x1  }
0xa3: {  	[sflag:s23] =	ssyncset.done $0x0  }
0xa4: {  	s25 =	simm.s32 $0x1B8E;
	s24 =	sld [smem:$0x3FFE];
	[sflag:s23] =	ssyncadd.s32 $0xFFFFFFFF  }
0xa5: {  	s26 =	simm.s32 $execute0_lowered;
	[smem:$0x3FD2] =	sst s25  }
0xa6: {  	s5 =	sshll.u32 s26, $0x1;
	_ =	strace $0x8000004C;
	[dreg:$0x1] =	wrdreg $0xFFFFFFFF  }
0xa7: {  	s28 =	simm.s32 $_size_execute0_lowered;
	s3 =	sadd.s32 s3, s5;
	[dreg:$0x0] =	wrdreg $0x0  }
0xa8: {  	s5 =	sshll.u32 s28, $0x1;
	[dreg:$0x2] =	wrdreg s3  }
0xa9: {  	[dreg:$0x3] =	wrdreg s5  }
0xaa: {  	[dreg:$0x4] =	wrdreg $0xC0  }
0xab: {  	_ =	task [dreg:s7], $0x5FFFF  }
0xac: {  	[dreg:$0x1] =	wrdreg $0xFFFFFFFF  }
0xad: {  	[dreg:$0x0] =	wrdreg $0x60  }
0xae: {  	[dreg:$0x2] =	wrdreg s24  }
0xaf: {  	[dreg:$0x3] =	wrdreg s2  }
0xb0: {  	[dreg:$0x4] =	wrdreg $0xA8000  }
0xb1: {  	[dreg:$0x5] =	wrdreg $0x9  }
0xb2: {  	_ =	task.clear_ibuf [dreg:s7], $0x6FFFF;
	_ =	strace $0x9000004C  }
0xb3: {  	s29 =	simm.s32 $0x9;
	_ =	strace $0x8000004E  }
0xb4: {  	_ =	swait.ge [sflag:s29], $0x1  }
0xb5: {  	[sflag:s29] =	ssyncadd.s32 $0xFFFFFFFF  }
0xb6: {  	_ =	strace $0x9000004E  }
0xb7: {  	_ =	sfence  }
0xb8: {  	s30 =	sld [smem:$0x0];
	_ =	sdelay $0x2  }
0xb9: {  	s31 =	sshll.u32 s1, $0xD;
	s1 =	sshrl.u32 s1, $0x2  }
0xba: {  	s3 =	sand.u32 $0x4000, s31;
	s1 =	sadd.s32 s1, s30  }
0xbb: {  	s0 =	sor.u32 s3, s0;
	s1 =	sshll.u32 s1, $0x11  }
0xbc: {  	s0 =	sor.u32 s1, s0  }
0xbd: {  	s0 =	sadd.s32 $0x8F2B, s0  }
0xbe: {  	[sflag:s0] =	ssyncadd.remote.s32 $0x1  }
0xbf: {  	_ =	sfence.sel $0xFFFF  }
0xc0: {  	[dreg:$0x0] =	wrdreg $0xFFFFFFFF;
	(pc) =	sbr.abs _section_cstart, $3  }
0xc1: {  	[dreg:$0x1] =	wrdreg $0xFFFFFFFF  }
0xc2: {  	_ =	task.clear_ibuf [dreg:s7], $0x2FFFF;
	_ =	strace $0x9FFFFFFF  }
0xc3: {  	(tm) =	ssettm $0x7FFFFFFF  }
tec
execute0_lowered:
.L_overlay_start_1:
0x0: {  	(tag) =	ssettag $0x1  }
0x1: {  	s10 =	rddreg [dreg:$0x0]  }
0x2: {  	s2 =	rddreg [dreg:$0x1]  }
0x3: {  	s3 =	rddreg [dreg:$0x2]  }
0x4: {  	s0 =	rddreg [dreg:$0x3];
	s1 =	stileid.u32  }
0x5: {  	s5 =	srdreg.scid;
	s4 =	simm.s32 $0x0;
	s16 =	simm.s32 $0x80  }
0x6: {  	s17 =	simm.s32 $0x2800;
	s18 =	simm.s32 $0x1;
	s19 =	simm.s32 $0x6800  }
0x7: {  	s20 =	simm.s32 $0x2;
	s21 =	simm.s32 $0x3;
	s22 =	simm.s32 $0x4  }
0x8: {  	s23 =	simm.s32 $0x2700;
	s24 =	simm.s32 $0x1380;
	s25 =	simm.s32 $0x2780  }
0x9: {  	s7 =	smul.u32 $0x14000, s1;
	s9 =	sand.u32 $0x1, s5;
	[smem:$0x7FF] =	sst s4  }
0xa: {  	s5 =	sadd.s32 $0xFF200, s10;
	s6 =	sadd.s32 $0x7D200, s10;
	s12 =	smul.u32 $0x50000, s1  }
0xb: {  	s31 =	sshll.u32 s1, $0x6;
	s8 =	smul.u32 $0x140000, s9;
	_ =	strace $0x8000004D  }
0xc: {  	s28 =	ssub.s32 $0x2, s9;
	p0 =	seq.s32 s9, $0x1;
	s9 =	smul.u32 $0x5000, s1  }
0xd: {  	s11 =	sshrl.u32 s7, $0x3;
	s29 =	sshrl.u32 s28, $0x1;
	s30 =	sshrl.u32 s12, $0x2  }
.Ltmp0:
0xe: {  	s7 =	sadd.s32 s7, s8;
	s11 =	sadd.s32 s11, s10;
	(pc) =	sbr.rel .LBB2_1-.Ltmp0, $4  }
0xf: {  	s14 =	ssub.s32 s28, s29;
	s15 =	sadd.s32 s30, s3;
	s8 =	sor.u32 $0x1C05, s31  }
0x10: {  	s7 =	sshrl.u32 s7, $0x3;
	s12 =	smax.u32 s14, $0x1;
	s14 =	simm.s32 $0x5  }
0x11: {  	s13 =	sadd.s32 s7, s10;
	s7 =	sadd.s32 $0x87200, s11;
	s10 =	sadd.s32 $0x127200, s10  }
0x12: {  	s11 =	sadd.s32 $0x14F200, s13;
	s13 =	sshrl.u32 s15, $0x3;
	s15 =	simm.s32 $0x1400  }
.LBB2_8:
0x13: {  	s4 =	sadd.s32 $0x1, s4  }
0x14: {  	p1 =	sne.s32 s4, s12  }
.Ltmp1:
0x15: {  	[bflag:$0x0] =	sbarrier.arrive $0xFFFF;
	(pc) =	sbr.rel @!p1 .LBB2_9-.Ltmp1, $4  }
0x16: {  	[hbm:s11], [sflag:s8] =	dma.local [spmem:s13], $0x2800  }
0x17: {  	_ =	swait.ge [sflag:s14], $0x2800  }
0x18: {  	[sflag:s14] =	ssyncset.done $0x0  }
0x19: {  	[sflag:s14] =	ssyncadd.s32 $0xFFFFD800  }
.LBB2_1:
0x1a: {  	[spmem:s13], [sflag:s8] =	dma.local [hbm:s7], $0x2800  }
.Ltmp2:
0x1b: {  	_ =	swait.ge [sflag:s14], $0x2800;
	(pc) =	sbr.rel @!p0 .LBB2_2-.Ltmp2, $4  }
0x1c: {  	[sflag:s14] =	ssyncset.done $0x0  }
0x1d: {  	[sflag:s14] =	ssyncadd.s32 $0xFFFFD800  }
0x1e: {  	[bflag:$0x0] =	sbarrier.arrive $0xFFFF  }
0x1f: {  	s26 =	simm.s32 $0x0;
	s28 =	simm.s32 $0x0  }
.LBB2_5:
0x20: {  	s26 =	smul.u32 $0x1400, s28;
	_ =	sdelay $0x1  }
0x21: {  	s26 =	sadd.s32 s9, s26  }
0x22: {  	s26 =	sshrl.u32 s26, $0x3  }
0x23: {  	s30 =	simm.s32 $0x0;
	s29 =	sadd.s32 s6, s26  }
0x24: {  	[tilespmem:s30], [sflag:$0x5] =	stream.linear.gather [hbm4b:s29+s30], $0x1400, $0x38;
	[tilespmem:$0x1E800] =	vst v63  }
0x25: {  	_ =	swait.ge [sflag:s14], $0x1400  }
0x26: {  	[sflag:s14] =	ssyncset.done $0x0  }
0x27: {  	s26 =	sadd.s32 s2, s26;
	[sflag:s14] =	ssyncadd.s32 $0xFFFFEC00  }
0x28: {  	[tilespmem:s15], [sflag:$0x5] =	stream.linear.gather [hbm4b:s26+s30], $0x1400, $0x38;
	[tilespmem:$0x1E800] =	vst v63  }
0x29: {  	_ =	swait.ge [sflag:s14], $0x1400  }
0x2a: {  	[sflag:s14] =	ssyncset.done $0x0  }
0x2b: {  	[sflag:s14] =	ssyncadd.s32 $0xFFFFEC00  }
0x2c: {  	[tilespmem:s17], [sflag:$0x1] =	stream.indirect.gather [hbm4b:s10+s16], $0x80, s30, s16, $0xb8;
	[tilespmem:$0x1E800] =	vst v63  }
0x2d: {  	_ =	swait.ge [sflag:s18], $0x4000  }
0x2e: {  	[sflag:s18] =	ssyncset.done $0x0  }
0x2f: {  	s31 =	simm.s32 $0x1400;
	[sflag:s18] =	ssyncadd.s32 $0xFFFFC000  }
0x30: {  	[spmem:s3] =	stream.indirect.scatter.add.f32 [tilespmem:s17], [sflag:$0x3], $0x80, s31, s16, $0xb8;
	[tilespmem:$0x1E800] =	vst v63  }
0x31: {  	s29 =	simm.s32 $0x80  }
0x32: {  	[tilespmem:s19], [sflag:$0x2] =	stream.indirect.gather [hbm4b:s10+s16], $0x80, s29, s16, $0xb8;
	[tilespmem:$0x1E800] =	vst v63  }
0x33: {  	_ =	swait.ge [sflag:s20], $0x4000  }
0x34: {  	[sflag:s20] =	ssyncset.done $0x0  }
0x35: {  	s30 =	simm.s32 $0x1480;
	[sflag:s20] =	ssyncadd.s32 $0xFFFFC000  }
0x36: {  	[spmem:s3] =	stream.indirect.scatter.add.f32 [tilespmem:s19], [sflag:$0x4], $0x80, s30, s16, $0xb8;
	[tilespmem:$0x1E800] =	vst v63  }
0x37: {  	_ =	swait.ge [sflag:s21], $0x4000  }
0x38: {  	[sflag:s21] =	ssyncset.done $0x0  }
0x39: {  	s31 =	simm.s32 $0x100;
	[sflag:s21] =	ssyncadd.s32 $0xFFFFC000  }
0x3a: {  	[tilespmem:s17], [sflag:$0x1] =	stream.indirect.gather [hbm4b:s10+s16], $0x80, s31, s16, $0xb8;
	[tilespmem:$0x1E800] =	vst v63  }
0x3b: {  	_ =	swait.ge [sflag:s22], $0x4000  }
0x3c: {  	s26 =	simm.s32 $0x400;
	[sflag:s22] =	ssyncset.done $0x0  }
.LBB2_6:
0x3d: {  	p1 =	sne.s32 s26, $0x4800  }
0x3e: {  	[sflag:s22] =	ssyncadd.s32 $0xFFFFC000;
	s29 =	smov.u32 s26;
	s26 =	sadd.s32 $0x400, s26  }
0x3f: {  	_ =	swait.ge [sflag:s18], $0x4000  }
0x40: {  	s29 =	sshra.s32 s29, $0x2;
	[sflag:s18] =	ssyncset.done $0x0  }
0x41: {  	s30 =	sadd.s32 $0x1400, s29;
	[sflag:s18] =	ssyncadd.s32 $0xFFFFC000  }
0x42: {  	[spmem:s3] =	stream.indirect.scatter.add.f32 [tilespmem:s17], [sflag:$0x3], $0x80, s30, s16, $0xb8;
	[tilespmem:$0x1E800] =	vst v63  }
0x43: {  	s30 =	sadd.s32 $0x80, s29  }
0x44: {  	[tilespmem:s19], [sflag:$0x2] =	stream.indirect.gather [hbm4b:s10+s16], $0x80, s30, s16, $0xb8;
	[tilespmem:$0x1E800] =	vst v63  }
0x45: {  	_ =	swait.ge [sflag:s20], $0x4000  }
0x46: {  	[sflag:s20] =	ssyncset.done $0x0  }
0x47: {  	s30 =	sadd.s32 $0x1480, s29;
	[sflag:s20] =	ssyncadd.s32 $0xFFFFC000  }
0x48: {  	[spmem:s3] =	stream.indirect.scatter.add.f32 [tilespmem:s19], [sflag:$0x4], $0x80, s30, s16, $0xb8;
	[tilespmem:$0x1E800] =	vst v63  }
0x49: {  	_ =	swait.ge [sflag:s21], $0x4000  }
.Ltmp3:
0x4a: {  	[sflag:s21] =	ssyncset.done $0x0;
	(pc) =	sbr.rel @p1 .LBB2_6-.Ltmp3, $4  }
0x4b: {  	s29 =	sadd.s32 $0x100, s29;
	[sflag:s21] =	ssyncadd.s32 $0xFFFFC000  }
0x4c: {  	[tilespmem:s17], [sflag:$0x1] =	stream.indirect.gather [hbm4b:s10+s16], $0x80, s29, s16, $0xb8;
	[tilespmem:$0x1E800] =	vst v63  }
0x4d: {  	_ =	swait.ge [sflag:s22], $0x4000  }
0x4e: {  	[sflag:s22] =	ssyncset.done $0x0  }
0x4f: {  	[sflag:s22] =	ssyncadd.s32 $0xFFFFC000  }
0x50: {  	_ =	swait.ge [sflag:s18], $0x4000  }
0x51: {  	[sflag:s18] =	ssyncset.done $0x0  }
0x52: {  	[sflag:s18] =	ssyncadd.s32 $0xFFFFC000  }
0x53: {  	[spmem:s3] =	stream.indirect.scatter.add.f32 [tilespmem:s17], [sflag:$0x3], $0x80, s23, s16, $0xb8;
	[tilespmem:$0x1E800] =	vst v63  }
0x54: {  	_ = 	snop  }
0x55: {  	[tilespmem:s19], [sflag:$0x2] =	stream.indirect.gather [hbm4b:s10+s16], $0x80, s24, s16, $0xb8;
	[tilespmem:$0x1E800] =	vst v63  }
0x56: {  	_ =	swait.ge [sflag:s20], $0x4000  }
0x57: {  	[sflag:s20] =	ssyncset.done $0x0  }
0x58: {  	s28 =	sadd.s32 $0x1, s28;
	[sflag:s20] =	ssyncadd.s32 $0xFFFFC000  }
0x59: {  	[spmem:s3] =	stream.indirect.scatter.add.f32 [tilespmem:s19], [sflag:$0x4], $0x80, s25, s16, $0xb8;
	[tilespmem:$0x1E800] =	vst v63  }
0x5a: {  	p1 =	sne.s32 s28, $0x4;
	_ =	swait.ge [sflag:s21], $0x4000  }
.Ltmp4:
0x5b: {  	[sflag:s21] =	ssyncset.done $0x0;
	(pc) =	sbr.rel @p1 .LBB2_5-.Ltmp4, $4  }
.Ltmp5:
0x5c: {  	[sflag:s21] =	ssyncadd.s32 $0xFFFFC000;
	(pc) =	sbr.rel @!p1 .LBB2_8-.Ltmp5, $4  }
0x5d: {  	_ =	swait.ge [sflag:s22], $0x4000  }
0x5e: {  	[sflag:s22] =	ssyncset.done $0x0  }
0x5f: {  	[sflag:s22] =	ssyncadd.s32 $0xFFFFC000  }
0x60: {  	_ = 	snop  }
.LBB2_2:
0x61: {  	s28 =	smul.u32 $0x1400, s26;
	_ =	sdelay $0x1  }
0x62: {  	s28 =	sadd.s32 s9, s28  }
0x63: {  	s28 =	sshrl.u32 s28, $0x3  }
0x64: {  	s30 =	simm.s32 $0x0;
	s29 =	sadd.s32 s6, s28  }
0x65: {  	[tilespmem:s30], [sflag:$0x5] =	stream.linear.gather [hbm4b:s29+s30], $0x1400, $0x38;
	[tilespmem:$0x1E800] =	vst v63  }
0x66: {  	_ =	swait.ge [sflag:s14], $0x1400  }
0x67: {  	[sflag:s14] =	ssyncset.done $0x0  }
0x68: {  	s28 =	sadd.s32 s2, s28;
	[sflag:s14] =	ssyncadd.s32 $0xFFFFEC00  }
0x69: {  	[tilespmem:s15], [sflag:$0x5] =	stream.linear.gather [hbm4b:s28+s30], $0x1400, $0x38;
	[tilespmem:$0x1E800] =	vst v63  }
0x6a: {  	_ =	swait.ge [sflag:s14], $0x1400  }
0x6b: {  	[sflag:s14] =	ssyncset.done $0x0  }
0x6c: {  	[sflag:s14] =	ssyncadd.s32 $0xFFFFEC00  }
0x6d: {  	[tilespmem:s17], [sflag:$0x1] =	stream.indirect.gather [hbm4b:s5+s16], $0x80, s30, s16, $0xb8;
	[tilespmem:$0x1E800] =	vst v63  }
0x6e: {  	_ =	swait.ge [sflag:s18], $0x4000  }
0x6f: {  	[sflag:s18] =	ssyncset.done $0x0  }
0x70: {  	s28 =	simm.s32 $0x1400;
	[sflag:s18] =	ssyncadd.s32 $0xFFFFC000  }
0x71: {  	[spmem:s3] =	stream.indirect.scatter.add.f32 [tilespmem:s17], [sflag:$0x3], $0x80, s28, s16, $0xb8;
	[tilespmem:$0x1E800] =	vst v63  }
0x72: {  	s28 =	simm.s32 $0x80  }
0x73: {  	[tilespmem:s19], [sflag:$0x2] =	stream.indirect.gather [hbm4b:s5+s16], $0x80, s28, s16, $0xb8;
	[tilespmem:$0x1E800] =	vst v63  }
0x74: {  	_ =	swait.ge [sflag:s20], $0x4000  }
0x75: {  	[sflag:s20] =	ssyncset.done $0x0  }
0x76: {  	s28 =	simm.s32 $0x1480;
	[sflag:s20] =	ssyncadd.s32 $0xFFFFC000  }
0x77: {  	[spmem:s3] =	stream.indirect.scatter.add.f32 [tilespmem:s19], [sflag:$0x4], $0x80, s28, s16, $0xb8;
	[tilespmem:$0x1E800] =	vst v63  }
0x78: {  	_ =	swait.ge [sflag:s21], $0x4000  }
0x79: {  	[sflag:s21] =	ssyncset.done $0x0  }
0x7a: {  	s28 =	simm.s32 $0x100;
	[sflag:s21] =	ssyncadd.s32 $0xFFFFC000  }
0x7b: {  	[tilespmem:s17], [sflag:$0x1] =	stream.indirect.gather [hbm4b:s5+s16], $0x80, s28, s16, $0xb8;
	[tilespmem:$0x1E800] =	vst v63  }
0x7c: {  	_ =	swait.ge [sflag:s22], $0x4000  }
0x7d: {  	s28 =	simm.s32 $0x400;
	[sflag:s22] =	ssyncset.done $0x0  }
.LBB2_3:
0x7e: {  	p1 =	sne.s32 s28, $0x4800  }
0x7f: {  	[sflag:s22] =	ssyncadd.s32 $0xFFFFC000;
	s29 =	smov.u32 s28;
	s28 =	sadd.s32 $0x400, s28  }
0x80: {  	_ =	swait.ge [sflag:s18], $0x4000  }
0x81: {  	s29 =	sshra.s32 s29, $0x2;
	[sflag:s18] =	ssyncset.done $0x0  }
0x82: {  	s30 =	sadd.s32 $0x1400, s29;
	[sflag:s18] =	ssyncadd.s32 $0xFFFFC000  }
0x83: {  	[spmem:s3] =	stream.indirect.scatter.add.f32 [tilespmem:s17], [sflag:$0x3], $0x80, s30, s16, $0xb8;
	[tilespmem:$0x1E800] =	vst v63  }
0x84: {  	s30 =	sadd.s32 $0x80, s29  }
0x85: {  	[tilespmem:s19], [sflag:$0x2] =	stream.indirect.gather [hbm4b:s5+s16], $0x80, s30, s16, $0xb8;
	[tilespmem:$0x1E800] =	vst v63  }
0x86: {  	_ =	swait.ge [sflag:s20], $0x4000  }
0x87: {  	[sflag:s20] =	ssyncset.done $0x0  }
0x88: {  	s30 =	sadd.s32 $0x1480, s29;
	[sflag:s20] =	ssyncadd.s32 $0xFFFFC000  }
0x89: {  	[spmem:s3] =	stream.indirect.scatter.add.f32 [tilespmem:s19], [sflag:$0x4], $0x80, s30, s16, $0xb8;
	[tilespmem:$0x1E800] =	vst v63  }
0x8a: {  	_ =	swait.ge [sflag:s21], $0x4000  }
.Ltmp6:
0x8b: {  	[sflag:s21] =	ssyncset.done $0x0;
	(pc) =	sbr.rel @p1 .LBB2_3-.Ltmp6, $4  }
0x8c: {  	s29 =	sadd.s32 $0x100, s29;
	[sflag:s21] =	ssyncadd.s32 $0xFFFFC000  }
0x8d: {  	[tilespmem:s17], [sflag:$0x1] =	stream.indirect.gather [hbm4b:s5+s16], $0x80, s29, s16, $0xb8;
	[tilespmem:$0x1E800] =	vst v63  }
0x8e: {  	_ =	swait.ge [sflag:s22], $0x4000  }
0x8f: {  	[sflag:s22] =	ssyncset.done $0x0  }
0x90: {  	[sflag:s22] =	ssyncadd.s32 $0xFFFFC000  }
0x91: {  	_ =	swait.ge [sflag:s18], $0x4000  }
0x92: {  	[sflag:s18] =	ssyncset.done $0x0  }
0x93: {  	[sflag:s18] =	ssyncadd.s32 $0xFFFFC000  }
0x94: {  	[spmem:s3] =	stream.indirect.scatter.add.f32 [tilespmem:s17], [sflag:$0x3], $0x80, s23, s16, $0xb8;
	[tilespmem:$0x1E800] =	vst v63  }
0x95: {  	_ = 	snop  }
0x96: {  	[tilespmem:s19], [sflag:$0x2] =	stream.indirect.gather [hbm4b:s5+s16], $0x80, s24, s16, $0xb8;
	[tilespmem:$0x1E800] =	vst v63  }
0x97: {  	_ =	swait.ge [sflag:s20], $0x4000  }
0x98: {  	[sflag:s20] =	ssyncset.done $0x0  }
0x99: {  	s26 =	sadd.s32 $0x1, s26;
	[sflag:s20] =	ssyncadd.s32 $0xFFFFC000  }
0x9a: {  	[spmem:s3] =	stream.indirect.scatter.add.f32 [tilespmem:s19], [sflag:$0x4], $0x80, s25, s16, $0xb8;
	[tilespmem:$0x1E800] =	vst v63  }
0x9b: {  	p1 =	seq.s32 s26, $0x4;
	_ =	swait.ge [sflag:s21], $0x4000  }
.Ltmp7:
0x9c: {  	[sflag:s21] =	ssyncset.done $0x0;
	(pc) =	sbr.rel @!p1 .LBB2_2-.Ltmp7, $4  }
.Ltmp8:
0x9d: {  	[sflag:s21] =	ssyncadd.s32 $0xFFFFC000;
	(pc) =	sbr.rel @p1 .LBB2_8-.Ltmp8, $4  }
0x9e: {  	_ =	swait.ge [sflag:s22], $0x4000  }
0x9f: {  	[sflag:s22] =	ssyncset.done $0x0  }
0xa0: {  	[sflag:s22] =	ssyncadd.s32 $0xFFFFC000  }
0xa1: {  	_ = 	snop  }
.LBB2_9:
0xa2: {  	_ =	sfence.sel $0x180000  }
0xa3: {  	[bflag:$0x0] =	sbarrier.arrive $0xFFFF  }
0xa4: {  	p0 =	sne.s32 s1, $0x0;
	_ =	strace $0x9000004D  }
0xa5: {  	s0 =	sadd.s32 @!p0 $0x100000, s0;
	[bflag:$0x2] =	sbarrier.arrive $0xFFFF  }
0xa6: {  	[sflag:s0] =	ssyncadd.tile.s32 @!p0 $0x1;
	_ =	shalt  }
.Lfunc_end2:
_tile_overlayer_lowered:
.L_overlay_start_2:
0xa7: {  	(tag) =	ssettag $0x2  }
0xa8: {  	s0 =	rddreg [dreg:$0x0];
	s2 =	stileid.u32  }
0xa9: {  	s1 =	rddreg [dreg:$0x1];
	p0 =	sne.s32 s2, $0x0  }
0xaa: {  	s3 =	rddreg [dreg:$0x2];
	[bflag:$0x3] =	sbarrier.arrive $0xFFFF;
	s2 =	simm.s32 @!p0 $0x1C05  }
0xab: {  	[timem:s3], [sflag:s2] =	dma.local @!p0 [hbm:s0], s1  }
0xac: {  	s0 =	simm.s32 @!p0 $0x5  }
0xad: {  	_ =	swait.ge @!p0 [sflag:s0], s1  }
0xae: {  	s1 =	ssub.s32 @!p0 $0x0, s1;
	[sflag:s0] =	ssyncset.done @!p0 $0x0  }
0xaf: {  	[sflag:s0] =	ssyncadd.s32 @!p0 s1  }
0xb0: {  	[bflag:$0x3] =	sbarrier.arrive $0xFFFF  }
0xb1: {  	_ =	shalt  }

// kernel: kernel.21.cloned.1.call-start
scs
__scs_entry_jumppad:
0x0: {  	(pc) =	sbr.rel $0x88, $3  }
0x1: {  	(tag) =	ssettag $0x0;
	lr =	simm.s32 $0x1  }
0x2: {  	[smem:$0x3F95] =	sst lr;
	_ =	strace $0xD0000000  }
0x3: {  	_ = 	snop  }
0x4: {  	_ = 	snop  }
0x5: {  	_ = 	snop  }
0x6: {  	_ = 	snop  }
0x7: {  	_ = 	snop  }
__scs_overlays_trampoline_lowered:
0x8: {  	[smem:$0x3FA4] =	sst s0  }
0x9: {  	[smem:$0x3FA5] =	sst s1  }
0xa: {  	[smem:$0x3FA6] =	sst s2  }
0xb: {  	[smem:$0x3FA7] =	sst s3  }
0xc: {  	[smem:$0x3FA8] =	sst s4  }
0xd: {  	[smem:$0x3FA9] =	sst s5  }
0xe: {  	[smem:$0x3FAA] =	sst s6  }
0xf: {  	[smem:$0x3FAB] =	sst s7  }
0x10: {  	[smem:$0x3FAC] =	sst s8  }
0x11: {  	[smem:$0x3FAD] =	sst s9;
	s0 =	simm.s32 @!p0 $0x0  }
0x12: {  	s1 =	sld [smem:$0x3F93];
	s0 =	simm.s32 @p0 $0x1  }
0x13: {  	[smem:$0x3FAE] =	sst s0;
	s0 =	simm.s32 @!p1 $0x0  }
0x14: {  	s2 =	sld [smem:$0x3F92];
	s0 =	simm.s32 @p1 $0x1  }
0x15: {  	[smem:$0x3FAF] =	sst s0;
	s0 =	simm.s32 @!p2 $0x0  }
0x16: {  	s3 =	sld [smem:$0x3FDB];
	s0 =	simm.s32 @p2 $0x1  }
0x17: {  	s4 =	simm.s32 $0x1BF5;
	[smem:$0x3FB1] =	sst s0  }
0x18: {  	s0 =	sld [smem:$0x3F94];
	_ =	swait.ge [sflag:s4], $0x0  }
0x19: {  	s7 =	sld [smem:$0x3F95]  }
0x1a: {  	s8 =	sadd.s32 $0xFFFFE003, lr  }
0x1b: {  	s9 =	sadd.s32 $0xFFFFFEF7, lr;
	s5 =	simm.s32 $0xFFFFFFFF;
	p2 =	slt.u32 s8, $0xFFFFF086  }
0x1c: {  	p1 =	slt.u32 s9, $0xF7A;
	s5 =	simm.s32 @!p2 $0x0  }
0x1d: {  	s5 =	simm.s32 @p1 $0x1;
	p0 =	seq.s32 s7, s2  }
0x1e: {  	s7 =	smul.u32 @!p0 $0xF7A, s2;
	p2 =	seq.s32 @!p0 s5, $0x0  }
0x1f: {  	s9 =	smul.u32 $0xF7A, s1;
	s8 =	simm.s32 @!p0 $0x1BF5;
	p2 =	por !p2, p0  }
0x20: {  	[sflag:s8] =	ssyncset.s32 @!p0 $0xFFFFF086;
	s6 =	sadd.s32 @!p0 s3, s7;
	s7 =	simm.s32 @!p0 $0x108  }
0x21: {  	s3 =	sadd.s32 s3, s9;
	s6 =	sadd.s32 @!p0 $0x88, s6;
	s7 =	simm.s32 @p2 $0x1082  }
0x22: {  	[simem:s7], [sflag:s8] =	dma.local @!p0 [hbm:s6], $0xF7A  }
0x23: {  	s9 =	sor.u32 $0xD0000000, s2;
	s6 =	simm.s32 $0x108;
	_ =	swait.ge @!p0 [sflag:s8], $0x0  }
0x24: {  	s3 =	sadd.s32 $0x88, s3;
	s6 =	simm.s32 @!p1 $0x1082;
	[sflag:s4] =	ssyncset.s32 $0xFFFFF086  }
0x25: {  	[simem:s6], [sflag:s4] =	dma.local [hbm:s3], $0xF7A  }
0x26: {  	[smem:$0x3F95] =	sst s1;
	(tag) =	ssettag s2;
	_ =	strace s9  }
0x27: {  	s1 =	sld [smem:$0x3FA5]  }
0x28: {  	s2 =	sld [smem:$0x3FA6]  }
0x29: {  	s4 =	sld [smem:$0x3FA8]  }
0x2a: {  	p0 =	seq.s32 s5, $0x0;
	s5 =	sld [smem:$0x3FA9]  }
0x2b: {  	s6 =	sld [smem:$0x3FAA]  }
0x2c: {  	s7 =	sld [smem:$0x3FAB]  }
0x2d: {  	s3 =	simm.s32 $0x108;
	s8 =	sld [smem:$0x3FAC]  }
0x2e: {  	s3 =	simm.s32 @!p0 $0x1082;
	s9 =	sld [smem:$0x3FAD]  }
0x2f: {  	lr =	sadd.s32 s0, s3;
	s0 =	sld [smem:$0x3FA4]  }
0x30: {  	s3 =	sld [smem:$0x3FA7]  }
0x31: {  	[smem:$0x3FB0] =	sst s10  }
0x32: {  	s10 =	sld [smem:$0x3FAE];
	_ =	sdelay $0x3  }
0x33: {  	p0 =	seq.s32 s10, $0x1;
	s10 =	sld [smem:$0x3FB0];
	_ =	sdelay $0x3  }
0x34: {  	[smem:$0x3FB0] =	sst s10  }
0x35: {  	s10 =	sld [smem:$0x3FAF];
	_ =	sdelay $0x3  }
0x36: {  	p1 =	seq.s32 s10, $0x1;
	s10 =	sld [smem:$0x3FB0];
	_ =	sdelay $0x3  }
0x37: {  	[smem:$0x3FB0] =	sst s10  }
0x38: {  	s10 =	sld [smem:$0x3FB1]  }
0x39: {  	_ = 	snop;
	(pc) =	sbr.ind lr, $3  }
0x3a: {  	_ = 	snop  }
0x3b: {  	_ = 	snop  }
0x3c: {  	p2 =	seq.s32 s10, $0x1;
	s10 =	sld [smem:$0x3FB0]  }
0x3d: {  	_ =	shalt  }
0x3e: {  	_ =	shalt  }
0x3f: {  	_ =	shalt  }
0x40: {  	_ =	shalt  }
0x41: {  	_ =	shalt  }
0x42: {  	_ =	shalt  }
0x43: {  	_ =	shalt  }
0x44: {  	_ =	shalt  }
0x45: {  	_ =	shalt  }
0x46: {  	_ =	shalt  }
0x47: {  	_ =	shalt  }
0x48: {  	_ =	shalt  }
0x49: {  	_ =	shalt  }
0x4a: {  	_ =	shalt  }
0x4b: {  	_ =	shalt  }
0x4c: {  	_ =	shalt  }
0x4d: {  	_ =	shalt  }
0x4e: {  	_ =	shalt  }
0x4f: {  	_ =	shalt  }
0x50: {  	_ =	shalt  }
0x51: {  	_ =	shalt  }
0x52: {  	_ =	shalt  }
0x53: {  	_ =	shalt  }
0x54: {  	_ =	shalt  }
0x55: {  	_ =	shalt  }
0x56: {  	_ =	shalt  }
0x57: {  	_ =	shalt  }
0x58: {  	_ =	shalt  }
0x59: {  	_ =	shalt  }
0x5a: {  	_ =	shalt  }
0x5b: {  	_ =	shalt  }
0x5c: {  	_ =	shalt  }
0x5d: {  	_ =	shalt  }
0x5e: {  	_ =	shalt  }
0x5f: {  	_ =	shalt  }
0x60: {  	_ =	shalt  }
0x61: {  	_ =	shalt  }
0x62: {  	_ =	shalt  }
0x63: {  	_ =	shalt  }
0x64: {  	_ =	shalt  }
0x65: {  	_ =	shalt  }
0x66: {  	_ =	shalt  }
0x67: {  	_ =	shalt  }
0x68: {  	_ =	shalt  }
0x69: {  	_ =	shalt  }
0x6a: {  	_ =	shalt  }
0x6b: {  	_ =	shalt  }
0x6c: {  	_ =	shalt  }
0x6d: {  	_ =	shalt  }
0x6e: {  	_ =	shalt  }
0x6f: {  	_ =	shalt  }
0x70: {  	_ =	shalt  }
0x71: {  	_ =	shalt  }
0x72: {  	_ =	shalt  }
0x73: {  	_ =	shalt  }
0x74: {  	_ =	shalt  }
0x75: {  	_ =	shalt  }
0x76: {  	_ =	shalt  }
0x77: {  	_ =	shalt  }
0x78: {  	_ =	shalt  }
0x79: {  	_ =	shalt  }
0x7a: {  	_ =	shalt  }
0x7b: {  	_ =	shalt  }
0x7c: {  	_ =	shalt  }
0x7d: {  	_ =	shalt  }
0x7e: {  	_ =	shalt  }
0x7f: {  	_ =	shalt  }
0x80: {  	_ =	shalt  }
0x81: {  	_ =	shalt  }
0x82: {  	_ =	shalt  }
0x83: {  	_ =	shalt  }
0x84: {  	_ =	shalt  }
0x85: {  	_ =	shalt  }
0x86: {  	_ =	shalt  }
0x87: {  	_ =	shalt  }
.Lfunc_end0:
.L_simem_size_0:
called_computation.3_lowered:
.L_overlay_start_0:
0x88: {  	s2 =	sld [smem:$0x3FD9]  }
0x89: {  	s3 =	sld [smem:$0x3FFE];
	_ =	sdelay $0x1  }
0x8a: {  	s1 =	srdreg.scid  }
0x8b: {  	s0 =	sand.u32 $0x1, s1  }
0x8c: {  	s17 =	sshll.u32 s0, $0xA;
	s2 =	sadd.s32 s3, s2  }
0x8d: {  	s2 =	sadd.s32 s2, s17  }
0x8e: {  	[smem:$0x3FBC] =	sst s2  }
0x8f: {  	_ = 	snop  }
0x90: {  	s2 =	sld [smem:$0x3FD0];
	(tm) =	ssettm $0x1  }
0x91: {  	s18 =	sld [smem:$0x3FFB];
	_ =	sdelay $0x3  }
0x92: {  	_ =	strace s18  }
0x93: {  	s3 =	sld [smem:$0x3FFC];
	_ =	sdelay $0x3  }
0x94: {  	_ =	strace s3  }
0x95: {  	s3 =	sld [smem:$0x3FFD];
	_ =	sdelay $0x3  }
0x96: {  	_ =	strace s3  }
0x97: {  	_ =	strace $0x8FFFFFFF  }
0x98: {  	s19 =	sld [smem:$0x3FDB];
	_ =	sdelay $0x1  }
0x99: {  	s4 =	simm.s32 $_scs_section_size  }
0x9a: {  	s5 =	simm.s32 $_size__tile_overlayer_lowered;
	s6 =	simm.s32 $_tile_overlayer_lowered  }
0x9b: {  	s22 =	simm.s32 $0x1BFF;
	s21 =	sshll.u32 s6, $0x1;
	s3 =	sadd.s32 s4, s19  }
0x9c: {  	s7 =	simm.s32 $0x0;
	s20 =	sshll.u32 s5, $0x1;
	s5 =	sadd.s32 s21, s3  }
0x9d: {  	[timem:s7], [sflag:s22] =	dma.local [hbm:s5], s20  }
0x9e: {  	_ =	swait.ge [sflag:s22], s20  }
0x9f: {  	s4 =	ssub.s32 $0x0, s20;
	[sflag:s22] =	ssyncset.done $0x0  }
0xa0: {  	[sflag:s22] =	ssyncadd.s32 s4;
	_ =	sdelay $0x1  }
0xa1: {  	s23 =	simm.s32 $0x1B8B  }
0xa2: {  	_ =	swait.ge [sflag:s23], $0x1  }
0xa3: {  	[sflag:s23] =	ssyncset.done $0x0  }
0xa4: {  	s25 =	simm.s32 $0x1B8E;
	s24 =	sld [smem:$0x3FFE];
	[sflag:s23] =	ssyncadd.s32 $0xFFFFFFFF  }
0xa5: {  	s26 =	simm.s32 $execute0_lowered;
	[smem:$0x3FD2] =	sst s25  }
0xa6: {  	s5 =	sshll.u32 s26, $0x1;
	_ =	strace $0x8000004F;
	[dreg:$0x1] =	wrdreg $0xFFFFFFFF  }
0xa7: {  	s28 =	simm.s32 $_size_execute0_lowered;
	s3 =	sadd.s32 s3, s5;
	[dreg:$0x0] =	wrdreg $0x0  }
0xa8: {  	s5 =	sshll.u32 s28, $0x1;
	[dreg:$0x2] =	wrdreg s3  }
0xa9: {  	[dreg:$0x3] =	wrdreg s5  }
0xaa: {  	[dreg:$0x4] =	wrdreg $0xC0  }
0xab: {  	_ =	task [dreg:s7], $0x5FFFF  }
0xac: {  	[dreg:$0x1] =	wrdreg $0xFFFFFFFF  }
0xad: {  	[dreg:$0x0] =	wrdreg $0x60  }
0xae: {  	[dreg:$0x2] =	wrdreg s24  }
0xaf: {  	[dreg:$0x3] =	wrdreg s2  }
0xb0: {  	[dreg:$0x4] =	wrdreg $0xA8000  }
0xb1: {  	[dreg:$0x5] =	wrdreg $0x9  }
0xb2: {  	_ =	task.clear_ibuf [dreg:s7], $0x6FFFF;
	_ =	strace $0x9000004F  }
0xb3: {  	s29 =	simm.s32 $0x9;
	_ =	strace $0x80000051  }
0xb4: {  	_ =	swait.ge [sflag:s29], $0x1  }
0xb5: {  	[sflag:s29] =	ssyncadd.s32 $0xFFFFFFFF  }
0xb6: {  	_ =	strace $0x90000051  }
0xb7: {  	_ =	sfence  }
0xb8: {  	s30 =	sld [smem:$0x0];
	_ =	sdelay $0x2  }
0xb9: {  	s31 =	sshll.u32 s1, $0xD;
	s1 =	sshrl.u32 s1, $0x2  }
0xba: {  	s3 =	sand.u32 $0x4000, s31;
	s1 =	sadd.s32 s1, s30  }
0xbb: {  	s0 =	sor.u32 s3, s0;
	s1 =	sshll.u32 s1, $0x11  }
0xbc: {  	s0 =	sor.u32 s1, s0  }
0xbd: {  	s0 =	sadd.s32 $0x8F2B, s0  }
0xbe: {  	[sflag:s0] =	ssyncadd.remote.s32 $0x1  }
0xbf: {  	_ =	sfence.sel $0xFFFF  }
0xc0: {  	[dreg:$0x0] =	wrdreg $0xFFFFFFFF;
	(pc) =	sbr.abs _section_cstart, $3  }
0xc1: {  	[dreg:$0x1] =	wrdreg $0xFFFFFFFF  }
0xc2: {  	_ =	task.clear_ibuf [dreg:s7], $0x2FFFF;
	_ =	strace $0x9FFFFFFF  }
0xc3: {  	(tm) =	ssettm $0x7FFFFFFF  }
tec
execute0_lowered:
.L_overlay_start_1:
0x0: {  	(tag) =	ssettag $0x1  }
0x1: {  	s10 =	rddreg [dreg:$0x0]  }
0x2: {  	s2 =	rddreg [dreg:$0x1]  }
0x3: {  	s3 =	rddreg [dreg:$0x2]  }
0x4: {  	s0 =	rddreg [dreg:$0x3];
	s1 =	stileid.u32  }
0x5: {  	s5 =	srdreg.scid;
	s4 =	simm.s32 $0x0;
	s16 =	simm.s32 $0x80  }
0x6: {  	s17 =	simm.s32 $0x2800;
	s18 =	simm.s32 $0x1;
	s19 =	simm.s32 $0x6800  }
0x7: {  	s20 =	simm.s32 $0x2;
	s21 =	simm.s32 $0x3;
	s22 =	simm.s32 $0x4  }
0x8: {  	s23 =	simm.s32 $0x2700;
	s24 =	simm.s32 $0x1380;
	s25 =	simm.s32 $0x2780  }
0x9: {  	s7 =	smul.u32 $0x14000, s1;
	s9 =	sand.u32 $0x1, s5;
	[smem:$0x7FF] =	sst s4  }
0xa: {  	s5 =	sadd.s32 $0xAF200, s10;
	s6 =	sadd.s32 $0x7D200, s10;
	s12 =	smul.u32 $0x50000, s1  }
0xb: {  	s31 =	sshll.u32 s1, $0x6;
	s8 =	smul.u32 $0x140000, s9;
	_ =	strace $0x80000050  }
0xc: {  	s28 =	ssub.s32 $0x2, s9;
	p0 =	seq.s32 s9, $0x1;
	s9 =	smul.u32 $0x5000, s1  }
0xd: {  	s11 =	sshrl.u32 s7, $0x3;
	s29 =	sshrl.u32 s28, $0x1;
	s30 =	sshrl.u32 s12, $0x2  }
.Ltmp0:
0xe: {  	s7 =	sadd.s32 s7, s8;
	s11 =	sadd.s32 s11, s10;
	(pc) =	sbr.rel .LBB2_1-.Ltmp0, $4  }
0xf: {  	s14 =	ssub.s32 s28, s29;
	s15 =	sadd.s32 s30, s3;
	s8 =	sor.u32 $0x1C05, s31  }
0x10: {  	s7 =	sshrl.u32 s7, $0x3;
	s12 =	smax.u32 s14, $0x1;
	s14 =	simm.s32 $0x5  }
0x11: {  	s13 =	sadd.s32 s7, s10;
	s7 =	sadd.s32 $0x87200, s11;
	s10 =	sadd.s32 $0xD7200, s10  }
0x12: {  	s11 =	sadd.s32 $0x14F200, s13;
	s13 =	sshrl.u32 s15, $0x3;
	s15 =	simm.s32 $0x1400  }
.LBB2_8:
0x13: {  	s4 =	sadd.s32 $0x1, s4  }
0x14: {  	p1 =	sne.s32 s4, s12  }
.Ltmp1:
0x15: {  	[bflag:$0x0] =	sbarrier.arrive $0xFFFF;
	(pc) =	sbr.rel @!p1 .LBB2_9-.Ltmp1, $4  }
0x16: {  	[hbm:s11], [sflag:s8] =	dma.local [spmem:s13], $0x2800  }
0x17: {  	_ =	swait.ge [sflag:s14], $0x2800  }
0x18: {  	[sflag:s14] =	ssyncset.done $0x0  }
0x19: {  	[sflag:s14] =	ssyncadd.s32 $0xFFFFD800  }
.LBB2_1:
0x1a: {  	[spmem:s13], [sflag:s8] =	dma.local [hbm:s7], $0x2800  }
.Ltmp2:
0x1b: {  	_ =	swait.ge [sflag:s14], $0x2800;
	(pc) =	sbr.rel @!p0 .LBB2_2-.Ltmp2, $4  }
0x1c: {  	[sflag:s14] =	ssyncset.done $0x0  }
0x1d: {  	[sflag:s14] =	ssyncadd.s32 $0xFFFFD800  }
0x1e: {  	[bflag:$0x0] =	sbarrier.arrive $0xFFFF  }
0x1f: {  	s26 =	simm.s32 $0x0;
	s28 =	simm.s32 $0x0  }
.LBB2_5:
0x20: {  	s26 =	smul.u32 $0x1400, s28;
	_ =	sdelay $0x1  }
0x21: {  	s26 =	sadd.s32 s9, s26  }
0x22: {  	s26 =	sshrl.u32 s26, $0x3  }
0x23: {  	s30 =	simm.s32 $0x0;
	s29 =	sadd.s32 s6, s26  }
0x24: {  	[tilespmem:s30], [sflag:$0x5] =	stream.linear.gather [hbm4b:s29+s30], $0x1400, $0x38;
	[tilespmem:$0x1E800] =	vst v63  }
0x25: {  	_ =	swait.ge [sflag:s14], $0x1400  }
0x26: {  	[sflag:s14] =	ssyncset.done $0x0  }
0x27: {  	s26 =	sadd.s32 s2, s26;
	[sflag:s14] =	ssyncadd.s32 $0xFFFFEC00  }
0x28: {  	[tilespmem:s15], [sflag:$0x5] =	stream.linear.gather [hbm4b:s26+s30], $0x1400, $0x38;
	[tilespmem:$0x1E800] =	vst v63  }
0x29: {  	_ =	swait.ge [sflag:s14], $0x1400  }
0x2a: {  	[sflag:s14] =	ssyncset.done $0x0  }
0x2b: {  	[sflag:s14] =	ssyncadd.s32 $0xFFFFEC00  }
0x2c: {  	[tilespmem:s17], [sflag:$0x1] =	stream.indirect.gather [hbm4b:s10+s16], $0x80, s30, s16, $0xb8;
	[tilespmem:$0x1E800] =	vst v63  }
0x2d: {  	_ =	swait.ge [sflag:s18], $0x4000  }
0x2e: {  	[sflag:s18] =	ssyncset.done $0x0  }
0x2f: {  	s31 =	simm.s32 $0x1400;
	[sflag:s18] =	ssyncadd.s32 $0xFFFFC000  }
0x30: {  	[spmem:s3] =	stream.indirect.scatter.add.f32 [tilespmem:s17], [sflag:$0x3], $0x80, s31, s16, $0xb8;
	[tilespmem:$0x1E800] =	vst v63  }
0x31: {  	s29 =	simm.s32 $0x80  }
0x32: {  	[tilespmem:s19], [sflag:$0x2] =	stream.indirect.gather [hbm4b:s10+s16], $0x80, s29, s16, $0xb8;
	[tilespmem:$0x1E800] =	vst v63  }
0x33: {  	_ =	swait.ge [sflag:s20], $0x4000  }
0x34: {  	[sflag:s20] =	ssyncset.done $0x0  }
0x35: {  	s30 =	simm.s32 $0x1480;
	[sflag:s20] =	ssyncadd.s32 $0xFFFFC000  }
0x36: {  	[spmem:s3] =	stream.indirect.scatter.add.f32 [tilespmem:s19], [sflag:$0x4], $0x80, s30, s16, $0xb8;
	[tilespmem:$0x1E800] =	vst v63  }
0x37: {  	_ =	swait.ge [sflag:s21], $0x4000  }
0x38: {  	[sflag:s21] =	ssyncset.done $0x0  }
0x39: {  	s31 =	simm.s32 $0x100;
	[sflag:s21] =	ssyncadd.s32 $0xFFFFC000  }
0x3a: {  	[tilespmem:s17], [sflag:$0x1] =	stream.indirect.gather [hbm4b:s10+s16], $0x80, s31, s16, $0xb8;
	[tilespmem:$0x1E800] =	vst v63  }
0x3b: {  	_ =	swait.ge [sflag:s22], $0x4000  }
0x3c: {  	s26 =	simm.s32 $0x400;
	[sflag:s22] =	ssyncset.done $0x0  }
.LBB2_6:
0x3d: {  	p1 =	sne.s32 s26, $0x4800  }
0x3e: {  	[sflag:s22] =	ssyncadd.s32 $0xFFFFC000;
	s29 =	smov.u32 s26;
	s26 =	sadd.s32 $0x400, s26  }
0x3f: {  	_ =	swait.ge [sflag:s18], $0x4000  }
0x40: {  	s29 =	sshra.s32 s29, $0x2;
	[sflag:s18] =	ssyncset.done $0x0  }
0x41: {  	s30 =	sadd.s32 $0x1400, s29;
	[sflag:s18] =	ssyncadd.s32 $0xFFFFC000  }
0x42: {  	[spmem:s3] =	stream.indirect.scatter.add.f32 [tilespmem:s17], [sflag:$0x3], $0x80, s30, s16, $0xb8;
	[tilespmem:$0x1E800] =	vst v63  }
0x43: {  	s30 =	sadd.s32 $0x80, s29  }
0x44: {  	[tilespmem:s19], [sflag:$0x2] =	stream.indirect.gather [hbm4b:s10+s16], $0x80, s30, s16, $0xb8;
	[tilespmem:$0x1E800] =	vst v63  }
0x45: {  	_ =	swait.ge [sflag:s20], $0x4000  }
0x46: {  	[sflag:s20] =	ssyncset.done $0x0  }
0x47: {  	s30 =	sadd.s32 $0x1480, s29;
	[sflag:s20] =	ssyncadd.s32 $0xFFFFC000  }
0x48: {  	[spmem:s3] =	stream.indirect.scatter.add.f32 [tilespmem:s19], [sflag:$0x4], $0x80, s30, s16, $0xb8;
	[tilespmem:$0x1E800] =	vst v63  }
0x49: {  	_ =	swait.ge [sflag:s21], $0x4000  }
.Ltmp3:
0x4a: {  	[sflag:s21] =	ssyncset.done $0x0;
	(pc) =	sbr.rel @p1 .LBB2_6-.Ltmp3, $4  }
0x4b: {  	s29 =	sadd.s32 $0x100, s29;
	[sflag:s21] =	ssyncadd.s32 $0xFFFFC000  }
0x4c: {  	[tilespmem:s17], [sflag:$0x1] =	stream.indirect.gather [hbm4b:s10+s16], $0x80, s29, s16, $0xb8;
	[tilespmem:$0x1E800] =	vst v63  }
0x4d: {  	_ =	swait.ge [sflag:s22], $0x4000  }
0x4e: {  	[sflag:s22] =	ssyncset.done $0x0  }
0x4f: {  	[sflag:s22] =	ssyncadd.s32 $0xFFFFC000  }
0x50: {  	_ =	swait.ge [sflag:s18], $0x4000  }
0x51: {  	[sflag:s18] =	ssyncset.done $0x0  }
0x52: {  	[sflag:s18] =	ssyncadd.s32 $0xFFFFC000  }
0x53: {  	[spmem:s3] =	stream.indirect.scatter.add.f32 [tilespmem:s17], [sflag:$0x3], $0x80, s23, s16, $0xb8;
	[tilespmem:$0x1E800] =	vst v63  }
0x54: {  	_ = 	snop  }
0x55: {  	[tilespmem:s19], [sflag:$0x2] =	stream.indirect.gather [hbm4b:s10+s16], $0x80, s24, s16, $0xb8;
	[tilespmem:$0x1E800] =	vst v63  }
0x56: {  	_ =	swait.ge [sflag:s20], $0x4000  }
0x57: {  	[sflag:s20] =	ssyncset.done $0x0  }
0x58: {  	s28 =	sadd.s32 $0x1, s28;
	[sflag:s20] =	ssyncadd.s32 $0xFFFFC000  }
0x59: {  	[spmem:s3] =	stream.indirect.scatter.add.f32 [tilespmem:s19], [sflag:$0x4], $0x80, s25, s16, $0xb8;
	[tilespmem:$0x1E800] =	vst v63  }
0x5a: {  	p1 =	sne.s32 s28, $0x4;
	_ =	swait.ge [sflag:s21], $0x4000  }
.Ltmp4:
0x5b: {  	[sflag:s21] =	ssyncset.done $0x0;
	(pc) =	sbr.rel @p1 .LBB2_5-.Ltmp4, $4  }
.Ltmp5:
0x5c: {  	[sflag:s21] =	ssyncadd.s32 $0xFFFFC000;
	(pc) =	sbr.rel @!p1 .LBB2_8-.Ltmp5, $4  }
0x5d: {  	_ =	swait.ge [sflag:s22], $0x4000  }
0x5e: {  	[sflag:s22] =	ssyncset.done $0x0  }
0x5f: {  	[sflag:s22] =	ssyncadd.s32 $0xFFFFC000  }
0x60: {  	_ = 	snop  }
.LBB2_2:
0x61: {  	s28 =	smul.u32 $0x1400, s26;
	_ =	sdelay $0x1  }
0x62: {  	s28 =	sadd.s32 s9, s28  }
0x63: {  	s28 =	sshrl.u32 s28, $0x3  }
0x64: {  	s30 =	simm.s32 $0x0;
	s29 =	sadd.s32 s6, s28  }
0x65: {  	[tilespmem:s30], [sflag:$0x5] =	stream.linear.gather [hbm4b:s29+s30], $0x1400, $0x38;
	[tilespmem:$0x1E800] =	vst v63  }
0x66: {  	_ =	swait.ge [sflag:s14], $0x1400  }
0x67: {  	[sflag:s14] =	ssyncset.done $0x0  }
0x68: {  	s28 =	sadd.s32 s2, s28;
	[sflag:s14] =	ssyncadd.s32 $0xFFFFEC00  }
0x69: {  	[tilespmem:s15], [sflag:$0x5] =	stream.linear.gather [hbm4b:s28+s30], $0x1400, $0x38;
	[tilespmem:$0x1E800] =	vst v63  }
0x6a: {  	_ =	swait.ge [sflag:s14], $0x1400  }
0x6b: {  	[sflag:s14] =	ssyncset.done $0x0  }
0x6c: {  	[sflag:s14] =	ssyncadd.s32 $0xFFFFEC00  }
0x6d: {  	[tilespmem:s17], [sflag:$0x1] =	stream.indirect.gather [hbm4b:s5+s16], $0x80, s30, s16, $0xb8;
	[tilespmem:$0x1E800] =	vst v63  }
0x6e: {  	_ =	swait.ge [sflag:s18], $0x4000  }
0x6f: {  	[sflag:s18] =	ssyncset.done $0x0  }
0x70: {  	s28 =	simm.s32 $0x1400;
	[sflag:s18] =	ssyncadd.s32 $0xFFFFC000  }
0x71: {  	[spmem:s3] =	stream.indirect.scatter.add.f32 [tilespmem:s17], [sflag:$0x3], $0x80, s28, s16, $0xb8;
	[tilespmem:$0x1E800] =	vst v63  }
0x72: {  	s28 =	simm.s32 $0x80  }
0x73: {  	[tilespmem:s19], [sflag:$0x2] =	stream.indirect.gather [hbm4b:s5+s16], $0x80, s28, s16, $0xb8;
	[tilespmem:$0x1E800] =	vst v63  }
0x74: {  	_ =	swait.ge [sflag:s20], $0x4000  }
0x75: {  	[sflag:s20] =	ssyncset.done $0x0  }
0x76: {  	s28 =	simm.s32 $0x1480;
	[sflag:s20] =	ssyncadd.s32 $0xFFFFC000  }
0x77: {  	[spmem:s3] =	stream.indirect.scatter.add.f32 [tilespmem:s19], [sflag:$0x4], $0x80, s28, s16, $0xb8;
	[tilespmem:$0x1E800] =	vst v63  }
0x78: {  	_ =	swait.ge [sflag:s21], $0x4000  }
0x79: {  	[sflag:s21] =	ssyncset.done $0x0  }
0x7a: {  	s28 =	simm.s32 $0x100;
	[sflag:s21] =	ssyncadd.s32 $0xFFFFC000  }
0x7b: {  	[tilespmem:s17], [sflag:$0x1] =	stream.indirect.gather [hbm4b:s5+s16], $0x80, s28, s16, $0xb8;
	[tilespmem:$0x1E800] =	vst v63  }
0x7c: {  	_ =	swait.ge [sflag:s22], $0x4000  }
0x7d: {  	s28 =	simm.s32 $0x400;
	[sflag:s22] =	ssyncset.done $0x0  }
.LBB2_3:
0x7e: {  	p1 =	sne.s32 s28, $0x4800  }
0x7f: {  	[sflag:s22] =	ssyncadd.s32 $0xFFFFC000;
	s29 =	smov.u32 s28;
	s28 =	sadd.s32 $0x400, s28  }
0x80: {  	_ =	swait.ge [sflag:s18], $0x4000  }
0x81: {  	s29 =	sshra.s32 s29, $0x2;
	[sflag:s18] =	ssyncset.done $0x0  }
0x82: {  	s30 =	sadd.s32 $0x1400, s29;
	[sflag:s18] =	ssyncadd.s32 $0xFFFFC000  }
0x83: {  	[spmem:s3] =	stream.indirect.scatter.add.f32 [tilespmem:s17], [sflag:$0x3], $0x80, s30, s16, $0xb8;
	[tilespmem:$0x1E800] =	vst v63  }
0x84: {  	s30 =	sadd.s32 $0x80, s29  }
0x85: {  	[tilespmem:s19], [sflag:$0x2] =	stream.indirect.gather [hbm4b:s5+s16], $0x80, s30, s16, $0xb8;
	[tilespmem:$0x1E800] =	vst v63  }
0x86: {  	_ =	swait.ge [sflag:s20], $0x4000  }
0x87: {  	[sflag:s20] =	ssyncset.done $0x0  }
0x88: {  	s30 =	sadd.s32 $0x1480, s29;
	[sflag:s20] =	ssyncadd.s32 $0xFFFFC000  }
0x89: {  	[spmem:s3] =	stream.indirect.scatter.add.f32 [tilespmem:s19], [sflag:$0x4], $0x80, s30, s16, $0xb8;
	[tilespmem:$0x1E800] =	vst v63  }
0x8a: {  	_ =	swait.ge [sflag:s21], $0x4000  }
.Ltmp6:
0x8b: {  	[sflag:s21] =	ssyncset.done $0x0;
	(pc) =	sbr.rel @p1 .LBB2_3-.Ltmp6, $4  }
0x8c: {  	s29 =	sadd.s32 $0x100, s29;
	[sflag:s21] =	ssyncadd.s32 $0xFFFFC000  }
0x8d: {  	[tilespmem:s17], [sflag:$0x1] =	stream.indirect.gather [hbm4b:s5+s16], $0x80, s29, s16, $0xb8;
	[tilespmem:$0x1E800] =	vst v63  }
0x8e: {  	_ =	swait.ge [sflag:s22], $0x4000  }
0x8f: {  	[sflag:s22] =	ssyncset.done $0x0  }
0x90: {  	[sflag:s22] =	ssyncadd.s32 $0xFFFFC000  }
0x91: {  	_ =	swait.ge [sflag:s18], $0x4000  }
0x92: {  	[sflag:s18] =	ssyncset.done $0x0  }
0x93: {  	[sflag:s18] =	ssyncadd.s32 $0xFFFFC000  }
0x94: {  	[spmem:s3] =	stream.indirect.scatter.add.f32 [tilespmem:s17], [sflag:$0x3], $0x80, s23, s16, $0xb8;
	[tilespmem:$0x1E800] =	vst v63  }
0x95: {  	_ = 	snop  }
0x96: {  	[tilespmem:s19], [sflag:$0x2] =	stream.indirect.gather [hbm4b:s5+s16], $0x80, s24, s16, $0xb8;
	[tilespmem:$0x1E800] =	vst v63  }
0x97: {  	_ =	swait.ge [sflag:s20], $0x4000  }
0x98: {  	[sflag:s20] =	ssyncset.done $0x0  }
0x99: {  	s26 =	sadd.s32 $0x1, s26;
	[sflag:s20] =	ssyncadd.s32 $0xFFFFC000  }
0x9a: {  	[spmem:s3] =	stream.indirect.scatter.add.f32 [tilespmem:s19], [sflag:$0x4], $0x80, s25, s16, $0xb8;
	[tilespmem:$0x1E800] =	vst v63  }
0x9b: {  	p1 =	seq.s32 s26, $0x4;
	_ =	swait.ge [sflag:s21], $0x4000  }
.Ltmp7:
0x9c: {  	[sflag:s21] =	ssyncset.done $0x0;
	(pc) =	sbr.rel @!p1 .LBB2_2-.Ltmp7, $4  }
.Ltmp8:
0x9d: {  	[sflag:s21] =	ssyncadd.s32 $0xFFFFC000;
	(pc) =	sbr.rel @p1 .LBB2_8-.Ltmp8, $4  }
0x9e: {  	_ =	swait.ge [sflag:s22], $0x4000  }
0x9f: {  	[sflag:s22] =	ssyncset.done $0x0  }
0xa0: {  	[sflag:s22] =	ssyncadd.s32 $0xFFFFC000  }
0xa1: {  	_ = 	snop  }
.LBB2_9:
0xa2: {  	_ =	sfence.sel $0x180000  }
0xa3: {  	[bflag:$0x0] =	sbarrier.arrive $0xFFFF  }
0xa4: {  	p0 =	sne.s32 s1, $0x0;
	_ =	strace $0x90000050  }
0xa5: {  	s0 =	sadd.s32 @!p0 $0x100000, s0;
	[bflag:$0x2] =	sbarrier.arrive $0xFFFF  }
0xa6: {  	[sflag:s0] =	ssyncadd.tile.s32 @!p0 $0x1;
	_ =	shalt  }
.Lfunc_end2:
_tile_overlayer_lowered:
.L_overlay_start_2:
0xa7: {  	(tag) =	ssettag $0x2  }
0xa8: {  	s0 =	rddreg [dreg:$0x0];
	s2 =	stileid.u32  }
0xa9: {  	s1 =	rddreg [dreg:$0x1];
	p0 =	sne.s32 s2, $0x0  }
0xaa: {  	s3 =	rddreg [dreg:$0x2];
	[bflag:$0x3] =	sbarrier.arrive $0xFFFF;
	s2 =	simm.s32 @!p0 $0x1C05  }
0xab: {  	[timem:s3], [sflag:s2] =	dma.local @!p0 [hbm:s0], s1  }
0xac: {  	s0 =	simm.s32 @!p0 $0x5  }
0xad: {  	_ =	swait.ge @!p0 [sflag:s0], s1  }
0xae: {  	s1 =	ssub.s32 @!p0 $0x0, s1;
	[sflag:s0] =	ssyncset.done @!p0 $0x0  }
0xaf: {  	[sflag:s0] =	ssyncadd.s32 @!p0 s1  }
0xb0: {  	[bflag:$0x3] =	sbarrier.arrive $0xFFFF  }
0xb1: {  	_ =	shalt  }

// kernel: kernel.24.cloned.1.call-start
scs
__scs_entry_jumppad:
0x0: {  	(pc) =	sbr.rel $0x88, $3  }
0x1: {  	(tag) =	ssettag $0x0;
	lr =	simm.s32 $0x1  }
0x2: {  	[smem:$0x3F95] =	sst lr;
	_ =	strace $0xD0000000  }
0x3: {  	_ = 	snop  }
0x4: {  	_ = 	snop  }
0x5: {  	_ = 	snop  }
0x6: {  	_ = 	snop  }
0x7: {  	_ = 	snop  }
__scs_overlays_trampoline_lowered:
0x8: {  	[smem:$0x3FA4] =	sst s0  }
0x9: {  	[smem:$0x3FA5] =	sst s1  }
0xa: {  	[smem:$0x3FA6] =	sst s2  }
0xb: {  	[smem:$0x3FA7] =	sst s3  }
0xc: {  	[smem:$0x3FA8] =	sst s4  }
0xd: {  	[smem:$0x3FA9] =	sst s5  }
0xe: {  	[smem:$0x3FAA] =	sst s6  }
0xf: {  	[smem:$0x3FAB] =	sst s7  }
0x10: {  	[smem:$0x3FAC] =	sst s8  }
0x11: {  	[smem:$0x3FAD] =	sst s9;
	s0 =	simm.s32 @!p0 $0x0  }
0x12: {  	s1 =	sld [smem:$0x3F93];
	s0 =	simm.s32 @p0 $0x1  }
0x13: {  	[smem:$0x3FAE] =	sst s0;
	s0 =	simm.s32 @!p1 $0x0  }
0x14: {  	s2 =	sld [smem:$0x3F92];
	s0 =	simm.s32 @p1 $0x1  }
0x15: {  	[smem:$0x3FAF] =	sst s0;
	s0 =	simm.s32 @!p2 $0x0  }
0x16: {  	s3 =	sld [smem:$0x3FDB];
	s0 =	simm.s32 @p2 $0x1  }
0x17: {  	s4 =	simm.s32 $0x1BF5;
	[smem:$0x3FB1] =	sst s0  }
0x18: {  	s0 =	sld [smem:$0x3F94];
	_ =	swait.ge [sflag:s4], $0x0  }
0x19: {  	s7 =	sld [smem:$0x3F95]  }
0x1a: {  	s8 =	sadd.s32 $0xFFFFE003, lr  }
0x1b: {  	s9 =	sadd.s32 $0xFFFFFEF7, lr;
	s5 =	simm.s32 $0xFFFFFFFF;
	p2 =	slt.u32 s8, $0xFFFFF086  }
0x1c: {  	p1 =	slt.u32 s9, $0xF7A;
	s5 =	simm.s32 @!p2 $0x0  }
0x1d: {  	s5 =	simm.s32 @p1 $0x1;
	p0 =	seq.s32 s7, s2  }
0x1e: {  	s7 =	smul.u32 @!p0 $0xF7A, s2;
	p2 =	seq.s32 @!p0 s5, $0x0  }
0x1f: {  	s9 =	smul.u32 $0xF7A, s1;
	s8 =	simm.s32 @!p0 $0x1BF5;
	p2 =	por !p2, p0  }
0x20: {  	[sflag:s8] =	ssyncset.s32 @!p0 $0xFFFFF086;
	s6 =	sadd.s32 @!p0 s3, s7;
	s7 =	simm.s32 @!p0 $0x108  }
0x21: {  	s3 =	sadd.s32 s3, s9;
	s6 =	sadd.s32 @!p0 $0x88, s6;
	s7 =	simm.s32 @p2 $0x1082  }
0x22: {  	[simem:s7], [sflag:s8] =	dma.local @!p0 [hbm:s6], $0xF7A  }
0x23: {  	s9 =	sor.u32 $0xD0000000, s2;
	s6 =	simm.s32 $0x108;
	_ =	swait.ge @!p0 [sflag:s8], $0x0  }
0x24: {  	s3 =	sadd.s32 $0x88, s3;
	s6 =	simm.s32 @!p1 $0x1082;
	[sflag:s4] =	ssyncset.s32 $0xFFFFF086  }
0x25: {  	[simem:s6], [sflag:s4] =	dma.local [hbm:s3], $0xF7A  }
0x26: {  	[smem:$0x3F95] =	sst s1;
	(tag) =	ssettag s2;
	_ =	strace s9  }
0x27: {  	s1 =	sld [smem:$0x3FA5]  }
0x28: {  	s2 =	sld [smem:$0x3FA6]  }
0x29: {  	s4 =	sld [smem:$0x3FA8]  }
0x2a: {  	p0 =	seq.s32 s5, $0x0;
	s5 =	sld [smem:$0x3FA9]  }
0x2b: {  	s6 =	sld [smem:$0x3FAA]  }
0x2c: {  	s7 =	sld [smem:$0x3FAB]  }
0x2d: {  	s3 =	simm.s32 $0x108;
	s8 =	sld [smem:$0x3FAC]  }
0x2e: {  	s3 =	simm.s32 @!p0 $0x1082;
	s9 =	sld [smem:$0x3FAD]  }
0x2f: {  	lr =	sadd.s32 s0, s3;
	s0 =	sld [smem:$0x3FA4]  }
0x30: {  	s3 =	sld [smem:$0x3FA7]  }
0x31: {  	[smem:$0x3FB0] =	sst s10  }
0x32: {  	s10 =	sld [smem:$0x3FAE];
	_ =	sdelay $0x3  }
0x33: {  	p0 =	seq.s32 s10, $0x1;
	s10 =	sld [smem:$0x3FB0];
	_ =	sdelay $0x3  }
0x34: {  	[smem:$0x3FB0] =	sst s10  }
0x35: {  	s10 =	sld [smem:$0x3FAF];
	_ =	sdelay $0x3  }
0x36: {  	p1 =	seq.s32 s10, $0x1;
	s10 =	sld [smem:$0x3FB0];
	_ =	sdelay $0x3  }
0x37: {  	[smem:$0x3FB0] =	sst s10  }
0x38: {  	s10 =	sld [smem:$0x3FB1]  }
0x39: {  	_ = 	snop;
	(pc) =	sbr.ind lr, $3  }
0x3a: {  	_ = 	snop  }
0x3b: {  	_ = 	snop  }
0x3c: {  	p2 =	seq.s32 s10, $0x1;
	s10 =	sld [smem:$0x3FB0]  }
0x3d: {  	_ =	shalt  }
0x3e: {  	_ =	shalt  }
0x3f: {  	_ =	shalt  }
0x40: {  	_ =	shalt  }
0x41: {  	_ =	shalt  }
0x42: {  	_ =	shalt  }
0x43: {  	_ =	shalt  }
0x44: {  	_ =	shalt  }
0x45: {  	_ =	shalt  }
0x46: {  	_ =	shalt  }
0x47: {  	_ =	shalt  }
0x48: {  	_ =	shalt  }
0x49: {  	_ =	shalt  }
0x4a: {  	_ =	shalt  }
0x4b: {  	_ =	shalt  }
0x4c: {  	_ =	shalt  }
0x4d: {  	_ =	shalt  }
0x4e: {  	_ =	shalt  }
0x4f: {  	_ =	shalt  }
0x50: {  	_ =	shalt  }
0x51: {  	_ =	shalt  }
0x52: {  	_ =	shalt  }
0x53: {  	_ =	shalt  }
0x54: {  	_ =	shalt  }
0x55: {  	_ =	shalt  }
0x56: {  	_ =	shalt  }
0x57: {  	_ =	shalt  }
0x58: {  	_ =	shalt  }
0x59: {  	_ =	shalt  }
0x5a: {  	_ =	shalt  }
0x5b: {  	_ =	shalt  }
0x5c: {  	_ =	shalt  }
0x5d: {  	_ =	shalt  }
0x5e: {  	_ =	shalt  }
0x5f: {  	_ =	shalt  }
0x60: {  	_ =	shalt  }
0x61: {  	_ =	shalt  }
0x62: {  	_ =	shalt  }
0x63: {  	_ =	shalt  }
0x64: {  	_ =	shalt  }
0x65: {  	_ =	shalt  }
0x66: {  	_ =	shalt  }
0x67: {  	_ =	shalt  }
0x68: {  	_ =	shalt  }
0x69: {  	_ =	shalt  }
0x6a: {  	_ =	shalt  }
0x6b: {  	_ =	shalt  }
0x6c: {  	_ =	shalt  }
0x6d: {  	_ =	shalt  }
0x6e: {  	_ =	shalt  }
0x6f: {  	_ =	shalt  }
0x70: {  	_ =	shalt  }
0x71: {  	_ =	shalt  }
0x72: {  	_ =	shalt  }
0x73: {  	_ =	shalt  }
0x74: {  	_ =	shalt  }
0x75: {  	_ =	shalt  }
0x76: {  	_ =	shalt  }
0x77: {  	_ =	shalt  }
0x78: {  	_ =	shalt  }
0x79: {  	_ =	shalt  }
0x7a: {  	_ =	shalt  }
0x7b: {  	_ =	shalt  }
0x7c: {  	_ =	shalt  }
0x7d: {  	_ =	shalt  }
0x7e: {  	_ =	shalt  }
0x7f: {  	_ =	shalt  }
0x80: {  	_ =	shalt  }
0x81: {  	_ =	shalt  }
0x82: {  	_ =	shalt  }
0x83: {  	_ =	shalt  }
0x84: {  	_ =	shalt  }
0x85: {  	_ =	shalt  }
0x86: {  	_ =	shalt  }
0x87: {  	_ =	shalt  }
.Lfunc_end0:
.L_simem_size_0:
called_computation.4_lowered:
.L_overlay_start_0:
0x88: {  	s2 =	sld [smem:$0x3FD9]  }
0x89: {  	s3 =	sld [smem:$0x3FFE];
	_ =	sdelay $0x1  }
0x8a: {  	s1 =	srdreg.scid  }
0x8b: {  	s0 =	sand.u32 $0x1, s1  }
0x8c: {  	s17 =	sshll.u32 s0, $0xA;
	s2 =	sadd.s32 s3, s2  }
0x8d: {  	s2 =	sadd.s32 s2, s17  }
0x8e: {  	[smem:$0x3FBC] =	sst s2  }
0x8f: {  	_ = 	snop  }
0x90: {  	s2 =	sld [smem:$0x3FD0];
	(tm) =	ssettm $0x1  }
0x91: {  	s18 =	sld [smem:$0x3FFB];
	_ =	sdelay $0x3  }
0x92: {  	_ =	strace s18  }
0x93: {  	s3 =	sld [smem:$0x3FFC];
	_ =	sdelay $0x3  }
0x94: {  	_ =	strace s3  }
0x95: {  	s3 =	sld [smem:$0x3FFD];
	_ =	sdelay $0x3  }
0x96: {  	_ =	strace s3  }
0x97: {  	_ =	strace $0x8FFFFFFF  }
0x98: {  	s19 =	sld [smem:$0x3FDB];
	_ =	sdelay $0x1  }
0x99: {  	s4 =	simm.s32 $_scs_section_size  }
0x9a: {  	s5 =	simm.s32 $_size__tile_overlayer_lowered;
	s6 =	simm.s32 $_tile_overlayer_lowered  }
0x9b: {  	s22 =	simm.s32 $0x1BFF;
	s21 =	sshll.u32 s6, $0x1;
	s3 =	sadd.s32 s4, s19  }
0x9c: {  	s7 =	simm.s32 $0x0;
	s20 =	sshll.u32 s5, $0x1;
	s5 =	sadd.s32 s21, s3  }
0x9d: {  	[timem:s7], [sflag:s22] =	dma.local [hbm:s5], s20  }
0x9e: {  	_ =	swait.ge [sflag:s22], s20  }
0x9f: {  	s4 =	ssub.s32 $0x0, s20;
	[sflag:s22] =	ssyncset.done $0x0  }
0xa0: {  	[sflag:s22] =	ssyncadd.s32 s4;
	_ =	sdelay $0x1  }
0xa1: {  	s23 =	simm.s32 $0x1B8B  }
0xa2: {  	_ =	swait.ge [sflag:s23], $0x1  }
0xa3: {  	[sflag:s23] =	ssyncset.done $0x0  }
0xa4: {  	s25 =	simm.s32 $0x1B8E;
	s24 =	sld [smem:$0x3FFE];
	[sflag:s23] =	ssyncadd.s32 $0xFFFFFFFF  }
0xa5: {  	s26 =	simm.s32 $execute0_lowered;
	[smem:$0x3FD2] =	sst s25  }
0xa6: {  	s5 =	sshll.u32 s26, $0x1;
	_ =	strace $0x80000052;
	[dreg:$0x1] =	wrdreg $0xFFFFFFFF  }
0xa7: {  	s28 =	simm.s32 $_size_execute0_lowered;
	s3 =	sadd.s32 s3, s5;
	[dreg:$0x0] =	wrdreg $0x0  }
0xa8: {  	s5 =	sshll.u32 s28, $0x1;
	[dreg:$0x2] =	wrdreg s3  }
0xa9: {  	[dreg:$0x3] =	wrdreg s5  }
0xaa: {  	[dreg:$0x4] =	wrdreg $0xC0  }
0xab: {  	_ =	task [dreg:s7], $0x5FFFF  }
0xac: {  	[dreg:$0x1] =	wrdreg $0xFFFFFFFF  }
0xad: {  	[dreg:$0x0] =	wrdreg $0x60  }
0xae: {  	[dreg:$0x2] =	wrdreg s24  }
0xaf: {  	[dreg:$0x3] =	wrdreg s2  }
0xb0: {  	[dreg:$0x4] =	wrdreg $0xA8000  }
0xb1: {  	[dreg:$0x5] =	wrdreg $0x9  }
0xb2: {  	_ =	task.clear_ibuf [dreg:s7], $0x6FFFF;
	_ =	strace $0x90000052  }
0xb3: {  	s29 =	simm.s32 $0x9;
	_ =	strace $0x80000054  }
0xb4: {  	_ =	swait.ge [sflag:s29], $0x1  }
0xb5: {  	[sflag:s29] =	ssyncadd.s32 $0xFFFFFFFF  }
0xb6: {  	_ =	strace $0x90000054  }
0xb7: {  	_ =	sfence  }
0xb8: {  	s30 =	sld [smem:$0x0];
	_ =	sdelay $0x2  }
0xb9: {  	s31 =	sshll.u32 s1, $0xD;
	s1 =	sshrl.u32 s1, $0x2  }
0xba: {  	s3 =	sand.u32 $0x4000, s31;
	s1 =	sadd.s32 s1, s30  }
0xbb: {  	s0 =	sor.u32 s3, s0;
	s1 =	sshll.u32 s1, $0x11  }
0xbc: {  	s0 =	sor.u32 s1, s0  }
0xbd: {  	s0 =	sadd.s32 $0x8F2B, s0  }
0xbe: {  	[sflag:s0] =	ssyncadd.remote.s32 $0x1  }
0xbf: {  	_ =	sfence.sel $0xFFFF  }
0xc0: {  	[dreg:$0x0] =	wrdreg $0xFFFFFFFF;
	(pc) =	sbr.abs _section_cstart, $3  }
0xc1: {  	[dreg:$0x1] =	wrdreg $0xFFFFFFFF  }
0xc2: {  	_ =	task.clear_ibuf [dreg:s7], $0x2FFFF;
	_ =	strace $0x9FFFFFFF  }
0xc3: {  	(tm) =	ssettm $0x7FFFFFFF  }
tec
execute0_lowered:
.L_overlay_start_1:
0x0: {  	(tag) =	ssettag $0x1  }
0x1: {  	s10 =	rddreg [dreg:$0x0]  }
0x2: {  	s2 =	rddreg [dreg:$0x1]  }
0x3: {  	s3 =	rddreg [dreg:$0x2]  }
0x4: {  	s0 =	rddreg [dreg:$0x3];
	s1 =	stileid.u32  }
0x5: {  	s5 =	srdreg.scid;
	s4 =	simm.s32 $0x0;
	s16 =	simm.s32 $0x80  }
0x6: {  	s17 =	simm.s32 $0x2800;
	s18 =	simm.s32 $0x1;
	s19 =	simm.s32 $0x6800  }
0x7: {  	s20 =	simm.s32 $0x2;
	s21 =	simm.s32 $0x3;
	s22 =	simm.s32 $0x4  }
0x8: {  	s23 =	simm.s32 $0x2700;
	s24 =	simm.s32 $0x1380;
	s25 =	simm.s32 $0x2780  }
0x9: {  	s7 =	smul.u32 $0x14000, s1;
	s9 =	sand.u32 $0x1, s5;
	[smem:$0x7FF] =	sst s4  }
0xa: {  	s5 =	sadd.s32 $0xAF200, s10;
	s6 =	sadd.s32 $0x7D200, s10;
	s12 =	smul.u32 $0x50000, s1  }
0xb: {  	s31 =	sshll.u32 s1, $0x6;
	s8 =	smul.u32 $0x140000, s9;
	_ =	strace $0x80000053  }
0xc: {  	s28 =	ssub.s32 $0x2, s9;
	p0 =	seq.s32 s9, $0x1;
	s9 =	smul.u32 $0x5000, s1  }
0xd: {  	s11 =	sshrl.u32 s7, $0x3;
	s29 =	sshrl.u32 s28, $0x1;
	s30 =	sshrl.u32 s12, $0x2  }
.Ltmp0:
0xe: {  	s7 =	sadd.s32 s7, s8;
	s11 =	sadd.s32 s11, s10;
	(pc) =	sbr.rel .LBB2_1-.Ltmp0, $4  }
0xf: {  	s14 =	ssub.s32 s28, s29;
	s15 =	sadd.s32 s30, s3;
	s8 =	sor.u32 $0x1C05, s31  }
0x10: {  	s7 =	sshrl.u32 s7, $0x3;
	s12 =	smax.u32 s14, $0x1;
	s14 =	simm.s32 $0x5  }
0x11: {  	s13 =	sadd.s32 s7, s10;
	s7 =	sadd.s32 $0x87200, s11;
	s10 =	sadd.s32 $0xD7200, s10  }
0x12: {  	s11 =	sadd.s32 $0x14F200, s13;
	s13 =	sshrl.u32 s15, $0x3;
	s15 =	simm.s32 $0x1400  }
.LBB2_8:
0x13: {  	s4 =	sadd.s32 $0x1, s4  }
0x14: {  	p1 =	sne.s32 s4, s12  }
.Ltmp1:
0x15: {  	[bflag:$0x0] =	sbarrier.arrive $0xFFFF;
	(pc) =	sbr.rel @!p1 .LBB2_9-.Ltmp1, $4  }
0x16: {  	[hbm:s11], [sflag:s8] =	dma.local [spmem:s13], $0x2800  }
0x17: {  	_ =	swait.ge [sflag:s14], $0x2800  }
0x18: {  	[sflag:s14] =	ssyncset.done $0x0  }
0x19: {  	[sflag:s14] =	ssyncadd.s32 $0xFFFFD800  }
.LBB2_1:
0x1a: {  	[spmem:s13], [sflag:s8] =	dma.local [hbm:s7], $0x2800  }
.Ltmp2:
0x1b: {  	_ =	swait.ge [sflag:s14], $0x2800;
	(pc) =	sbr.rel @!p0 .LBB2_2-.Ltmp2, $4  }
0x1c: {  	[sflag:s14] =	ssyncset.done $0x0  }
0x1d: {  	[sflag:s14] =	ssyncadd.s32 $0xFFFFD800  }
0x1e: {  	[bflag:$0x0] =	sbarrier.arrive $0xFFFF  }
0x1f: {  	s26 =	simm.s32 $0x0;
	s28 =	simm.s32 $0x0  }
.LBB2_5:
0x20: {  	s26 =	smul.u32 $0x1400, s28;
	_ =	sdelay $0x1  }
0x21: {  	s26 =	sadd.s32 s9, s26  }
0x22: {  	s26 =	sshrl.u32 s26, $0x3  }
0x23: {  	s30 =	simm.s32 $0x0;
	s29 =	sadd.s32 s6, s26  }
0x24: {  	[tilespmem:s30], [sflag:$0x5] =	stream.linear.gather [hbm4b:s29+s30], $0x1400, $0x38;
	[tilespmem:$0x1E800] =	vst v63  }
0x25: {  	_ =	swait.ge [sflag:s14], $0x1400  }
0x26: {  	[sflag:s14] =	ssyncset.done $0x0  }
0x27: {  	s26 =	sadd.s32 s2, s26;
	[sflag:s14] =	ssyncadd.s32 $0xFFFFEC00  }
0x28: {  	[tilespmem:s15], [sflag:$0x5] =	stream.linear.gather [hbm4b:s26+s30], $0x1400, $0x38;
	[tilespmem:$0x1E800] =	vst v63  }
0x29: {  	_ =	swait.ge [sflag:s14], $0x1400  }
0x2a: {  	[sflag:s14] =	ssyncset.done $0x0  }
0x2b: {  	[sflag:s14] =	ssyncadd.s32 $0xFFFFEC00  }
0x2c: {  	[tilespmem:s17], [sflag:$0x1] =	stream.indirect.gather [hbm4b:s10+s16], $0x80, s30, s16, $0xb8;
	[tilespmem:$0x1E800] =	vst v63  }
0x2d: {  	_ =	swait.ge [sflag:s18], $0x4000  }
0x2e: {  	[sflag:s18] =	ssyncset.done $0x0  }
0x2f: {  	s31 =	simm.s32 $0x1400;
	[sflag:s18] =	ssyncadd.s32 $0xFFFFC000  }
0x30: {  	[spmem:s3] =	stream.indirect.scatter.add.f32 [tilespmem:s17], [sflag:$0x3], $0x80, s31, s16, $0xb8;
	[tilespmem:$0x1E800] =	vst v63  }
0x31: {  	s29 =	simm.s32 $0x80  }
0x32: {  	[tilespmem:s19], [sflag:$0x2] =	stream.indirect.gather [hbm4b:s10+s16], $0x80, s29, s16, $0xb8;
	[tilespmem:$0x1E800] =	vst v63  }
0x33: {  	_ =	swait.ge [sflag:s20], $0x4000  }
0x34: {  	[sflag:s20] =	ssyncset.done $0x0  }
0x35: {  	s30 =	simm.s32 $0x1480;
	[sflag:s20] =	ssyncadd.s32 $0xFFFFC000  }
0x36: {  	[spmem:s3] =	stream.indirect.scatter.add.f32 [tilespmem:s19], [sflag:$0x4], $0x80, s30, s16, $0xb8;
	[tilespmem:$0x1E800] =	vst v63  }
0x37: {  	_ =	swait.ge [sflag:s21], $0x4000  }
0x38: {  	[sflag:s21] =	ssyncset.done $0x0  }
0x39: {  	s31 =	simm.s32 $0x100;
	[sflag:s21] =	ssyncadd.s32 $0xFFFFC000  }
0x3a: {  	[tilespmem:s17], [sflag:$0x1] =	stream.indirect.gather [hbm4b:s10+s16], $0x80, s31, s16, $0xb8;
	[tilespmem:$0x1E800] =	vst v63  }
0x3b: {  	_ =	swait.ge [sflag:s22], $0x4000  }
0x3c: {  	s26 =	simm.s32 $0x400;
	[sflag:s22] =	ssyncset.done $0x0  }
.LBB2_6:
0x3d: {  	p1 =	sne.s32 s26, $0x4800  }
0x3e: {  	[sflag:s22] =	ssyncadd.s32 $0xFFFFC000;
	s29 =	smov.u32 s26;
	s26 =	sadd.s32 $0x400, s26  }
0x3f: {  	_ =	swait.ge [sflag:s18], $0x4000  }
0x40: {  	s29 =	sshra.s32 s29, $0x2;
	[sflag:s18] =	ssyncset.done $0x0  }
0x41: {  	s30 =	sadd.s32 $0x1400, s29;
	[sflag:s18] =	ssyncadd.s32 $0xFFFFC000  }
0x42: {  	[spmem:s3] =	stream.indirect.scatter.add.f32 [tilespmem:s17], [sflag:$0x3], $0x80, s30, s16, $0xb8;
	[tilespmem:$0x1E800] =	vst v63  }
0x43: {  	s30 =	sadd.s32 $0x80, s29  }
0x44: {  	[tilespmem:s19], [sflag:$0x2] =	stream.indirect.gather [hbm4b:s10+s16], $0x80, s30, s16, $0xb8;
	[tilespmem:$0x1E800] =	vst v63  }
0x45: {  	_ =	swait.ge [sflag:s20], $0x4000  }
0x46: {  	[sflag:s20] =	ssyncset.done $0x0  }
0x47: {  	s30 =	sadd.s32 $0x1480, s29;
	[sflag:s20] =	ssyncadd.s32 $0xFFFFC000  }
0x48: {  	[spmem:s3] =	stream.indirect.scatter.add.f32 [tilespmem:s19], [sflag:$0x4], $0x80, s30, s16, $0xb8;
	[tilespmem:$0x1E800] =	vst v63  }
0x49: {  	_ =	swait.ge [sflag:s21], $0x4000  }
.Ltmp3:
0x4a: {  	[sflag:s21] =	ssyncset.done $0x0;
	(pc) =	sbr.rel @p1 .LBB2_6-.Ltmp3, $4  }
0x4b: {  	s29 =	sadd.s32 $0x100, s29;
	[sflag:s21] =	ssyncadd.s32 $0xFFFFC000  }
0x4c: {  	[tilespmem:s17], [sflag:$0x1] =	stream.indirect.gather [hbm4b:s10+s16], $0x80, s29, s16, $0xb8;
	[tilespmem:$0x1E800] =	vst v63  }
0x4d: {  	_ =	swait.ge [sflag:s22], $0x4000  }
0x4e: {  	[sflag:s22] =	ssyncset.done $0x0  }
0x4f: {  	[sflag:s22] =	ssyncadd.s32 $0xFFFFC000  }
0x50: {  	_ =	swait.ge [sflag:s18], $0x4000  }
0x51: {  	[sflag:s18] =	ssyncset.done $0x0  }
0x52: {  	[sflag:s18] =	ssyncadd.s32 $0xFFFFC000  }
0x53: {  	[spmem:s3] =	stream.indirect.scatter.add.f32 [tilespmem:s17], [sflag:$0x3], $0x80, s23, s16, $0xb8;
	[tilespmem:$0x1E800] =	vst v63  }
0x54: {  	_ = 	snop  }
0x55: {  	[tilespmem:s19], [sflag:$0x2] =	stream.indirect.gather [hbm4b:s10+s16], $0x80, s24, s16, $0xb8;
	[tilespmem:$0x1E800] =	vst v63  }
0x56: {  	_ =	swait.ge [sflag:s20], $0x4000  }
0x57: {  	[sflag:s20] =	ssyncset.done $0x0  }
0x58: {  	s28 =	sadd.s32 $0x1, s28;
	[sflag:s20] =	ssyncadd.s32 $0xFFFFC000  }
0x59: {  	[spmem:s3] =	stream.indirect.scatter.add.f32 [tilespmem:s19], [sflag:$0x4], $0x80, s25, s16, $0xb8;
	[tilespmem:$0x1E800] =	vst v63  }
0x5a: {  	p1 =	sne.s32 s28, $0x4;
	_ =	swait.ge [sflag:s21], $0x4000  }
.Ltmp4:
0x5b: {  	[sflag:s21] =	ssyncset.done $0x0;
	(pc) =	sbr.rel @p1 .LBB2_5-.Ltmp4, $4  }
.Ltmp5:
0x5c: {  	[sflag:s21] =	ssyncadd.s32 $0xFFFFC000;
	(pc) =	sbr.rel @!p1 .LBB2_8-.Ltmp5, $4  }
0x5d: {  	_ =	swait.ge [sflag:s22], $0x4000  }
0x5e: {  	[sflag:s22] =	ssyncset.done $0x0  }
0x5f: {  	[sflag:s22] =	ssyncadd.s32 $0xFFFFC000  }
0x60: {  	_ = 	snop  }
.LBB2_2:
0x61: {  	s28 =	smul.u32 $0x1400, s26;
	_ =	sdelay $0x1  }
0x62: {  	s28 =	sadd.s32 s9, s28  }
0x63: {  	s28 =	sshrl.u32 s28, $0x3  }
0x64: {  	s30 =	simm.s32 $0x0;
	s29 =	sadd.s32 s6, s28  }
0x65: {  	[tilespmem:s30], [sflag:$0x5] =	stream.linear.gather [hbm4b:s29+s30], $0x1400, $0x38;
	[tilespmem:$0x1E800] =	vst v63  }
0x66: {  	_ =	swait.ge [sflag:s14], $0x1400  }
0x67: {  	[sflag:s14] =	ssyncset.done $0x0  }
0x68: {  	s28 =	sadd.s32 s2, s28;
	[sflag:s14] =	ssyncadd.s32 $0xFFFFEC00  }
0x69: {  	[tilespmem:s15], [sflag:$0x5] =	stream.linear.gather [hbm4b:s28+s30], $0x1400, $0x38;
	[tilespmem:$0x1E800] =	vst v63  }
0x6a: {  	_ =	swait.ge [sflag:s14], $0x1400  }
0x6b: {  	[sflag:s14] =	ssyncset.done $0x0  }
0x6c: {  	[sflag:s14] =	ssyncadd.s32 $0xFFFFEC00  }
0x6d: {  	[tilespmem:s17], [sflag:$0x1] =	stream.indirect.gather [hbm4b:s5+s16], $0x80, s30, s16, $0xb8;
	[tilespmem:$0x1E800] =	vst v63  }
0x6e: {  	_ =	swait.ge [sflag:s18], $0x4000  }
0x6f: {  	[sflag:s18] =	ssyncset.done $0x0  }
0x70: {  	s28 =	simm.s32 $0x1400;
	[sflag:s18] =	ssyncadd.s32 $0xFFFFC000  }
0x71: {  	[spmem:s3] =	stream.indirect.scatter.add.f32 [tilespmem:s17], [sflag:$0x3], $0x80, s28, s16, $0xb8;
	[tilespmem:$0x1E800] =	vst v63  }
0x72: {  	s28 =	simm.s32 $0x80  }
0x73: {  	[tilespmem:s19], [sflag:$0x2] =	stream.indirect.gather [hbm4b:s5+s16], $0x80, s28, s16, $0xb8;
	[tilespmem:$0x1E800] =	vst v63  }
0x74: {  	_ =	swait.ge [sflag:s20], $0x4000  }
0x75: {  	[sflag:s20] =	ssyncset.done $0x0  }
0x76: {  	s28 =	simm.s32 $0x1480;
	[sflag:s20] =	ssyncadd.s32 $0xFFFFC000  }
0x77: {  	[spmem:s3] =	stream.indirect.scatter.add.f32 [tilespmem:s19], [sflag:$0x4], $0x80, s28, s16, $0xb8;
	[tilespmem:$0x1E800] =	vst v63  }
0x78: {  	_ =	swait.ge [sflag:s21], $0x4000  }
0x79: {  	[sflag:s21] =	ssyncset.done $0x0  }
0x7a: {  	s28 =	simm.s32 $0x100;
	[sflag:s21] =	ssyncadd.s32 $0xFFFFC000  }
0x7b: {  	[tilespmem:s17], [sflag:$0x1] =	stream.indirect.gather [hbm4b:s5+s16], $0x80, s28, s16, $0xb8;
	[tilespmem:$0x1E800] =	vst v63  }
0x7c: {  	_ =	swait.ge [sflag:s22], $0x4000  }
0x7d: {  	s28 =	simm.s32 $0x400;
	[sflag:s22] =	ssyncset.done $0x0  }
.LBB2_3:
0x7e: {  	p1 =	sne.s32 s28, $0x4800  }
0x7f: {  	[sflag:s22] =	ssyncadd.s32 $0xFFFFC000;
	s29 =	smov.u32 s28;
	s28 =	sadd.s32 $0x400, s28  }
0x80: {  	_ =	swait.ge [sflag:s18], $0x4000  }
0x81: {  	s29 =	sshra.s32 s29, $0x2;
	[sflag:s18] =	ssyncset.done $0x0  }
0x82: {  	s30 =	sadd.s32 $0x1400, s29;
	[sflag:s18] =	ssyncadd.s32 $0xFFFFC000  }
0x83: {  	[spmem:s3] =	stream.indirect.scatter.add.f32 [tilespmem:s17], [sflag:$0x3], $0x80, s30, s16, $0xb8;
	[tilespmem:$0x1E800] =	vst v63  }
0x84: {  	s30 =	sadd.s32 $0x80, s29  }
0x85: {  	[tilespmem:s19], [sflag:$0x2] =	stream.indirect.gather [hbm4b:s5+s16], $0x80, s30, s16, $0xb8;
	[tilespmem:$0x1E800] =	vst v63  }
0x86: {  	_ =	swait.ge [sflag:s20], $0x4000  }
0x87: {  	[sflag:s20] =	ssyncset.done $0x0  }
0x88: {  	s30 =	sadd.s32 $0x1480, s29;
	[sflag:s20] =	ssyncadd.s32 $0xFFFFC000  }
0x89: {  	[spmem:s3] =	stream.indirect.scatter.add.f32 [tilespmem:s19], [sflag:$0x4], $0x80, s30, s16, $0xb8;
	[tilespmem:$0x1E800] =	vst v63  }
0x8a: {  	_ =	swait.ge [sflag:s21], $0x4000  }
.Ltmp6:
0x8b: {  	[sflag:s21] =	ssyncset.done $0x0;
	(pc) =	sbr.rel @p1 .LBB2_3-.Ltmp6, $4  }
0x8c: {  	s29 =	sadd.s32 $0x100, s29;
	[sflag:s21] =	ssyncadd.s32 $0xFFFFC000  }
0x8d: {  	[tilespmem:s17], [sflag:$0x1] =	stream.indirect.gather [hbm4b:s5+s16], $0x80, s29, s16, $0xb8;
	[tilespmem:$0x1E800] =	vst v63  }
0x8e: {  	_ =	swait.ge [sflag:s22], $0x4000  }
0x8f: {  	[sflag:s22] =	ssyncset.done $0x0  }
0x90: {  	[sflag:s22] =	ssyncadd.s32 $0xFFFFC000  }
0x91: {  	_ =	swait.ge [sflag:s18], $0x4000  }
0x92: {  	[sflag:s18] =	ssyncset.done $0x0  }
0x93: {  	[sflag:s18] =	ssyncadd.s32 $0xFFFFC000  }
0x94: {  	[spmem:s3] =	stream.indirect.scatter.add.f32 [tilespmem:s17], [sflag:$0x3], $0x80, s23, s16, $0xb8;
	[tilespmem:$0x1E800] =	vst v63  }
0x95: {  	_ = 	snop  }
0x96: {  	[tilespmem:s19], [sflag:$0x2] =	stream.indirect.gather [hbm4b:s5+s16], $0x80, s24, s16, $0xb8;
	[tilespmem:$0x1E800] =	vst v63  }
0x97: {  	_ =	swait.ge [sflag:s20], $0x4000  }
0x98: {  	[sflag:s20] =	ssyncset.done $0x0  }
0x99: {  	s26 =	sadd.s32 $0x1, s26;
	[sflag:s20] =	ssyncadd.s32 $0xFFFFC000  }
0x9a: {  	[spmem:s3] =	stream.indirect.scatter.add.f32 [tilespmem:s19], [sflag:$0x4], $0x80, s25, s16, $0xb8;
	[tilespmem:$0x1E800] =	vst v63  }
0x9b: {  	p1 =	seq.s32 s26, $0x4;
	_ =	swait.ge [sflag:s21], $0x4000  }
.Ltmp7:
0x9c: {  	[sflag:s21] =	ssyncset.done $0x0;
	(pc) =	sbr.rel @!p1 .LBB2_2-.Ltmp7, $4  }
.Ltmp8:
0x9d: {  	[sflag:s21] =	ssyncadd.s32 $0xFFFFC000;
	(pc) =	sbr.rel @p1 .LBB2_8-.Ltmp8, $4  }
0x9e: {  	_ =	swait.ge [sflag:s22], $0x4000  }
0x9f: {  	[sflag:s22] =	ssyncset.done $0x0  }
0xa0: {  	[sflag:s22] =	ssyncadd.s32 $0xFFFFC000  }
0xa1: {  	_ = 	snop  }
.LBB2_9:
0xa2: {  	_ =	sfence.sel $0x180000  }
0xa3: {  	[bflag:$0x0] =	sbarrier.arrive $0xFFFF  }
0xa4: {  	p0 =	sne.s32 s1, $0x0;
	_ =	strace $0x90000053  }
0xa5: {  	s0 =	sadd.s32 @!p0 $0x100000, s0;
	[bflag:$0x2] =	sbarrier.arrive $0xFFFF  }
0xa6: {  	[sflag:s0] =	ssyncadd.tile.s32 @!p0 $0x1;
	_ =	shalt  }
.Lfunc_end2:
_tile_overlayer_lowered:
.L_overlay_start_2:
0xa7: {  	(tag) =	ssettag $0x2  }
0xa8: {  	s0 =	rddreg [dreg:$0x0];
	s2 =	stileid.u32  }
0xa9: {  	s1 =	rddreg [dreg:$0x1];
	p0 =	sne.s32 s2, $0x0  }
0xaa: {  	s3 =	rddreg [dreg:$0x2];
	[bflag:$0x3] =	sbarrier.arrive $0xFFFF;
	s2 =	simm.s32 @!p0 $0x1C05  }
0xab: {  	[timem:s3], [sflag:s2] =	dma.local @!p0 [hbm:s0], s1  }
0xac: {  	s0 =	simm.s32 @!p0 $0x5  }
0xad: {  	_ =	swait.ge @!p0 [sflag:s0], s1  }
0xae: {  	s1 =	ssub.s32 @!p0 $0x0, s1;
	[sflag:s0] =	ssyncset.done @!p0 $0x0  }
0xaf: {  	[sflag:s0] =	ssyncadd.s32 @!p0 s1  }
0xb0: {  	[bflag:$0x3] =	sbarrier.arrive $0xFFFF  }
0xb1: {  	_ =	shalt  }

</sc_bundles>
